<compile_context>
chip_gen: v7x
topology: tpu7x:2x2x1
jax: 0.10.2.dev20260603
libtpu: 0.0.44.dev20260713+nightly
codegen_flags: <defaults>
</compile_context>

<pallas_src>
import jax
import jax.numpy as jnp
from jax import lax
from jax.experimental import pallas as pl
from jax.experimental.pallas import tpu as pltpu
from jax.experimental.pallas import tpu_sc as plsc

B = 112
ROIS = 90
RP = 96
DEG = 32
EPG = ROIS * DEG
H0, H1, H3 = 128, 256, 256
D2, D3, C = 64, 16, 2
NW = 32
AW = RP * RP


def _sc_adj_body(src_hbm, dst_hbm, w_hbm, out_hbm, a_v, src_v, dst_v, w_v,
                 sem_s, sem_d, sem_w):
    wid = lax.axis_index("s") * 2 + lax.axis_index("c")
    zeros16 = jnp.zeros((16,), jnp.float32)
    for t in range(4):
        g = t * NW + wid

        @pl.when(g < B)
        def _():
            eoff = g * EPG
            cp_s = pltpu.async_copy(src_hbm.at[pl.ds(eoff, EPG)], src_v, sem_s)
            cp_d = pltpu.async_copy(dst_hbm.at[pl.ds(eoff, EPG)], dst_v, sem_d)
            cp_w = pltpu.async_copy(w_hbm.at[pl.ds(eoff, EPG)], w_v, sem_w)

            def zero_body(i, _):
                b0 = i * 256
                for k in range(16):
                    a_v[pl.ds(b0 + k * 16, 16)] = zeros16
                return 0

            lax.fori_loop(0, AW // 256, zero_body, 0)
            cp_s.wait()
            cp_d.wait()
            cp_w.wait()

            base97 = g * ROIS * (RP + 1)

            def edge_body(i, _):
                b0 = i * 64
                for k in range(4):
                    off = b0 + k * 16
                    s16 = src_v[pl.ds(off, 16)]
                    d16 = dst_v[pl.ds(off, 16)]
                    w16 = w_v[pl.ds(off, 16)]
                    idx = d16 * RP + s16 - base97
                    plsc.addupdate_scatter(a_v, [idx], w16)
                return 0

            lax.fori_loop(0, EPG // 64, edge_body, 0)

            pltpu.sync_copy(a_v, out_hbm.at[g])


def _build_adjacency(src, dst, w):
    mesh = plsc.VectorSubcoreMesh(core_axis_name="c", subcore_axis_name="s")
    kern = pl.kernel(
        _sc_adj_body,
        out_type=jax.ShapeDtypeStruct((B, AW), jnp.float32),
        mesh=mesh,
        compiler_params=pltpu.CompilerParams(needs_layout_passes=False),
        scratch_types=[
            pltpu.VMEM((AW,), jnp.float32),
            pltpu.VMEM((EPG,), jnp.int32),
            pltpu.VMEM((EPG,), jnp.int32),
            pltpu.VMEM((EPG,), jnp.float32),
            pltpu.SemaphoreType.DMA,
            pltpu.SemaphoreType.DMA,
            pltpu.SemaphoreType.DMA,
        ],
    )
    return kern(src, dst, w)


GB = 16


def _xw1_body(x_ref, w1_ref, xw1_ref):
    xg = x_ref[...].astype(jnp.bfloat16)
    xw1_ref[...] = jnp.dot(
        xg, w1_ref[...],
        preferred_element_type=jnp.float32).astype(jnp.bfloat16)


def _xw1(x2, W1):
    n = B * ROIS
    return pl.pallas_call(
        _xw1_body,
        grid=(4,),
        in_specs=[
            pl.BlockSpec((n // 4, H0), lambda i: (i, 0)),
            pl.BlockSpec((H0, H1), lambda i: (0, 0)),
        ],
        out_specs=pl.BlockSpec((n // 4, H1), lambda i: (i, 0)),
        out_shape=jax.ShapeDtypeStruct((n, H1), jnp.bfloat16),
    )(x2, W1.astype(jnp.bfloat16))


def _conv_body(a_ref, xw1_ref, b1_ref, w3_ref, b3_ref, h1_ref, h3_ref):
    r_i = lax.broadcasted_iota(jnp.int32, (ROIS, ROIS), 0)
    c_i = lax.broadcasted_iota(jnp.int32, (ROIS, ROIS), 1)
    eye = jnp.where(r_i == c_i, 1.0, 0.0)

    bf = jnp.bfloat16
    xw1 = xw1_ref[...]

    ans, dinvs, h1s = [], [], []
    for j in range(GB):
        A = a_ref[j, :ROIS, :ROIS]
        deg = jnp.sum(A, axis=1, keepdims=True) + 1.0
        dinv = jnp.where(deg > 0, lax.rsqrt(deg), 0.0)
        An = (A + eye).astype(bf)
        u = (dinv * xw1[j * ROIS:(j + 1) * ROIS]).astype(bf)
        h1 = jax.nn.relu(
            dinv * jnp.dot(An, u, preferred_element_type=jnp.float32)
            + b1_ref[...]).astype(bf)
        h1_ref[:, j, :] = h1
        ans.append(An)
        dinvs.append(dinv)
        h1s.append(h1)

    xw2 = jnp.dot(jnp.concatenate(h1s, axis=0), w3_ref[...],
                  preferred_element_type=jnp.float32)
    for j in range(GB):
        u = (dinvs[j] * xw2[j * ROIS:(j + 1) * ROIS]).astype(bf)
        h3 = jax.nn.relu(
            dinvs[j] * jnp.dot(ans[j], u, preferred_element_type=jnp.float32)
            + b3_ref[...]).astype(bf)
        h3_ref[:, j, :] = h3


def _gcn_layers(A, xw1, b1, W3, b3):
    h_shape = jax.ShapeDtypeStruct((ROIS, B, H1), jnp.bfloat16)
    return pl.pallas_call(
        _conv_body,
        grid=(B // GB,),
        in_specs=[
            pl.BlockSpec((GB, RP, RP), lambda g: (g, 0, 0)),
            pl.BlockSpec((GB * ROIS, H1), lambda g: (g, 0)),
            pl.BlockSpec((1, H1), lambda g: (0, 0)),
            pl.BlockSpec((H1, H3), lambda g: (0, 0)),
            pl.BlockSpec((1, H3), lambda g: (0, 0)),
        ],
        out_specs=[
            pl.BlockSpec((ROIS, GB, H1), lambda g: (0, g, 0)),
            pl.BlockSpec((ROIS, GB, H3), lambda g: (0, g, 0)),
        ],
        out_shape=[h_shape, h_shape],
    )(A, xw1, b1.reshape(1, -1), W3.astype(jnp.bfloat16), b3.reshape(1, -1))


RC = 18


def _head_body(h1_ref, h3_ref, wt_ref, wb_ref, fc1b_ref, fc2w_ref, fc2b_ref,
               fc3w_ref, fc3b_ref, g1_ref, bb1_ref, g2_ref, bb2_ref,
               out_ref, acc):
    r = pl.program_id(0)

    @pl.when(r == 0)
    def _():
        acc[...] = jnp.zeros_like(acc)

    bf = jnp.bfloat16
    wtb = wt_ref[...].astype(bf)
    wbb = wb_ref[...].astype(bf)
    part = jnp.zeros((B, D2), jnp.float32)
    for j in range(RC):
        h1r = h1_ref[j]
        h3r = h3_ref[j]
        part += (jnp.dot(h1r, wtb[j], preferred_element_type=jnp.float32)
                 + jnp.dot(h3r, wbb[j], preferred_element_type=jnp.float32))
    acc[...] += part

    @pl.when(r == ROIS // RC - 1)
    def _():
        y = jax.nn.relu(acc[...] + fc1b_ref[...])
        mu = jnp.mean(y, axis=0, keepdims=True)
        var = jnp.mean((y - mu) ** 2, axis=0, keepdims=True)
        y = g1_ref[...] * (y - mu) / jnp.sqrt(var + 1e-5) + bb1_ref[...]
        y = jax.nn.relu(
            jnp.dot(y, fc2w_ref[...], preferred_element_type=jnp.float32)
            + fc2b_ref[...])
        mu2 = jnp.mean(y, axis=0, keepdims=True)
        var2 = jnp.mean((y - mu2) ** 2, axis=0, keepdims=True)
        y = g2_ref[...] * (y - mu2) / jnp.sqrt(var2 + 1e-5) + bb2_ref[...]
        z = (jnp.dot(y, fc3w_ref[...], preferred_element_type=jnp.float32)
             + fc3b_ref[...])
        m = jnp.max(z, axis=1, keepdims=True)
        lse = m + jnp.log(jnp.sum(jnp.exp(z - m), axis=1, keepdims=True))
        out_ref[...] = z - lse


def _fc_head(h1, h3, wt, wb, fc1b, fc2W, fc2b, fc3W, fc3b,
             bn1g, bn1b, bn2g, bn2b):
    return pl.pallas_call(
        _head_body,
        grid=(ROIS // RC,),
        in_specs=[
            pl.BlockSpec((RC, B, H1), lambda r: (r, 0, 0)),
            pl.BlockSpec((RC, B, H3), lambda r: (r, 0, 0)),
            pl.BlockSpec((RC, H1, D2), lambda r: (r, 0, 0)),
            pl.BlockSpec((RC, H3, D2), lambda r: (r + ROIS // RC, 0, 0)),
            pl.BlockSpec((1, D2), lambda r: (0, 0)),
            pl.BlockSpec((D2, D3), lambda r: (0, 0)),
            pl.BlockSpec((1, D3), lambda r: (0, 0)),
            pl.BlockSpec((D3, C), lambda r: (0, 0)),
            pl.BlockSpec((1, C), lambda r: (0, 0)),
            pl.BlockSpec((1, D2), lambda r: (0, 0)),
            pl.BlockSpec((1, D2), lambda r: (0, 0)),
            pl.BlockSpec((1, D3), lambda r: (0, 0)),
            pl.BlockSpec((1, D3), lambda r: (0, 0)),
        ],
        out_specs=pl.BlockSpec((B, C), lambda r: (0, 0)),
        out_shape=jax.ShapeDtypeStruct((B, C), jnp.float32),
        scratch_shapes=[pltpu.VMEM((B, D2), jnp.float32)],
    )(h1, h3, wt, wb, fc1b.reshape(1, -1), fc2W, fc2b.reshape(1, -1),
      fc3W, fc3b.reshape(1, -1), bn1g.reshape(1, -1), bn1b.reshape(1, -1),
      bn2g.reshape(1, -1), bn2b.reshape(1, -1))


def kernel(x, edge_index, edge_weight, batch, W1, b1, W3, b3,
           fc1W, fc1b, fc2W, fc2b, fc3W, fc3b, bn1g, bn1b, bn2g, bn2b):
    src = edge_index[0]
    dst = edge_index[1]
    xw1 = _xw1(x, W1)
    adj = _build_adjacency(src, dst, edge_weight)
    A = adj.reshape(B, RP, RP)
    h1, h3 = _gcn_layers(A, xw1, b1, W3, b3)
    fc1w3 = fc1W.reshape(2 * ROIS, H1, D2)
    return _fc_head(h1, h3, fc1w3, fc1w3, fc1b, fc2W, fc2b, fc3W, fc3b,
                    bn1g, bn1b, bn2g, bn2b)

# --- scband reference (transcript-rebuilt; emitter-appended) ---
"""Pipeline reference for scband-sgcn-ori-75007308858117 (READ-ONLY COPY).

The authoritative reference and input builder live on the scoring server;
editing this copy changes nothing except your own understanding.
"""

import jax, jax.numpy as jnp
import numpy as np

B = 112
ROIS = 90
N = B * ROIS
DEG = 32
E = N * DEG
H0, H1, H2, H3 = 128, 256, 256, 256
D1 = ROIS * H3 + ROIS * H2
D2, D3, C = 64, 16, 2


def gcn_conv(x, edge_index, edge_weight, W, b):
    n = x.shape[0]
    loop = jnp.arange(n, dtype=edge_index.dtype)
    row = jnp.concatenate([edge_index[0], loop])
    col = jnp.concatenate([edge_index[1], loop])
    w = jnp.concatenate([edge_weight, jnp.ones((n,), edge_weight.dtype)])
    deg = jnp.zeros((n,), x.dtype).at[col].add(w)
    dinv = jnp.where(deg > 0, jax.lax.rsqrt(deg), 0.0)
    norm = dinv[row] * w * dinv[col]
    xw = x @ W
    out = jnp.zeros((n, W.shape[1]), x.dtype).at[col].add(norm[:, None] * xw[row])
    return out + b


def batch_norm(x, g, bta):
    mu = x.mean(0)
    var = x.var(0)
    return g * (x - mu) / jnp.sqrt(var + 1e-5) + bta


def setup_inputs(seed: int = 0):
    key = jax.random.key(seed)
    ks = jax.random.split(key, 12)
    x = jax.random.normal(ks[0], (N, H0), jnp.float32)
    epg = DEG * ROIS
    off = jnp.repeat(jnp.arange(B, dtype=jnp.int32) * ROIS, epg)
    src = jax.random.randint(ks[1], (E,), 0, ROIS, jnp.int32) + off
    dst = jax.random.randint(ks[2], (E,), 0, ROIS, jnp.int32) + off
    edge_index = jnp.stack([src, dst])
    edge_weight = jax.random.uniform(ks[3], (E,), jnp.float32)
    batch = jnp.repeat(jnp.arange(B, dtype=jnp.int32), ROIS)

    def lin(k, fi, fo):
        lim = 1.0 / np.sqrt(fi)
        kw, kb = jax.random.split(k)
        return (jax.random.uniform(kw, (fi, fo), jnp.float32, -lim, lim),
                jax.random.uniform(kb, (fo,), jnp.float32, -lim, lim))

    W1, b1 = lin(ks[4], H0, H1)
    W3, b3 = lin(ks[5], H1, H3)
    fc1W, fc1b = lin(ks[6], D1, D2)
    fc2W, fc2b = lin(ks[7], D2, D3)
    fc3W, fc3b = lin(ks[8], D3, C)
    return {"x": x, "edge_index": edge_index, "edge_weight": edge_weight, "batch": batch,
            "W1": W1, "b1": b1, "W3": W3, "b3": b3,
            "fc1W": fc1W, "fc1b": fc1b, "fc2W": fc2W, "fc2b": fc2b,
            "fc3W": fc3W, "fc3b": fc3b,
            "bn1g": jnp.ones((D2,), jnp.float32), "bn1b": jnp.zeros((D2,), jnp.float32),
            "bn2g": jnp.ones((D3,), jnp.float32), "bn2b": jnp.zeros((D3,), jnp.float32)}


def reference(x, edge_index, edge_weight, batch, W1, b1, W3, b3, fc1W, fc1b, fc2W, fc2b, fc3W, fc3b, bn1g, bn1b, bn2g, bn2b):
    # isExplain=False path: h0_prob = x, edge_weight_prob = edge_weight
    h1 = jax.nn.relu(gcn_conv(x, edge_index, edge_weight, W1, b1))
    h3 = jax.nn.relu(gcn_conv(h1, edge_index, edge_weight, W3, b3))
    # to_dense_batch: batch is sorted with exactly ROIS nodes per graph -> pure reshape
    z1 = h1.reshape(B, ROIS * H1)
    z2 = h3.reshape(B, ROIS * H3)
    z = jnp.concatenate([z1, z2], axis=1)
    y = batch_norm(jax.nn.relu(z @ fc1W + fc1b), bn1g, bn1b)
    y = batch_norm(jax.nn.relu(y @ fc2W + fc2b), bn2g, bn2b)
    return jax.nn.log_softmax(y @ fc3W + fc3b, axis=-1)

if __name__ == "__main__":
    import jax
    _d = setup_inputs()
    print(jax.jit(kernel)(*tuple(_d.values())))

</pallas_src>

<mosaic_0001>
#map = affine_map<(d0, d1) -> (0)>
#map1 = affine_map<(d0, d1) -> (0, 0)>
module attributes {stable_mosaic.version = 14 : i64} {
  func.func @_sc_adj_body(%arg0: i32, %arg1: i32, %arg2: memref<322560xi32, #tpu.memory_space<hbm>>, %arg3: memref<322560xi32, #tpu.memory_space<hbm>>, %arg4: memref<322560xf32, #tpu.memory_space<hbm>>, %arg5: memref<112x9216xf32, #tpu.memory_space<hbm>>, %arg6: memref<9216xf32, #tpu.memory_space<vmem>>, %arg7: memref<2880xi32, #tpu.memory_space<vmem>>, %arg8: memref<2880xi32, #tpu.memory_space<vmem>>, %arg9: memref<2880xf32, #tpu.memory_space<vmem>>, %arg10: memref<!tpu.dma_semaphore, #tpu.memory_space<semaphore_mem>>, %arg11: memref<!tpu.dma_semaphore, #tpu.memory_space<semaphore_mem>>, %arg12: memref<!tpu.dma_semaphore, #tpu.memory_space<semaphore_mem>>) attributes {dimension_semantics = [#tpu.dimension_semantics<core_parallel>, #tpu.dimension_semantics<subcore_parallel>], iteration_bounds = array<i64: 2, 16>, scalar_prefetch = 0 : i64, scratch_operands = 7 : i64, tpu.core_type = #tpu.core_type<sc_vector_subcore>, window_params = [{transform_indices = #map}, {transform_indices = #map}, {transform_indices = #map}, {transform_indices = #map1}]} {
    %mul3A = arith.constant 2 : i32
    %mul3A_0 = arith.muli %arg1, %mul3A : i32
    %add3A = arith.addi %mul3A_0, %arg0 : i32
    %broadcast_in_dim3A = arith.constant 0.000000e+00 : f32
    %broadcast_in_dim3A_1 = vector.broadcast %broadcast_in_dim3A : f32 to vector<16xf32>
    %add3A_2 = arith.constant 0 : i32
    %add3A_3 = arith.addi %add3A_2, %add3A : i32
    %lt3A = arith.constant 112 : i32
    %lt3A_4 = arith.cmpi slt, %add3A_3, %lt3A : i32
    %convert_element_type3A = arith.extui %lt3A_4 : i1 to i32
    %cond3A = arith.constant 0 : i32
    %cond3A_5 = arith.cmpi ne, %convert_element_type3A, %cond3A : i32
    scf.if %cond3A_5 {
      %mul3A_27 = arith.constant 2880 : i32
      %mul3A_28 = arith.muli %add3A_3, %mul3A_27 : i32
      %dma_start3A = tpu.memref_slice %arg2[%mul3A_28] : memref<322560xi32, #tpu.memory_space<hbm>> -> memref<2880xi32, #tpu.memory_space<hbm>>
      %dma_start3A_29 = tpu.memref_slice %arg2[%mul3A_28] : memref<322560xi32, #tpu.memory_space<hbm>> -> memref<2880xi32, #tpu.memory_space<hbm>>
      tpu.enqueue_dma source(%dma_start3A_29 : memref<2880xi32, #tpu.memory_space<hbm>>) target(%arg7 : memref<2880xi32, #tpu.memory_space<vmem>>) target_semaphore(%arg10 : memref<!tpu.dma_semaphore, #tpu.memory_space<semaphore_mem>>)
      %dma_start3A_30 = tpu.memref_slice %arg3[%mul3A_28] : memref<322560xi32, #tpu.memory_space<hbm>> -> memref<2880xi32, #tpu.memory_space<hbm>>
      %dma_start3A_31 = tpu.memref_slice %arg3[%mul3A_28] : memref<322560xi32, #tpu.memory_space<hbm>> -> memref<2880xi32, #tpu.memory_space<hbm>>
      tpu.enqueue_dma source(%dma_start3A_31 : memref<2880xi32, #tpu.memory_space<hbm>>) target(%arg8 : memref<2880xi32, #tpu.memory_space<vmem>>) target_semaphore(%arg11 : memref<!tpu.dma_semaphore, #tpu.memory_space<semaphore_mem>>)
      %dma_start3A_32 = tpu.memref_slice %arg4[%mul3A_28] : memref<322560xf32, #tpu.memory_space<hbm>> -> memref<2880xf32, #tpu.memory_space<hbm>>
      %dma_start3A_33 = tpu.memref_slice %arg4[%mul3A_28] : memref<322560xf32, #tpu.memory_space<hbm>> -> memref<2880xf32, #tpu.memory_space<hbm>>
      tpu.enqueue_dma source(%dma_start3A_33 : memref<2880xf32, #tpu.memory_space<hbm>>) target(%arg9 : memref<2880xf32, #tpu.memory_space<vmem>>) target_semaphore(%arg12 : memref<!tpu.dma_semaphore, #tpu.memory_space<semaphore_mem>>)
      %scan3A = arith.constant 0 : i32
      %scan3A_34 = arith.constant 0 : i32
      %scan3A_35 = arith.constant 36 : i32
      %scan3A_36 = arith.addi %scan3A_34, %scan3A_35 : i32
      %scan3A_37 = arith.constant 1 : i32
      %scan3A_38 = scf.for %scan3A_56 = %scan3A_34 to %scan3A_36 step %scan3A_37 iter_args(%scan3A_57 = %scan3A) -> (i32)  : i32 {
        %mul3A_58 = arith.constant 256 : i32
        %mul3A_59 = arith.muli %scan3A_56, %mul3A_58 : i32
        %add3A_60 = arith.constant 0 : i32
        %add3A_61 = arith.addi %mul3A_59, %add3A_60 : i32
        %swap3A = arith.index_cast %add3A_61 : i32 to index
        %swap3A_62 = tpu.vector_load %arg6[%swap3A] {strides = array<i32>} : memref<9216xf32, #tpu.memory_space<vmem>>, vector<16xf32>,
        tpu.vector_store %arg6[%swap3A], %broadcast_in_dim3A_1 {strides = array<i32>} : memref<9216xf32, #tpu.memory_space<vmem>>, vector<16xf32>,
        %add3A_63 = arith.constant 16 : i32
        %add3A_64 = arith.addi %mul3A_59, %add3A_63 : i32
        %swap3A_65 = arith.index_cast %add3A_64 : i32 to index
        %swap3A_66 = tpu.vector_load %arg6[%swap3A_65] {strides = array<i32>} : memref<9216xf32, #tpu.memory_space<vmem>>, vector<16xf32>,
        tpu.vector_store %arg6[%swap3A_65], %broadcast_in_dim3A_1 {strides = array<i32>} : memref<9216xf32, #tpu.memory_space<vmem>>, vector<16xf32>,
        %add3A_67 = arith.constant 32 : i32
        %add3A_68 = arith.addi %mul3A_59, %add3A_67 : i32
        %swap3A_69 = arith.index_cast %add3A_68 : i32 to index
        %swap3A_70 = tpu.vector_load %arg6[%swap3A_69] {strides = array<i32>} : memref<9216xf32, #tpu.memory_space<vmem>>, vector<16xf32>,
        tpu.vector_store %arg6[%swap3A_69], %broadcast_in_dim3A_1 {strides = array<i32>} : memref<9216xf32, #tpu.memory_space<vmem>>, vector<16xf32>,
        %add3A_71 = arith.constant 48 : i32
        %add3A_72 = arith.addi %mul3A_59, %add3A_71 : i32
        %swap3A_73 = arith.index_cast %add3A_72 : i32 to index
        %swap3A_74 = tpu.vector_load %arg6[%swap3A_73] {strides = array<i32>} : memref<9216xf32, #tpu.memory_space<vmem>>, vector<16xf32>,
        tpu.vector_store %arg6[%swap3A_73], %broadcast_in_dim3A_1 {strides = array<i32>} : memref<9216xf32, #tpu.memory_space<vmem>>, vector<16xf32>,
        %add3A_75 = arith.constant 64 : i32
        %add3A_76 = arith.addi %mul3A_59, %add3A_75 : i32
        %swap3A_77 = arith.index_cast %add3A_76 : i32 to index
        %swap3A_78 = tpu.vector_load %arg6[%swap3A_77] {strides = array<i32>} : memref<9216xf32, #tpu.memory_space<vmem>>, vector<16xf32>,
        tpu.vector_store %arg6[%swap3A_77], %broadcast_in_dim3A_1 {strides = array<i32>} : memref<9216xf32, #tpu.memory_space<vmem>>, vector<16xf32>,
        %add3A_79 = arith.constant 80 : i32
        %add3A_80 = arith.addi %mul3A_59, %add3A_79 : i32
        %swap3A_81 = arith.index_cast %add3A_80 : i32 to index
        %swap3A_82 = tpu.vector_load %arg6[%swap3A_81] {strides = array<i32>} : memref<9216xf32, #tpu.memory_space<vmem>>, vector<16xf32>,
        tpu.vector_store %arg6[%swap3A_81], %broadcast_in_dim3A_1 {strides = array<i32>} : memref<9216xf32, #tpu.memory_space<vmem>>, vector<16xf32>,
        %add3A_83 = arith.constant 96 : i32
        %add3A_84 = arith.addi %mul3A_59, %add3A_83 : i32
        %swap3A_85 = arith.index_cast %add3A_84 : i32 to index
        %swap3A_86 = tpu.vector_load %arg6[%swap3A_85] {strides = array<i32>} : memref<9216xf32, #tpu.memory_space<vmem>>, vector<16xf32>,
        tpu.vector_store %arg6[%swap3A_85], %broadcast_in_dim3A_1 {strides = array<i32>} : memref<9216xf32, #tpu.memory_space<vmem>>, vector<16xf32>,
        %add3A_87 = arith.constant 112 : i32
        %add3A_88 = arith.addi %mul3A_59, %add3A_87 : i32
        %swap3A_89 = arith.index_cast %add3A_88 : i32 to index
        %swap3A_90 = tpu.vector_load %arg6[%swap3A_89] {strides = array<i32>} : memref<9216xf32, #tpu.memory_space<vmem>>, vector<16xf32>,
        tpu.vector_store %arg6[%swap3A_89], %broadcast_in_dim3A_1 {strides = array<i32>} : memref<9216xf32, #tpu.memory_space<vmem>>, vector<16xf32>,
        %add3A_91 = arith.constant 128 : i32
        %add3A_92 = arith.addi %mul3A_59, %add3A_91 : i32
        %swap3A_93 = arith.index_cast %add3A_92 : i32 to index
        %swap3A_94 = tpu.vector_load %arg6[%swap3A_93] {strides = array<i32>} : memref<9216xf32, #tpu.memory_space<vmem>>, vector<16xf32>,
        tpu.vector_store %arg6[%swap3A_93], %broadcast_in_dim3A_1 {strides = array<i32>} : memref<9216xf32, #tpu.memory_space<vmem>>, vector<16xf32>,
        %add3A_95 = arith.constant 144 : i32
        %add3A_96 = arith.addi %mul3A_59, %add3A_95 : i32
        %swap3A_97 = arith.index_cast %add3A_96 : i32 to index
        %swap3A_98 = tpu.vector_load %arg6[%swap3A_97] {strides = array<i32>} : memref<9216xf32, #tpu.memory_space<vmem>>, vector<16xf32>,
        tpu.vector_store %arg6[%swap3A_97], %broadcast_in_dim3A_1 {strides = array<i32>} : memref<9216xf32, #tpu.memory_space<vmem>>, vector<16xf32>,
        %add3A_99 = arith.constant 160 : i32
        %add3A_100 = arith.addi %mul3A_59, %add3A_99 : i32
        %swap3A_101 = arith.index_cast %add3A_100 : i32 to index
        %swap3A_102 = tpu.vector_load %arg6[%swap3A_101] {strides = array<i32>} : memref<9216xf32, #tpu.memory_space<vmem>>, vector<16xf32>,
        tpu.vector_store %arg6[%swap3A_101], %broadcast_in_dim3A_1 {strides = array<i32>} : memref<9216xf32, #tpu.memory_space<vmem>>, vector<16xf32>,
        %add3A_103 = arith.constant 176 : i32
        %add3A_104 = arith.addi %mul3A_59, %add3A_103 : i32
        %swap3A_105 = arith.index_cast %add3A_104 : i32 to index
        %swap3A_106 = tpu.vector_load %arg6[%swap3A_105] {strides = array<i32>} : memref<9216xf32, #tpu.memory_space<vmem>>, vector<16xf32>,
        tpu.vector_store %arg6[%swap3A_105], %broadcast_in_dim3A_1 {strides = array<i32>} : memref<9216xf32, #tpu.memory_space<vmem>>, vector<16xf32>,
        %add3A_107 = arith.constant 192 : i32
        %add3A_108 = arith.addi %mul3A_59, %add3A_107 : i32
        %swap3A_109 = arith.index_cast %add3A_108 : i32 to index
        %swap3A_110 = tpu.vector_load %arg6[%swap3A_109] {strides = array<i32>} : memref<9216xf32, #tpu.memory_space<vmem>>, vector<16xf32>,
        tpu.vector_store %arg6[%swap3A_109], %broadcast_in_dim3A_1 {strides = array<i32>} : memref<9216xf32, #tpu.memory_space<vmem>>, vector<16xf32>,
        %add3A_111 = arith.constant 208 : i32
        %add3A_112 = arith.addi %mul3A_59, %add3A_111 : i32
        %swap3A_113 = arith.index_cast %add3A_112 : i32 to index
        %swap3A_114 = tpu.vector_load %arg6[%swap3A_113] {strides = array<i32>} : memref<9216xf32, #tpu.memory_space<vmem>>, vector<16xf32>,
        tpu.vector_store %arg6[%swap3A_113], %broadcast_in_dim3A_1 {strides = array<i32>} : memref<9216xf32, #tpu.memory_space<vmem>>, vector<16xf32>,
        %add3A_115 = arith.constant 224 : i32
        %add3A_116 = arith.addi %mul3A_59, %add3A_115 : i32
        %swap3A_117 = arith.index_cast %add3A_116 : i32 to index
        %swap3A_118 = tpu.vector_load %arg6[%swap3A_117] {strides = array<i32>} : memref<9216xf32, #tpu.memory_space<vmem>>, vector<16xf32>,
        tpu.vector_store %arg6[%swap3A_117], %broadcast_in_dim3A_1 {strides = array<i32>} : memref<9216xf32, #tpu.memory_space<vmem>>, vector<16xf32>,
        %add3A_119 = arith.constant 240 : i32
        %add3A_120 = arith.addi %mul3A_59, %add3A_119 : i32
        %swap3A_121 = arith.index_cast %add3A_120 : i32 to index
        %swap3A_122 = tpu.vector_load %arg6[%swap3A_121] {strides = array<i32>} : memref<9216xf32, #tpu.memory_space<vmem>>, vector<16xf32>,
        tpu.vector_store %arg6[%swap3A_121], %broadcast_in_dim3A_1 {strides = array<i32>} : memref<9216xf32, #tpu.memory_space<vmem>>, vector<16xf32>,
        %scan3A_123 = arith.constant 0 : i32
        scf.yield %scan3A_123 : i32
      }
      %scan3A_39 = arith.constant 36 : i32
      %dma_wait3A = tpu.memref_slice %arg2[%mul3A_28] : memref<322560xi32, #tpu.memory_space<hbm>> -> memref<2880xi32, #tpu.memory_space<hbm>>
      %dma_wait3A_40 = tpu.memref_slice %arg2[%mul3A_28] : memref<322560xi32, #tpu.memory_space<hbm>> -> memref<2880xi32, #tpu.memory_space<hbm>>
      tpu.wait_dma2 semaphore(%arg10 : memref<!tpu.dma_semaphore, #tpu.memory_space<semaphore_mem>>) src(%dma_wait3A_40 : memref<2880xi32, #tpu.memory_space<hbm>>) dst(%arg7 : memref<2880xi32, #tpu.memory_space<vmem>>)
      %dma_wait3A_41 = tpu.memref_slice %arg3[%mul3A_28] : memref<322560xi32, #tpu.memory_space<hbm>> -> memref<2880xi32, #tpu.memory_space<hbm>>
      %dma_wait3A_42 = tpu.memref_slice %arg3[%mul3A_28] : memref<322560xi32, #tpu.memory_space<hbm>> -> memref<2880xi32, #tpu.memory_space<hbm>>
      tpu.wait_dma2 semaphore(%arg11 : memref<!tpu.dma_semaphore, #tpu.memory_space<semaphore_mem>>) src(%dma_wait3A_42 : memref<2880xi32, #tpu.memory_space<hbm>>) dst(%arg8 : memref<2880xi32, #tpu.memory_space<vmem>>)
      %dma_wait3A_43 = tpu.memref_slice %arg4[%mul3A_28] : memref<322560xf32, #tpu.memory_space<hbm>> -> memref<2880xf32, #tpu.memory_space<hbm>>
      %dma_wait3A_44 = tpu.memref_slice %arg4[%mul3A_28] : memref<322560xf32, #tpu.memory_space<hbm>> -> memref<2880xf32, #tpu.memory_space<hbm>>
      tpu.wait_dma2 semaphore(%arg12 : memref<!tpu.dma_semaphore, #tpu.memory_space<semaphore_mem>>) src(%dma_wait3A_44 : memref<2880xf32, #tpu.memory_space<hbm>>) dst(%arg9 : memref<2880xf32, #tpu.memory_space<vmem>>)
      %mul3A_45 = arith.constant 90 : i32
      %mul3A_46 = arith.muli %add3A_3, %mul3A_45 : i32
      %mul3A_47 = arith.constant 97 : i32
      %mul3A_48 = arith.muli %mul3A_46, %mul3A_47 : i32
      %scan3A_49 = arith.constant 0 : i32
      %scan3A_50 = arith.constant 0 : i32
      %scan3A_51 = arith.constant 45 : i32
      %scan3A_52 = arith.addi %scan3A_50, %scan3A_51 : i32
      %scan3A_53 = arith.constant 1 : i32
      %scan3A_54 = scf.for %scan3A_56 = %scan3A_50 to %scan3A_52 step %scan3A_53 iter_args(%scan3A_57 = %scan3A_49) -> (i32)  : i32 {
        %mul3A_58 = arith.constant 64 : i32
        %mul3A_59 = arith.muli %scan3A_56, %mul3A_58 : i32
        %add3A_60 = arith.constant 0 : i32
        %add3A_61 = arith.addi %mul3A_59, %add3A_60 : i32
        %get3A = arith.index_cast %add3A_61 : i32 to index
        %get3A_62 = tpu.vector_load %arg7[%get3A] {strides = array<i32>} : memref<2880xi32, #tpu.memory_space<vmem>>, vector<16xi32>,
        %get3A_63 = arith.index_cast %add3A_61 : i32 to index
        %get3A_64 = tpu.vector_load %arg8[%get3A_63] {strides = array<i32>} : memref<2880xi32, #tpu.memory_space<vmem>>, vector<16xi32>,
        %get3A_65 = arith.index_cast %add3A_61 : i32 to index
        %get3A_66 = tpu.vector_load %arg9[%get3A_65] {strides = array<i32>} : memref<2880xf32, #tpu.memory_space<vmem>>, vector<16xf32>,
        %mul3A_67 = arith.constant 96 : i32
        %mul3A_68 = vector.broadcast %mul3A_67 : i32 to vector<16xi32>
        %mul3A_69 = arith.muli %get3A_64, %mul3A_68 : vector<16xi32>
        %add3A_70 = arith.addi %mul3A_69, %get3A_62 : vector<16xi32>
        %sub3A = vector.broadcast %mul3A_48 : i32 to vector<16xi32>
        %sub3A_71 = arith.subi %add3A_70, %sub3A : vector<16xi32>
        tpu.vector_store_idx %arg6[%sub3A_71], %get3A_66 {add = true} : memref<9216xf32, #tpu.memory_space<vmem>>[vector<16xi32>], vector<16xf32>,
        %add3A_72 = arith.constant 16 : i32
        %add3A_73 = arith.addi %mul3A_59, %add3A_72 : i32
        %get3A_74 = arith.index_cast %add3A_73 : i32 to index
        %get3A_75 = tpu.vector_load %arg7[%get3A_74] {strides = array<i32>} : memref<2880xi32, #tpu.memory_space<vmem>>, vector<16xi32>,
        %get3A_76 = arith.index_cast %add3A_73 : i32 to index
        %get3A_77 = tpu.vector_load %arg8[%get3A_76] {strides = array<i32>} : memref<2880xi32, #tpu.memory_space<vmem>>, vector<16xi32>,
        %get3A_78 = arith.index_cast %add3A_73 : i32 to index
        %get3A_79 = tpu.vector_load %arg9[%get3A_78] {strides = array<i32>} : memref<2880xf32, #tpu.memory_space<vmem>>, vector<16xf32>,
        %mul3A_80 = arith.constant 96 : i32
        %mul3A_81 = vector.broadcast %mul3A_80 : i32 to vector<16xi32>
        %mul3A_82 = arith.muli %get3A_77, %mul3A_81 : vector<16xi32>
        %add3A_83 = arith.addi %mul3A_82, %get3A_75 : vector<16xi32>
        %sub3A_84 = vector.broadcast %mul3A_48 : i32 to vector<16xi32>
        %sub3A_85 = arith.subi %add3A_83, %sub3A_84 : vector<16xi32>
        tpu.vector_store_idx %arg6[%sub3A_85], %get3A_79 {add = true} : memref<9216xf32, #tpu.memory_space<vmem>>[vector<16xi32>], vector<16xf32>,
        %add3A_86 = arith.constant 32 : i32
        %add3A_87 = arith.addi %mul3A_59, %add3A_86 : i32
        %get3A_88 = arith.index_cast %add3A_87 : i32 to index
        %get3A_89 = tpu.vector_load %arg7[%get3A_88] {strides = array<i32>} : memref<2880xi32, #tpu.memory_space<vmem>>, vector<16xi32>,
        %get3A_90 = arith.index_cast %add3A_87 : i32 to index
        %get3A_91 = tpu.vector_load %arg8[%get3A_90] {strides = array<i32>} : memref<2880xi32, #tpu.memory_space<vmem>>, vector<16xi32>,
        %get3A_92 = arith.index_cast %add3A_87 : i32 to index
        %get3A_93 = tpu.vector_load %arg9[%get3A_92] {strides = array<i32>} : memref<2880xf32, #tpu.memory_space<vmem>>, vector<16xf32>,
        %mul3A_94 = arith.constant 96 : i32
        %mul3A_95 = vector.broadcast %mul3A_94 : i32 to vector<16xi32>
        %mul3A_96 = arith.muli %get3A_91, %mul3A_95 : vector<16xi32>
        %add3A_97 = arith.addi %mul3A_96, %get3A_89 : vector<16xi32>
        %sub3A_98 = vector.broadcast %mul3A_48 : i32 to vector<16xi32>
        %sub3A_99 = arith.subi %add3A_97, %sub3A_98 : vector<16xi32>
        tpu.vector_store_idx %arg6[%sub3A_99], %get3A_93 {add = true} : memref<9216xf32, #tpu.memory_space<vmem>>[vector<16xi32>], vector<16xf32>,
        %add3A_100 = arith.constant 48 : i32
        %add3A_101 = arith.addi %mul3A_59, %add3A_100 : i32
        %get3A_102 = arith.index_cast %add3A_101 : i32 to index
        %get3A_103 = tpu.vector_load %arg7[%get3A_102] {strides = array<i32>} : memref<2880xi32, #tpu.memory_space<vmem>>, vector<16xi32>,
        %get3A_104 = arith.index_cast %add3A_101 : i32 to index
        %get3A_105 = tpu.vector_load %arg8[%get3A_104] {strides = array<i32>} : memref<2880xi32, #tpu.memory_space<vmem>>, vector<16xi32>,
        %get3A_106 = arith.index_cast %add3A_101 : i32 to index
        %get3A_107 = tpu.vector_load %arg9[%get3A_106] {strides = array<i32>} : memref<2880xf32, #tpu.memory_space<vmem>>, vector<16xf32>,
        %mul3A_108 = arith.constant 96 : i32
        %mul3A_109 = vector.broadcast %mul3A_108 : i32 to vector<16xi32>
        %mul3A_110 = arith.muli %get3A_105, %mul3A_109 : vector<16xi32>
        %add3A_111 = arith.addi %mul3A_110, %get3A_103 : vector<16xi32>
        %sub3A_112 = vector.broadcast %mul3A_48 : i32 to vector<16xi32>
        %sub3A_113 = arith.subi %add3A_111, %sub3A_112 : vector<16xi32>
        tpu.vector_store_idx %arg6[%sub3A_113], %get3A_107 {add = true} : memref<9216xf32, #tpu.memory_space<vmem>>[vector<16xi32>], vector<16xf32>,
        %scan3A_114 = arith.constant 0 : i32
        scf.yield %scan3A_114 : i32
      }
      %scan3A_55 = arith.constant 45 : i32
      "tpu.region"() ({
        %run_scoped3A = tpu.sem_alloc : memref<!tpu.dma_semaphore, #tpu.memory_space<semaphore_mem>>
        %dma_start3A_56 = arith.constant 0 : i32
        %dma_start3A_57 = tpu.memref_slice %arg5[%add3A_3, %dma_start3A_56] : memref<112x9216xf32, #tpu.memory_space<hbm>> -> memref<1x9216xf32, #tpu.memory_space<hbm>>
        %dma_start3A_58 = tpu.memref_squeeze %dma_start3A_57 : memref<1x9216xf32, #tpu.memory_space<hbm>> -> memref<9216xf32, #tpu.memory_space<hbm>>
        %dma_start3A_59 = arith.constant 0 : i32
        %dma_start3A_60 = tpu.memref_slice %arg5[%add3A_3, %dma_start3A_59] : memref<112x9216xf32, #tpu.memory_space<hbm>> -> memref<1x9216xf32, #tpu.memory_space<hbm>>
        %dma_start3A_61 = tpu.memref_squeeze %dma_start3A_60 : memref<1x9216xf32, #tpu.memory_space<hbm>> -> memref<9216xf32, #tpu.memory_space<hbm>>
        tpu.enqueue_dma source(%arg6 : memref<9216xf32, #tpu.memory_space<vmem>>) target(%dma_start3A_61 : memref<9216xf32, #tpu.memory_space<hbm>>) target_semaphore(%run_scoped3A : memref<!tpu.dma_semaphore, #tpu.memory_space<semaphore_mem>>)
        %dma_wait3A_62 = arith.constant 0 : i32
        %dma_wait3A_63 = tpu.memref_slice %arg5[%add3A_3, %dma_wait3A_62] : memref<112x9216xf32, #tpu.memory_space<hbm>> -> memref<1x9216xf32, #tpu.memory_space<hbm>>
        %dma_wait3A_64 = tpu.memref_squeeze %dma_wait3A_63 : memref<1x9216xf32, #tpu.memory_space<hbm>> -> memref<9216xf32, #tpu.memory_space<hbm>>
        %dma_wait3A_65 = arith.constant 0 : i32
        %dma_wait3A_66 = tpu.memref_slice %arg5[%add3A_3, %dma_wait3A_65] : memref<112x9216xf32, #tpu.memory_space<hbm>> -> memref<1x9216xf32, #tpu.memory_space<hbm>>
        %dma_wait3A_67 = tpu.memref_squeeze %dma_wait3A_66 : memref<1x9216xf32, #tpu.memory_space<hbm>> -> memref<9216xf32, #tpu.memory_space<hbm>>
        tpu.wait_dma2 semaphore(%run_scoped3A : memref<!tpu.dma_semaphore, #tpu.memory_space<semaphore_mem>>) src(%arg6 : memref<9216xf32, #tpu.memory_space<vmem>>) dst(%dma_wait3A_67 : memref<9216xf32, #tpu.memory_space<hbm>>)
        tpu.yield
      }) : () -> ()
    } else {
    }
    %add3A_6 = arith.constant 32 : i32
    %add3A_7 = arith.addi %add3A_6, %add3A : i32
    %lt3A_8 = arith.constant 112 : i32
    %lt3A_9 = arith.cmpi slt, %add3A_7, %lt3A_8 : i32
    %convert_element_type3A_10 = arith.extui %lt3A_9 : i1 to i32
    %cond3A_11 = arith.constant 0 : i32
    %cond3A_12 = arith.cmpi ne, %convert_element_type3A_10, %cond3A_11 : i32
    scf.if %cond3A_12 {
      %mul3A_27 = arith.constant 2880 : i32
      %mul3A_28 = arith.muli %add3A_7, %mul3A_27 : i32
      %dma_start3A = tpu.memref_slice %arg2[%mul3A_28] : memref<322560xi32, #tpu.memory_space<hbm>> -> memref<2880xi32, #tpu.memory_space<hbm>>
      %dma_start3A_29 = tpu.memref_slice %arg2[%mul3A_28] : memref<322560xi32, #tpu.memory_space<hbm>> -> memref<2880xi32, #tpu.memory_space<hbm>>
      tpu.enqueue_dma source(%dma_start3A_29 : memref<2880xi32, #tpu.memory_space<hbm>>) target(%arg7 : memref<2880xi32, #tpu.memory_space<vmem>>) target_semaphore(%arg10 : memref<!tpu.dma_semaphore, #tpu.memory_space<semaphore_mem>>)
      %dma_start3A_30 = tpu.memref_slice %arg3[%mul3A_28] : memref<322560xi32, #tpu.memory_space<hbm>> -> memref<2880xi32, #tpu.memory_space<hbm>>
      %dma_start3A_31 = tpu.memref_slice %arg3[%mul3A_28] : memref<322560xi32, #tpu.memory_space<hbm>> -> memref<2880xi32, #tpu.memory_space<hbm>>
      tpu.enqueue_dma source(%dma_start3A_31 : memref<2880xi32, #tpu.memory_space<hbm>>) target(%arg8 : memref<2880xi32, #tpu.memory_space<vmem>>) target_semaphore(%arg11 : memref<!tpu.dma_semaphore, #tpu.memory_space<semaphore_mem>>)
      %dma_start3A_32 = tpu.memref_slice %arg4[%mul3A_28] : memref<322560xf32, #tpu.memory_space<hbm>> -> memref<2880xf32, #tpu.memory_space<hbm>>
      %dma_start3A_33 = tpu.memref_slice %arg4[%mul3A_28] : memref<322560xf32, #tpu.memory_space<hbm>> -> memref<2880xf32, #tpu.memory_space<hbm>>
      tpu.enqueue_dma source(%dma_start3A_33 : memref<2880xf32, #tpu.memory_space<hbm>>) target(%arg9 : memref<2880xf32, #tpu.memory_space<vmem>>) target_semaphore(%arg12 : memref<!tpu.dma_semaphore, #tpu.memory_space<semaphore_mem>>)
      %scan3A = arith.constant 0 : i32
      %scan3A_34 = arith.constant 0 : i32
      %scan3A_35 = arith.constant 36 : i32
      %scan3A_36 = arith.addi %scan3A_34, %scan3A_35 : i32
      %scan3A_37 = arith.constant 1 : i32
      %scan3A_38 = scf.for %scan3A_56 = %scan3A_34 to %scan3A_36 step %scan3A_37 iter_args(%scan3A_57 = %scan3A) -> (i32)  : i32 {
        %mul3A_58 = arith.constant 256 : i32
        %mul3A_59 = arith.muli %scan3A_56, %mul3A_58 : i32
        %add3A_60 = arith.constant 0 : i32
        %add3A_61 = arith.addi %mul3A_59, %add3A_60 : i32
        %swap3A = arith.index_cast %add3A_61 : i32 to index
        %swap3A_62 = tpu.vector_load %arg6[%swap3A] {strides = array<i32>} : memref<9216xf32, #tpu.memory_space<vmem>>, vector<16xf32>,
        tpu.vector_store %arg6[%swap3A], %broadcast_in_dim3A_1 {strides = array<i32>} : memref<9216xf32, #tpu.memory_space<vmem>>, vector<16xf32>,
        %add3A_63 = arith.constant 16 : i32
        %add3A_64 = arith.addi %mul3A_59, %add3A_63 : i32
        %swap3A_65 = arith.index_cast %add3A_64 : i32 to index
        %swap3A_66 = tpu.vector_load %arg6[%swap3A_65] {strides = array<i32>} : memref<9216xf32, #tpu.memory_space<vmem>>, vector<16xf32>,
        tpu.vector_store %arg6[%swap3A_65], %broadcast_in_dim3A_1 {strides = array<i32>} : memref<9216xf32, #tpu.memory_space<vmem>>, vector<16xf32>,
        %add3A_67 = arith.constant 32 : i32
        %add3A_68 = arith.addi %mul3A_59, %add3A_67 : i32
        %swap3A_69 = arith.index_cast %add3A_68 : i32 to index
        %swap3A_70 = tpu.vector_load %arg6[%swap3A_69] {strides = array<i32>} : memref<9216xf32, #tpu.memory_space<vmem>>, vector<16xf32>,
        tpu.vector_store %arg6[%swap3A_69], %broadcast_in_dim3A_1 {strides = array<i32>} : memref<9216xf32, #tpu.memory_space<vmem>>, vector<16xf32>,
        %add3A_71 = arith.constant 48 : i32
        %add3A_72 = arith.addi %mul3A_59, %add3A_71 : i32
        %swap3A_73 = arith.index_cast %add3A_72 : i32 to index
        %swap3A_74 = tpu.vector_load %arg6[%swap3A_73] {strides = array<i32>} : memref<9216xf32, #tpu.memory_space<vmem>>, vector<16xf32>,
        tpu.vector_store %arg6[%swap3A_73], %broadcast_in_dim3A_1 {strides = array<i32>} : memref<9216xf32, #tpu.memory_space<vmem>>, vector<16xf32>,
        %add3A_75 = arith.constant 64 : i32
        %add3A_76 = arith.addi %mul3A_59, %add3A_75 : i32
        %swap3A_77 = arith.index_cast %add3A_76 : i32 to index
        %swap3A_78 = tpu.vector_load %arg6[%swap3A_77] {strides = array<i32>} : memref<9216xf32, #tpu.memory_space<vmem>>, vector<16xf32>,
        tpu.vector_store %arg6[%swap3A_77], %broadcast_in_dim3A_1 {strides = array<i32>} : memref<9216xf32, #tpu.memory_space<vmem>>, vector<16xf32>,
        %add3A_79 = arith.constant 80 : i32
        %add3A_80 = arith.addi %mul3A_59, %add3A_79 : i32
        %swap3A_81 = arith.index_cast %add3A_80 : i32 to index
        %swap3A_82 = tpu.vector_load %arg6[%swap3A_81] {strides = array<i32>} : memref<9216xf32, #tpu.memory_space<vmem>>, vector<16xf32>,
        tpu.vector_store %arg6[%swap3A_81], %broadcast_in_dim3A_1 {strides = array<i32>} : memref<9216xf32, #tpu.memory_space<vmem>>, vector<16xf32>,
        %add3A_83 = arith.constant 96 : i32
        %add3A_84 = arith.addi %mul3A_59, %add3A_83 : i32
        %swap3A_85 = arith.index_cast %add3A_84 : i32 to index
        %swap3A_86 = tpu.vector_load %arg6[%swap3A_85] {strides = array<i32>} : memref<9216xf32, #tpu.memory_space<vmem>>, vector<16xf32>,
        tpu.vector_store %arg6[%swap3A_85], %broadcast_in_dim3A_1 {strides = array<i32>} : memref<9216xf32, #tpu.memory_space<vmem>>, vector<16xf32>,
        %add3A_87 = arith.constant 112 : i32
        %add3A_88 = arith.addi %mul3A_59, %add3A_87 : i32
        %swap3A_89 = arith.index_cast %add3A_88 : i32 to index
        %swap3A_90 = tpu.vector_load %arg6[%swap3A_89] {strides = array<i32>} : memref<9216xf32, #tpu.memory_space<vmem>>, vector<16xf32>,
        tpu.vector_store %arg6[%swap3A_89], %broadcast_in_dim3A_1 {strides = array<i32>} : memref<9216xf32, #tpu.memory_space<vmem>>, vector<16xf32>,
        %add3A_91 = arith.constant 128 : i32
        %add3A_92 = arith.addi %mul3A_59, %add3A_91 : i32
        %swap3A_93 = arith.index_cast %add3A_92 : i32 to index
        %swap3A_94 = tpu.vector_load %arg6[%swap3A_93] {strides = array<i32>} : memref<9216xf32, #tpu.memory_space<vmem>>, vector<16xf32>,
        tpu.vector_store %arg6[%swap3A_93], %broadcast_in_dim3A_1 {strides = array<i32>} : memref<9216xf32, #tpu.memory_space<vmem>>, vector<16xf32>,
        %add3A_95 = arith.constant 144 : i32
        %add3A_96 = arith.addi %mul3A_59, %add3A_95 : i32
        %swap3A_97 = arith.index_cast %add3A_96 : i32 to index
        %swap3A_98 = tpu.vector_load %arg6[%swap3A_97] {strides = array<i32>} : memref<9216xf32, #tpu.memory_space<vmem>>, vector<16xf32>,
        tpu.vector_store %arg6[%swap3A_97], %broadcast_in_dim3A_1 {strides = array<i32>} : memref<9216xf32, #tpu.memory_space<vmem>>, vector<16xf32>,
        %add3A_99 = arith.constant 160 : i32
        %add3A_100 = arith.addi %mul3A_59, %add3A_99 : i32
        %swap3A_101 = arith.index_cast %add3A_100 : i32 to index
        %swap3A_102 = tpu.vector_load %arg6[%swap3A_101] {strides = array<i32>} : memref<9216xf32, #tpu.memory_space<vmem>>, vector<16xf32>,
        tpu.vector_store %arg6[%swap3A_101], %broadcast_in_dim3A_1 {strides = array<i32>} : memref<9216xf32, #tpu.memory_space<vmem>>, vector<16xf32>,
        %add3A_103 = arith.constant 176 : i32
        %add3A_104 = arith.addi %mul3A_59, %add3A_103 : i32
        %swap3A_105 = arith.index_cast %add3A_104 : i32 to index
        %swap3A_106 = tpu.vector_load %arg6[%swap3A_105] {strides = array<i32>} : memref<9216xf32, #tpu.memory_space<vmem>>, vector<16xf32>,
        tpu.vector_store %arg6[%swap3A_105], %broadcast_in_dim3A_1 {strides = array<i32>} : memref<9216xf32, #tpu.memory_space<vmem>>, vector<16xf32>,
        %add3A_107 = arith.constant 192 : i32
        %add3A_108 = arith.addi %mul3A_59, %add3A_107 : i32
        %swap3A_109 = arith.index_cast %add3A_108 : i32 to index
        %swap3A_110 = tpu.vector_load %arg6[%swap3A_109] {strides = array<i32>} : memref<9216xf32, #tpu.memory_space<vmem>>, vector<16xf32>,
        tpu.vector_store %arg6[%swap3A_109], %broadcast_in_dim3A_1 {strides = array<i32>} : memref<9216xf32, #tpu.memory_space<vmem>>, vector<16xf32>,
        %add3A_111 = arith.constant 208 : i32
        %add3A_112 = arith.addi %mul3A_59, %add3A_111 : i32
        %swap3A_113 = arith.index_cast %add3A_112 : i32 to index
        %swap3A_114 = tpu.vector_load %arg6[%swap3A_113] {strides = array<i32>} : memref<9216xf32, #tpu.memory_space<vmem>>, vector<16xf32>,
        tpu.vector_store %arg6[%swap3A_113], %broadcast_in_dim3A_1 {strides = array<i32>} : memref<9216xf32, #tpu.memory_space<vmem>>, vector<16xf32>,
        %add3A_115 = arith.constant 224 : i32
        %add3A_116 = arith.addi %mul3A_59, %add3A_115 : i32
        %swap3A_117 = arith.index_cast %add3A_116 : i32 to index
        %swap3A_118 = tpu.vector_load %arg6[%swap3A_117] {strides = array<i32>} : memref<9216xf32, #tpu.memory_space<vmem>>, vector<16xf32>,
        tpu.vector_store %arg6[%swap3A_117], %broadcast_in_dim3A_1 {strides = array<i32>} : memref<9216xf32, #tpu.memory_space<vmem>>, vector<16xf32>,
        %add3A_119 = arith.constant 240 : i32
        %add3A_120 = arith.addi %mul3A_59, %add3A_119 : i32
        %swap3A_121 = arith.index_cast %add3A_120 : i32 to index
        %swap3A_122 = tpu.vector_load %arg6[%swap3A_121] {strides = array<i32>} : memref<9216xf32, #tpu.memory_space<vmem>>, vector<16xf32>,
        tpu.vector_store %arg6[%swap3A_121], %broadcast_in_dim3A_1 {strides = array<i32>} : memref<9216xf32, #tpu.memory_space<vmem>>, vector<16xf32>,
        %scan3A_123 = arith.constant 0 : i32
        scf.yield %scan3A_123 : i32
      }
      %scan3A_39 = arith.constant 36 : i32
      %dma_wait3A = tpu.memref_slice %arg2[%mul3A_28] : memref<322560xi32, #tpu.memory_space<hbm>> -> memref<2880xi32, #tpu.memory_space<hbm>>
      %dma_wait3A_40 = tpu.memref_slice %arg2[%mul3A_28] : memref<322560xi32, #tpu.memory_space<hbm>> -> memref<2880xi32, #tpu.memory_space<hbm>>
      tpu.wait_dma2 semaphore(%arg10 : memref<!tpu.dma_semaphore, #tpu.memory_space<semaphore_mem>>) src(%dma_wait3A_40 : memref<2880xi32, #tpu.memory_space<hbm>>) dst(%arg7 : memref<2880xi32, #tpu.memory_space<vmem>>)
      %dma_wait3A_41 = tpu.memref_slice %arg3[%mul3A_28] : memref<322560xi32, #tpu.memory_space<hbm>> -> memref<2880xi32, #tpu.memory_space<hbm>>
      %dma_wait3A_42 = tpu.memref_slice %arg3[%mul3A_28] : memref<322560xi32, #tpu.memory_space<hbm>> -> memref<2880xi32, #tpu.memory_space<hbm>>
      tpu.wait_dma2 semaphore(%arg11 : memref<!tpu.dma_semaphore, #tpu.memory_space<semaphore_mem>>) src(%dma_wait3A_42 : memref<2880xi32, #tpu.memory_space<hbm>>) dst(%arg8 : memref<2880xi32, #tpu.memory_space<vmem>>)
      %dma_wait3A_43 = tpu.memref_slice %arg4[%mul3A_28] : memref<322560xf32, #tpu.memory_space<hbm>> -> memref<2880xf32, #tpu.memory_space<hbm>>
      %dma_wait3A_44 = tpu.memref_slice %arg4[%mul3A_28] : memref<322560xf32, #tpu.memory_space<hbm>> -> memref<2880xf32, #tpu.memory_space<hbm>>
      tpu.wait_dma2 semaphore(%arg12 : memref<!tpu.dma_semaphore, #tpu.memory_space<semaphore_mem>>) src(%dma_wait3A_44 : memref<2880xf32, #tpu.memory_space<hbm>>) dst(%arg9 : memref<2880xf32, #tpu.memory_space<vmem>>)
      %mul3A_45 = arith.constant 90 : i32
      %mul3A_46 = arith.muli %add3A_7, %mul3A_45 : i32
      %mul3A_47 = arith.constant 97 : i32
      %mul3A_48 = arith.muli %mul3A_46, %mul3A_47 : i32
      %scan3A_49 = arith.constant 0 : i32
      %scan3A_50 = arith.constant 0 : i32
      %scan3A_51 = arith.constant 45 : i32
      %scan3A_52 = arith.addi %scan3A_50, %scan3A_51 : i32
      %scan3A_53 = arith.constant 1 : i32
      %scan3A_54 = scf.for %scan3A_56 = %scan3A_50 to %scan3A_52 step %scan3A_53 iter_args(%scan3A_57 = %scan3A_49) -> (i32)  : i32 {
        %mul3A_58 = arith.constant 64 : i32
        %mul3A_59 = arith.muli %scan3A_56, %mul3A_58 : i32
        %add3A_60 = arith.constant 0 : i32
        %add3A_61 = arith.addi %mul3A_59, %add3A_60 : i32
        %get3A = arith.index_cast %add3A_61 : i32 to index
        %get3A_62 = tpu.vector_load %arg7[%get3A] {strides = array<i32>} : memref<2880xi32, #tpu.memory_space<vmem>>, vector<16xi32>,
        %get3A_63 = arith.index_cast %add3A_61 : i32 to index
        %get3A_64 = tpu.vector_load %arg8[%get3A_63] {strides = array<i32>} : memref<2880xi32, #tpu.memory_space<vmem>>, vector<16xi32>,
        %get3A_65 = arith.index_cast %add3A_61 : i32 to index
        %get3A_66 = tpu.vector_load %arg9[%get3A_65] {strides = array<i32>} : memref<2880xf32, #tpu.memory_space<vmem>>, vector<16xf32>,
        %mul3A_67 = arith.constant 96 : i32
        %mul3A_68 = vector.broadcast %mul3A_67 : i32 to vector<16xi32>
        %mul3A_69 = arith.muli %get3A_64, %mul3A_68 : vector<16xi32>
        %add3A_70 = arith.addi %mul3A_69, %get3A_62 : vector<16xi32>
        %sub3A = vector.broadcast %mul3A_48 : i32 to vector<16xi32>
        %sub3A_71 = arith.subi %add3A_70, %sub3A : vector<16xi32>
        tpu.vector_store_idx %arg6[%sub3A_71], %get3A_66 {add = true} : memref<9216xf32, #tpu.memory_space<vmem>>[vector<16xi32>], vector<16xf32>,
        %add3A_72 = arith.constant 16 : i32
        %add3A_73 = arith.addi %mul3A_59, %add3A_72 : i32
        %get3A_74 = arith.index_cast %add3A_73 : i32 to index
        %get3A_75 = tpu.vector_load %arg7[%get3A_74] {strides = array<i32>} : memref<2880xi32, #tpu.memory_space<vmem>>, vector<16xi32>,
        %get3A_76 = arith.index_cast %add3A_73 : i32 to index
        %get3A_77 = tpu.vector_load %arg8[%get3A_76] {strides = array<i32>} : memref<2880xi32, #tpu.memory_space<vmem>>, vector<16xi32>,
        %get3A_78 = arith.index_cast %add3A_73 : i32 to index
        %get3A_79 = tpu.vector_load %arg9[%get3A_78] {strides = array<i32>} : memref<2880xf32, #tpu.memory_space<vmem>>, vector<16xf32>,
        %mul3A_80 = arith.constant 96 : i32
        %mul3A_81 = vector.broadcast %mul3A_80 : i32 to vector<16xi32>
        %mul3A_82 = arith.muli %get3A_77, %mul3A_81 : vector<16xi32>
        %add3A_83 = arith.addi %mul3A_82, %get3A_75 : vector<16xi32>
        %sub3A_84 = vector.broadcast %mul3A_48 : i32 to vector<16xi32>
        %sub3A_85 = arith.subi %add3A_83, %sub3A_84 : vector<16xi32>
        tpu.vector_store_idx %arg6[%sub3A_85], %get3A_79 {add = true} : memref<9216xf32, #tpu.memory_space<vmem>>[vector<16xi32>], vector<16xf32>,
        %add3A_86 = arith.constant 32 : i32
        %add3A_87 = arith.addi %mul3A_59, %add3A_86 : i32
        %get3A_88 = arith.index_cast %add3A_87 : i32 to index
        %get3A_89 = tpu.vector_load %arg7[%get3A_88] {strides = array<i32>} : memref<2880xi32, #tpu.memory_space<vmem>>, vector<16xi32>,
        %get3A_90 = arith.index_cast %add3A_87 : i32 to index
        %get3A_91 = tpu.vector_load %arg8[%get3A_90] {strides = array<i32>} : memref<2880xi32, #tpu.memory_space<vmem>>, vector<16xi32>,
        %get3A_92 = arith.index_cast %add3A_87 : i32 to index
        %get3A_93 = tpu.vector_load %arg9[%get3A_92] {strides = array<i32>} : memref<2880xf32, #tpu.memory_space<vmem>>, vector<16xf32>,
        %mul3A_94 = arith.constant 96 : i32
        %mul3A_95 = vector.broadcast %mul3A_94 : i32 to vector<16xi32>
        %mul3A_96 = arith.muli %get3A_91, %mul3A_95 : vector<16xi32>
        %add3A_97 = arith.addi %mul3A_96, %get3A_89 : vector<16xi32>
        %sub3A_98 = vector.broadcast %mul3A_48 : i32 to vector<16xi32>
        %sub3A_99 = arith.subi %add3A_97, %sub3A_98 : vector<16xi32>
        tpu.vector_store_idx %arg6[%sub3A_99], %get3A_93 {add = true} : memref<9216xf32, #tpu.memory_space<vmem>>[vector<16xi32>], vector<16xf32>,
        %add3A_100 = arith.constant 48 : i32
        %add3A_101 = arith.addi %mul3A_59, %add3A_100 : i32
        %get3A_102 = arith.index_cast %add3A_101 : i32 to index
        %get3A_103 = tpu.vector_load %arg7[%get3A_102] {strides = array<i32>} : memref<2880xi32, #tpu.memory_space<vmem>>, vector<16xi32>,
        %get3A_104 = arith.index_cast %add3A_101 : i32 to index
        %get3A_105 = tpu.vector_load %arg8[%get3A_104] {strides = array<i32>} : memref<2880xi32, #tpu.memory_space<vmem>>, vector<16xi32>,
        %get3A_106 = arith.index_cast %add3A_101 : i32 to index
        %get3A_107 = tpu.vector_load %arg9[%get3A_106] {strides = array<i32>} : memref<2880xf32, #tpu.memory_space<vmem>>, vector<16xf32>,
        %mul3A_108 = arith.constant 96 : i32
        %mul3A_109 = vector.broadcast %mul3A_108 : i32 to vector<16xi32>
        %mul3A_110 = arith.muli %get3A_105, %mul3A_109 : vector<16xi32>
        %add3A_111 = arith.addi %mul3A_110, %get3A_103 : vector<16xi32>
        %sub3A_112 = vector.broadcast %mul3A_48 : i32 to vector<16xi32>
        %sub3A_113 = arith.subi %add3A_111, %sub3A_112 : vector<16xi32>
        tpu.vector_store_idx %arg6[%sub3A_113], %get3A_107 {add = true} : memref<9216xf32, #tpu.memory_space<vmem>>[vector<16xi32>], vector<16xf32>,
        %scan3A_114 = arith.constant 0 : i32
        scf.yield %scan3A_114 : i32
      }
      %scan3A_55 = arith.constant 45 : i32
      "tpu.region"() ({
        %run_scoped3A = tpu.sem_alloc : memref<!tpu.dma_semaphore, #tpu.memory_space<semaphore_mem>>
        %dma_start3A_56 = arith.constant 0 : i32
        %dma_start3A_57 = tpu.memref_slice %arg5[%add3A_7, %dma_start3A_56] : memref<112x9216xf32, #tpu.memory_space<hbm>> -> memref<1x9216xf32, #tpu.memory_space<hbm>>
        %dma_start3A_58 = tpu.memref_squeeze %dma_start3A_57 : memref<1x9216xf32, #tpu.memory_space<hbm>> -> memref<9216xf32, #tpu.memory_space<hbm>>
        %dma_start3A_59 = arith.constant 0 : i32
        %dma_start3A_60 = tpu.memref_slice %arg5[%add3A_7, %dma_start3A_59] : memref<112x9216xf32, #tpu.memory_space<hbm>> -> memref<1x9216xf32, #tpu.memory_space<hbm>>
        %dma_start3A_61 = tpu.memref_squeeze %dma_start3A_60 : memref<1x9216xf32, #tpu.memory_space<hbm>> -> memref<9216xf32, #tpu.memory_space<hbm>>
        tpu.enqueue_dma source(%arg6 : memref<9216xf32, #tpu.memory_space<vmem>>) target(%dma_start3A_61 : memref<9216xf32, #tpu.memory_space<hbm>>) target_semaphore(%run_scoped3A : memref<!tpu.dma_semaphore, #tpu.memory_space<semaphore_mem>>)
        %dma_wait3A_62 = arith.constant 0 : i32
        %dma_wait3A_63 = tpu.memref_slice %arg5[%add3A_7, %dma_wait3A_62] : memref<112x9216xf32, #tpu.memory_space<hbm>> -> memref<1x9216xf32, #tpu.memory_space<hbm>>
        %dma_wait3A_64 = tpu.memref_squeeze %dma_wait3A_63 : memref<1x9216xf32, #tpu.memory_space<hbm>> -> memref<9216xf32, #tpu.memory_space<hbm>>
        %dma_wait3A_65 = arith.constant 0 : i32
        %dma_wait3A_66 = tpu.memref_slice %arg5[%add3A_7, %dma_wait3A_65] : memref<112x9216xf32, #tpu.memory_space<hbm>> -> memref<1x9216xf32, #tpu.memory_space<hbm>>
        %dma_wait3A_67 = tpu.memref_squeeze %dma_wait3A_66 : memref<1x9216xf32, #tpu.memory_space<hbm>> -> memref<9216xf32, #tpu.memory_space<hbm>>
        tpu.wait_dma2 semaphore(%run_scoped3A : memref<!tpu.dma_semaphore, #tpu.memory_space<semaphore_mem>>) src(%arg6 : memref<9216xf32, #tpu.memory_space<vmem>>) dst(%dma_wait3A_67 : memref<9216xf32, #tpu.memory_space<hbm>>)
        tpu.yield
      }) : () -> ()
    } else {
    }
    %add3A_13 = arith.constant 64 : i32
    %add3A_14 = arith.addi %add3A_13, %add3A : i32
    %lt3A_15 = arith.constant 112 : i32
    %lt3A_16 = arith.cmpi slt, %add3A_14, %lt3A_15 : i32
    %convert_element_type3A_17 = arith.extui %lt3A_16 : i1 to i32
    %cond3A_18 = arith.constant 0 : i32
    %cond3A_19 = arith.cmpi ne, %convert_element_type3A_17, %cond3A_18 : i32
    scf.if %cond3A_19 {
      %mul3A_27 = arith.constant 2880 : i32
      %mul3A_28 = arith.muli %add3A_14, %mul3A_27 : i32
      %dma_start3A = tpu.memref_slice %arg2[%mul3A_28] : memref<322560xi32, #tpu.memory_space<hbm>> -> memref<2880xi32, #tpu.memory_space<hbm>>
      %dma_start3A_29 = tpu.memref_slice %arg2[%mul3A_28] : memref<322560xi32, #tpu.memory_space<hbm>> -> memref<2880xi32, #tpu.memory_space<hbm>>
      tpu.enqueue_dma source(%dma_start3A_29 : memref<2880xi32, #tpu.memory_space<hbm>>) target(%arg7 : memref<2880xi32, #tpu.memory_space<vmem>>) target_semaphore(%arg10 : memref<!tpu.dma_semaphore, #tpu.memory_space<semaphore_mem>>)
      %dma_start3A_30 = tpu.memref_slice %arg3[%mul3A_28] : memref<322560xi32, #tpu.memory_space<hbm>> -> memref<2880xi32, #tpu.memory_space<hbm>>
      %dma_start3A_31 = tpu.memref_slice %arg3[%mul3A_28] : memref<322560xi32, #tpu.memory_space<hbm>> -> memref<2880xi32, #tpu.memory_space<hbm>>
      tpu.enqueue_dma source(%dma_start3A_31 : memref<2880xi32, #tpu.memory_space<hbm>>) target(%arg8 : memref<2880xi32, #tpu.memory_space<vmem>>) target_semaphore(%arg11 : memref<!tpu.dma_semaphore, #tpu.memory_space<semaphore_mem>>)
      %dma_start3A_32 = tpu.memref_slice %arg4[%mul3A_28] : memref<322560xf32, #tpu.memory_space<hbm>> -> memref<2880xf32, #tpu.memory_space<hbm>>
      %dma_start3A_33 = tpu.memref_slice %arg4[%mul3A_28] : memref<322560xf32, #tpu.memory_space<hbm>> -> memref<2880xf32, #tpu.memory_space<hbm>>
      tpu.enqueue_dma source(%dma_start3A_33 : memref<2880xf32, #tpu.memory_space<hbm>>) target(%arg9 : memref<2880xf32, #tpu.memory_space<vmem>>) target_semaphore(%arg12 : memref<!tpu.dma_semaphore, #tpu.memory_space<semaphore_mem>>)
      %scan3A = arith.constant 0 : i32
      %scan3A_34 = arith.constant 0 : i32
      %scan3A_35 = arith.constant 36 : i32
      %scan3A_36 = arith.addi %scan3A_34, %scan3A_35 : i32
      %scan3A_37 = arith.constant 1 : i32
      %scan3A_38 = scf.for %scan3A_56 = %scan3A_34 to %scan3A_36 step %scan3A_37 iter_args(%scan3A_57 = %scan3A) -> (i32)  : i32 {
        %mul3A_58 = arith.constant 256 : i32
        %mul3A_59 = arith.muli %scan3A_56, %mul3A_58 : i32
        %add3A_60 = arith.constant 0 : i32
        %add3A_61 = arith.addi %mul3A_59, %add3A_60 : i32
        %swap3A = arith.index_cast %add3A_61 : i32 to index
        %swap3A_62 = tpu.vector_load %arg6[%swap3A] {strides = array<i32>} : memref<9216xf32, #tpu.memory_space<vmem>>, vector<16xf32>,
        tpu.vector_store %arg6[%swap3A], %broadcast_in_dim3A_1 {strides = array<i32>} : memref<9216xf32, #tpu.memory_space<vmem>>, vector<16xf32>,
        %add3A_63 = arith.constant 16 : i32
        %add3A_64 = arith.addi %mul3A_59, %add3A_63 : i32
        %swap3A_65 = arith.index_cast %add3A_64 : i32 to index
        %swap3A_66 = tpu.vector_load %arg6[%swap3A_65] {strides = array<i32>} : memref<9216xf32, #tpu.memory_space<vmem>>, vector<16xf32>,
        tpu.vector_store %arg6[%swap3A_65], %broadcast_in_dim3A_1 {strides = array<i32>} : memref<9216xf32, #tpu.memory_space<vmem>>, vector<16xf32>,
        %add3A_67 = arith.constant 32 : i32
        %add3A_68 = arith.addi %mul3A_59, %add3A_67 : i32
        %swap3A_69 = arith.index_cast %add3A_68 : i32 to index
        %swap3A_70 = tpu.vector_load %arg6[%swap3A_69] {strides = array<i32>} : memref<9216xf32, #tpu.memory_space<vmem>>, vector<16xf32>,
        tpu.vector_store %arg6[%swap3A_69], %broadcast_in_dim3A_1 {strides = array<i32>} : memref<9216xf32, #tpu.memory_space<vmem>>, vector<16xf32>,
        %add3A_71 = arith.constant 48 : i32
        %add3A_72 = arith.addi %mul3A_59, %add3A_71 : i32
        %swap3A_73 = arith.index_cast %add3A_72 : i32 to index
        %swap3A_74 = tpu.vector_load %arg6[%swap3A_73] {strides = array<i32>} : memref<9216xf32, #tpu.memory_space<vmem>>, vector<16xf32>,
        tpu.vector_store %arg6[%swap3A_73], %broadcast_in_dim3A_1 {strides = array<i32>} : memref<9216xf32, #tpu.memory_space<vmem>>, vector<16xf32>,
        %add3A_75 = arith.constant 64 : i32
        %add3A_76 = arith.addi %mul3A_59, %add3A_75 : i32
        %swap3A_77 = arith.index_cast %add3A_76 : i32 to index
        %swap3A_78 = tpu.vector_load %arg6[%swap3A_77] {strides = array<i32>} : memref<9216xf32, #tpu.memory_space<vmem>>, vector<16xf32>,
        tpu.vector_store %arg6[%swap3A_77], %broadcast_in_dim3A_1 {strides = array<i32>} : memref<9216xf32, #tpu.memory_space<vmem>>, vector<16xf32>,
        %add3A_79 = arith.constant 80 : i32
        %add3A_80 = arith.addi %mul3A_59, %add3A_79 : i32
        %swap3A_81 = arith.index_cast %add3A_80 : i32 to index
        %swap3A_82 = tpu.vector_load %arg6[%swap3A_81] {strides = array<i32>} : memref<9216xf32, #tpu.memory_space<vmem>>, vector<16xf32>,
        tpu.vector_store %arg6[%swap3A_81], %broadcast_in_dim3A_1 {strides = array<i32>} : memref<9216xf32, #tpu.memory_space<vmem>>, vector<16xf32>,
        %add3A_83 = arith.constant 96 : i32
        %add3A_84 = arith.addi %mul3A_59, %add3A_83 : i32
        %swap3A_85 = arith.index_cast %add3A_84 : i32 to index
        %swap3A_86 = tpu.vector_load %arg6[%swap3A_85] {strides = array<i32>} : memref<9216xf32, #tpu.memory_space<vmem>>, vector<16xf32>,
        tpu.vector_store %arg6[%swap3A_85], %broadcast_in_dim3A_1 {strides = array<i32>} : memref<9216xf32, #tpu.memory_space<vmem>>, vector<16xf32>,
        %add3A_87 = arith.constant 112 : i32
        %add3A_88 = arith.addi %mul3A_59, %add3A_87 : i32
        %swap3A_89 = arith.index_cast %add3A_88 : i32 to index
        %swap3A_90 = tpu.vector_load %arg6[%swap3A_89] {strides = array<i32>} : memref<9216xf32, #tpu.memory_space<vmem>>, vector<16xf32>,
        tpu.vector_store %arg6[%swap3A_89], %broadcast_in_dim3A_1 {strides = array<i32>} : memref<9216xf32, #tpu.memory_space<vmem>>, vector<16xf32>,
        %add3A_91 = arith.constant 128 : i32
        %add3A_92 = arith.addi %mul3A_59, %add3A_91 : i32
        %swap3A_93 = arith.index_cast %add3A_92 : i32 to index
        %swap3A_94 = tpu.vector_load %arg6[%swap3A_93] {strides = array<i32>} : memref<9216xf32, #tpu.memory_space<vmem>>, vector<16xf32>,
        tpu.vector_store %arg6[%swap3A_93], %broadcast_in_dim3A_1 {strides = array<i32>} : memref<9216xf32, #tpu.memory_space<vmem>>, vector<16xf32>,
        %add3A_95 = arith.constant 144 : i32
        %add3A_96 = arith.addi %mul3A_59, %add3A_95 : i32
        %swap3A_97 = arith.index_cast %add3A_96 : i32 to index
        %swap3A_98 = tpu.vector_load %arg6[%swap3A_97] {strides = array<i32>} : memref<9216xf32, #tpu.memory_space<vmem>>, vector<16xf32>,
        tpu.vector_store %arg6[%swap3A_97], %broadcast_in_dim3A_1 {strides = array<i32>} : memref<9216xf32, #tpu.memory_space<vmem>>, vector<16xf32>,
        %add3A_99 = arith.constant 160 : i32
        %add3A_100 = arith.addi %mul3A_59, %add3A_99 : i32
        %swap3A_101 = arith.index_cast %add3A_100 : i32 to index
        %swap3A_102 = tpu.vector_load %arg6[%swap3A_101] {strides = array<i32>} : memref<9216xf32, #tpu.memory_space<vmem>>, vector<16xf32>,
        tpu.vector_store %arg6[%swap3A_101], %broadcast_in_dim3A_1 {strides = array<i32>} : memref<9216xf32, #tpu.memory_space<vmem>>, vector<16xf32>,
        %add3A_103 = arith.constant 176 : i32
        %add3A_104 = arith.addi %mul3A_59, %add3A_103 : i32
        %swap3A_105 = arith.index_cast %add3A_104 : i32 to index
        %swap3A_106 = tpu.vector_load %arg6[%swap3A_105] {strides = array<i32>} : memref<9216xf32, #tpu.memory_space<vmem>>, vector<16xf32>,
        tpu.vector_store %arg6[%swap3A_105], %broadcast_in_dim3A_1 {strides = array<i32>} : memref<9216xf32, #tpu.memory_space<vmem>>, vector<16xf32>,
        %add3A_107 = arith.constant 192 : i32
        %add3A_108 = arith.addi %mul3A_59, %add3A_107 : i32
        %swap3A_109 = arith.index_cast %add3A_108 : i32 to index
        %swap3A_110 = tpu.vector_load %arg6[%swap3A_109] {strides = array<i32>} : memref<9216xf32, #tpu.memory_space<vmem>>, vector<16xf32>,
        tpu.vector_store %arg6[%swap3A_109], %broadcast_in_dim3A_1 {strides = array<i32>} : memref<9216xf32, #tpu.memory_space<vmem>>, vector<16xf32>,
        %add3A_111 = arith.constant 208 : i32
        %add3A_112 = arith.addi %mul3A_59, %add3A_111 : i32
        %swap3A_113 = arith.index_cast %add3A_112 : i32 to index
        %swap3A_114 = tpu.vector_load %arg6[%swap3A_113] {strides = array<i32>} : memref<9216xf32, #tpu.memory_space<vmem>>, vector<16xf32>,
        tpu.vector_store %arg6[%swap3A_113], %broadcast_in_dim3A_1 {strides = array<i32>} : memref<9216xf32, #tpu.memory_space<vmem>>, vector<16xf32>,
        %add3A_115 = arith.constant 224 : i32
        %add3A_116 = arith.addi %mul3A_59, %add3A_115 : i32
        %swap3A_117 = arith.index_cast %add3A_116 : i32 to index
        %swap3A_118 = tpu.vector_load %arg6[%swap3A_117] {strides = array<i32>} : memref<9216xf32, #tpu.memory_space<vmem>>, vector<16xf32>,
        tpu.vector_store %arg6[%swap3A_117], %broadcast_in_dim3A_1 {strides = array<i32>} : memref<9216xf32, #tpu.memory_space<vmem>>, vector<16xf32>,
        %add3A_119 = arith.constant 240 : i32
        %add3A_120 = arith.addi %mul3A_59, %add3A_119 : i32
        %swap3A_121 = arith.index_cast %add3A_120 : i32 to index
        %swap3A_122 = tpu.vector_load %arg6[%swap3A_121] {strides = array<i32>} : memref<9216xf32, #tpu.memory_space<vmem>>, vector<16xf32>,
        tpu.vector_store %arg6[%swap3A_121], %broadcast_in_dim3A_1 {strides = array<i32>} : memref<9216xf32, #tpu.memory_space<vmem>>, vector<16xf32>,
        %scan3A_123 = arith.constant 0 : i32
        scf.yield %scan3A_123 : i32
      }
      %scan3A_39 = arith.constant 36 : i32
      %dma_wait3A = tpu.memref_slice %arg2[%mul3A_28] : memref<322560xi32, #tpu.memory_space<hbm>> -> memref<2880xi32, #tpu.memory_space<hbm>>
      %dma_wait3A_40 = tpu.memref_slice %arg2[%mul3A_28] : memref<322560xi32, #tpu.memory_space<hbm>> -> memref<2880xi32, #tpu.memory_space<hbm>>
      tpu.wait_dma2 semaphore(%arg10 : memref<!tpu.dma_semaphore, #tpu.memory_space<semaphore_mem>>) src(%dma_wait3A_40 : memref<2880xi32, #tpu.memory_space<hbm>>) dst(%arg7 : memref<2880xi32, #tpu.memory_space<vmem>>)
      %dma_wait3A_41 = tpu.memref_slice %arg3[%mul3A_28] : memref<322560xi32, #tpu.memory_space<hbm>> -> memref<2880xi32, #tpu.memory_space<hbm>>
      %dma_wait3A_42 = tpu.memref_slice %arg3[%mul3A_28] : memref<322560xi32, #tpu.memory_space<hbm>> -> memref<2880xi32, #tpu.memory_space<hbm>>
      tpu.wait_dma2 semaphore(%arg11 : memref<!tpu.dma_semaphore, #tpu.memory_space<semaphore_mem>>) src(%dma_wait3A_42 : memref<2880xi32, #tpu.memory_space<hbm>>) dst(%arg8 : memref<2880xi32, #tpu.memory_space<vmem>>)
      %dma_wait3A_43 = tpu.memref_slice %arg4[%mul3A_28] : memref<322560xf32, #tpu.memory_space<hbm>> -> memref<2880xf32, #tpu.memory_space<hbm>>
      %dma_wait3A_44 = tpu.memref_slice %arg4[%mul3A_28] : memref<322560xf32, #tpu.memory_space<hbm>> -> memref<2880xf32, #tpu.memory_space<hbm>>
      tpu.wait_dma2 semaphore(%arg12 : memref<!tpu.dma_semaphore, #tpu.memory_space<semaphore_mem>>) src(%dma_wait3A_44 : memref<2880xf32, #tpu.memory_space<hbm>>) dst(%arg9 : memref<2880xf32, #tpu.memory_space<vmem>>)
      %mul3A_45 = arith.constant 90 : i32
      %mul3A_46 = arith.muli %add3A_14, %mul3A_45 : i32
      %mul3A_47 = arith.constant 97 : i32
      %mul3A_48 = arith.muli %mul3A_46, %mul3A_47 : i32
      %scan3A_49 = arith.constant 0 : i32
      %scan3A_50 = arith.constant 0 : i32
      %scan3A_51 = arith.constant 45 : i32
      %scan3A_52 = arith.addi %scan3A_50, %scan3A_51 : i32
      %scan3A_53 = arith.constant 1 : i32
      %scan3A_54 = scf.for %scan3A_56 = %scan3A_50 to %scan3A_52 step %scan3A_53 iter_args(%scan3A_57 = %scan3A_49) -> (i32)  : i32 {
        %mul3A_58 = arith.constant 64 : i32
        %mul3A_59 = arith.muli %scan3A_56, %mul3A_58 : i32
        %add3A_60 = arith.constant 0 : i32
        %add3A_61 = arith.addi %mul3A_59, %add3A_60 : i32
        %get3A = arith.index_cast %add3A_61 : i32 to index
        %get3A_62 = tpu.vector_load %arg7[%get3A] {strides = array<i32>} : memref<2880xi32, #tpu.memory_space<vmem>>, vector<16xi32>,
        %get3A_63 = arith.index_cast %add3A_61 : i32 to index
        %get3A_64 = tpu.vector_load %arg8[%get3A_63] {strides = array<i32>} : memref<2880xi32, #tpu.memory_space<vmem>>, vector<16xi32>,
        %get3A_65 = arith.index_cast %add3A_61 : i32 to index
        %get3A_66 = tpu.vector_load %arg9[%get3A_65] {strides = array<i32>} : memref<2880xf32, #tpu.memory_space<vmem>>, vector<16xf32>,
        %mul3A_67 = arith.constant 96 : i32
        %mul3A_68 = vector.broadcast %mul3A_67 : i32 to vector<16xi32>
        %mul3A_69 = arith.muli %get3A_64, %mul3A_68 : vector<16xi32>
        %add3A_70 = arith.addi %mul3A_69, %get3A_62 : vector<16xi32>
        %sub3A = vector.broadcast %mul3A_48 : i32 to vector<16xi32>
        %sub3A_71 = arith.subi %add3A_70, %sub3A : vector<16xi32>
        tpu.vector_store_idx %arg6[%sub3A_71], %get3A_66 {add = true} : memref<9216xf32, #tpu.memory_space<vmem>>[vector<16xi32>], vector<16xf32>,
        %add3A_72 = arith.constant 16 : i32
        %add3A_73 = arith.addi %mul3A_59, %add3A_72 : i32
        %get3A_74 = arith.index_cast %add3A_73 : i32 to index
        %get3A_75 = tpu.vector_load %arg7[%get3A_74] {strides = array<i32>} : memref<2880xi32, #tpu.memory_space<vmem>>, vector<16xi32>,
        %get3A_76 = arith.index_cast %add3A_73 : i32 to index
        %get3A_77 = tpu.vector_load %arg8[%get3A_76] {strides = array<i32>} : memref<2880xi32, #tpu.memory_space<vmem>>, vector<16xi32>,
        %get3A_78 = arith.index_cast %add3A_73 : i32 to index
        %get3A_79 = tpu.vector_load %arg9[%get3A_78] {strides = array<i32>} : memref<2880xf32, #tpu.memory_space<vmem>>, vector<16xf32>,
        %mul3A_80 = arith.constant 96 : i32
        %mul3A_81 = vector.broadcast %mul3A_80 : i32 to vector<16xi32>
        %mul3A_82 = arith.muli %get3A_77, %mul3A_81 : vector<16xi32>
        %add3A_83 = arith.addi %mul3A_82, %get3A_75 : vector<16xi32>
        %sub3A_84 = vector.broadcast %mul3A_48 : i32 to vector<16xi32>
        %sub3A_85 = arith.subi %add3A_83, %sub3A_84 : vector<16xi32>
        tpu.vector_store_idx %arg6[%sub3A_85], %get3A_79 {add = true} : memref<9216xf32, #tpu.memory_space<vmem>>[vector<16xi32>], vector<16xf32>,
        %add3A_86 = arith.constant 32 : i32
        %add3A_87 = arith.addi %mul3A_59, %add3A_86 : i32
        %get3A_88 = arith.index_cast %add3A_87 : i32 to index
        %get3A_89 = tpu.vector_load %arg7[%get3A_88] {strides = array<i32>} : memref<2880xi32, #tpu.memory_space<vmem>>, vector<16xi32>,
        %get3A_90 = arith.index_cast %add3A_87 : i32 to index
        %get3A_91 = tpu.vector_load %arg8[%get3A_90] {strides = array<i32>} : memref<2880xi32, #tpu.memory_space<vmem>>, vector<16xi32>,
        %get3A_92 = arith.index_cast %add3A_87 : i32 to index
        %get3A_93 = tpu.vector_load %arg9[%get3A_92] {strides = array<i32>} : memref<2880xf32, #tpu.memory_space<vmem>>, vector<16xf32>,
        %mul3A_94 = arith.constant 96 : i32
        %mul3A_95 = vector.broadcast %mul3A_94 : i32 to vector<16xi32>
        %mul3A_96 = arith.muli %get3A_91, %mul3A_95 : vector<16xi32>
        %add3A_97 = arith.addi %mul3A_96, %get3A_89 : vector<16xi32>
        %sub3A_98 = vector.broadcast %mul3A_48 : i32 to vector<16xi32>
        %sub3A_99 = arith.subi %add3A_97, %sub3A_98 : vector<16xi32>
        tpu.vector_store_idx %arg6[%sub3A_99], %get3A_93 {add = true} : memref<9216xf32, #tpu.memory_space<vmem>>[vector<16xi32>], vector<16xf32>,
        %add3A_100 = arith.constant 48 : i32
        %add3A_101 = arith.addi %mul3A_59, %add3A_100 : i32
        %get3A_102 = arith.index_cast %add3A_101 : i32 to index
        %get3A_103 = tpu.vector_load %arg7[%get3A_102] {strides = array<i32>} : memref<2880xi32, #tpu.memory_space<vmem>>, vector<16xi32>,
        %get3A_104 = arith.index_cast %add3A_101 : i32 to index
        %get3A_105 = tpu.vector_load %arg8[%get3A_104] {strides = array<i32>} : memref<2880xi32, #tpu.memory_space<vmem>>, vector<16xi32>,
        %get3A_106 = arith.index_cast %add3A_101 : i32 to index
        %get3A_107 = tpu.vector_load %arg9[%get3A_106] {strides = array<i32>} : memref<2880xf32, #tpu.memory_space<vmem>>, vector<16xf32>,
        %mul3A_108 = arith.constant 96 : i32
        %mul3A_109 = vector.broadcast %mul3A_108 : i32 to vector<16xi32>
        %mul3A_110 = arith.muli %get3A_105, %mul3A_109 : vector<16xi32>
        %add3A_111 = arith.addi %mul3A_110, %get3A_103 : vector<16xi32>
        %sub3A_112 = vector.broadcast %mul3A_48 : i32 to vector<16xi32>
        %sub3A_113 = arith.subi %add3A_111, %sub3A_112 : vector<16xi32>
        tpu.vector_store_idx %arg6[%sub3A_113], %get3A_107 {add = true} : memref<9216xf32, #tpu.memory_space<vmem>>[vector<16xi32>], vector<16xf32>,
        %scan3A_114 = arith.constant 0 : i32
        scf.yield %scan3A_114 : i32
      }
      %scan3A_55 = arith.constant 45 : i32
      "tpu.region"() ({
        %run_scoped3A = tpu.sem_alloc : memref<!tpu.dma_semaphore, #tpu.memory_space<semaphore_mem>>
        %dma_start3A_56 = arith.constant 0 : i32
        %dma_start3A_57 = tpu.memref_slice %arg5[%add3A_14, %dma_start3A_56] : memref<112x9216xf32, #tpu.memory_space<hbm>> -> memref<1x9216xf32, #tpu.memory_space<hbm>>
        %dma_start3A_58 = tpu.memref_squeeze %dma_start3A_57 : memref<1x9216xf32, #tpu.memory_space<hbm>> -> memref<9216xf32, #tpu.memory_space<hbm>>
        %dma_start3A_59 = arith.constant 0 : i32
        %dma_start3A_60 = tpu.memref_slice %arg5[%add3A_14, %dma_start3A_59] : memref<112x9216xf32, #tpu.memory_space<hbm>> -> memref<1x9216xf32, #tpu.memory_space<hbm>>
        %dma_start3A_61 = tpu.memref_squeeze %dma_start3A_60 : memref<1x9216xf32, #tpu.memory_space<hbm>> -> memref<9216xf32, #tpu.memory_space<hbm>>
        tpu.enqueue_dma source(%arg6 : memref<9216xf32, #tpu.memory_space<vmem>>) target(%dma_start3A_61 : memref<9216xf32, #tpu.memory_space<hbm>>) target_semaphore(%run_scoped3A : memref<!tpu.dma_semaphore, #tpu.memory_space<semaphore_mem>>)
        %dma_wait3A_62 = arith.constant 0 : i32
        %dma_wait3A_63 = tpu.memref_slice %arg5[%add3A_14, %dma_wait3A_62] : memref<112x9216xf32, #tpu.memory_space<hbm>> -> memref<1x9216xf32, #tpu.memory_space<hbm>>
        %dma_wait3A_64 = tpu.memref_squeeze %dma_wait3A_63 : memref<1x9216xf32, #tpu.memory_space<hbm>> -> memref<9216xf32, #tpu.memory_space<hbm>>
        %dma_wait3A_65 = arith.constant 0 : i32
        %dma_wait3A_66 = tpu.memref_slice %arg5[%add3A_14, %dma_wait3A_65] : memref<112x9216xf32, #tpu.memory_space<hbm>> -> memref<1x9216xf32, #tpu.memory_space<hbm>>
        %dma_wait3A_67 = tpu.memref_squeeze %dma_wait3A_66 : memref<1x9216xf32, #tpu.memory_space<hbm>> -> memref<9216xf32, #tpu.memory_space<hbm>>
        tpu.wait_dma2 semaphore(%run_scoped3A : memref<!tpu.dma_semaphore, #tpu.memory_space<semaphore_mem>>) src(%arg6 : memref<9216xf32, #tpu.memory_space<vmem>>) dst(%dma_wait3A_67 : memref<9216xf32, #tpu.memory_space<hbm>>)
        tpu.yield
      }) : () -> ()
    } else {
    }
    %add3A_20 = arith.constant 96 : i32
    %add3A_21 = arith.addi %add3A_20, %add3A : i32
    %lt3A_22 = arith.constant 112 : i32
    %lt3A_23 = arith.cmpi slt, %add3A_21, %lt3A_22 : i32
    %convert_element_type3A_24 = arith.extui %lt3A_23 : i1 to i32
    %cond3A_25 = arith.constant 0 : i32
    %cond3A_26 = arith.cmpi ne, %convert_element_type3A_24, %cond3A_25 : i32
    scf.if %cond3A_26 {
      %mul3A_27 = arith.constant 2880 : i32
      %mul3A_28 = arith.muli %add3A_21, %mul3A_27 : i32
      %dma_start3A = tpu.memref_slice %arg2[%mul3A_28] : memref<322560xi32, #tpu.memory_space<hbm>> -> memref<2880xi32, #tpu.memory_space<hbm>>
      %dma_start3A_29 = tpu.memref_slice %arg2[%mul3A_28] : memref<322560xi32, #tpu.memory_space<hbm>> -> memref<2880xi32, #tpu.memory_space<hbm>>
      tpu.enqueue_dma source(%dma_start3A_29 : memref<2880xi32, #tpu.memory_space<hbm>>) target(%arg7 : memref<2880xi32, #tpu.memory_space<vmem>>) target_semaphore(%arg10 : memref<!tpu.dma_semaphore, #tpu.memory_space<semaphore_mem>>)
      %dma_start3A_30 = tpu.memref_slice %arg3[%mul3A_28] : memref<322560xi32, #tpu.memory_space<hbm>> -> memref<2880xi32, #tpu.memory_space<hbm>>
      %dma_start3A_31 = tpu.memref_slice %arg3[%mul3A_28] : memref<322560xi32, #tpu.memory_space<hbm>> -> memref<2880xi32, #tpu.memory_space<hbm>>
      tpu.enqueue_dma source(%dma_start3A_31 : memref<2880xi32, #tpu.memory_space<hbm>>) target(%arg8 : memref<2880xi32, #tpu.memory_space<vmem>>) target_semaphore(%arg11 : memref<!tpu.dma_semaphore, #tpu.memory_space<semaphore_mem>>)
      %dma_start3A_32 = tpu.memref_slice %arg4[%mul3A_28] : memref<322560xf32, #tpu.memory_space<hbm>> -> memref<2880xf32, #tpu.memory_space<hbm>>
      %dma_start3A_33 = tpu.memref_slice %arg4[%mul3A_28] : memref<322560xf32, #tpu.memory_space<hbm>> -> memref<2880xf32, #tpu.memory_space<hbm>>
      tpu.enqueue_dma source(%dma_start3A_33 : memref<2880xf32, #tpu.memory_space<hbm>>) target(%arg9 : memref<2880xf32, #tpu.memory_space<vmem>>) target_semaphore(%arg12 : memref<!tpu.dma_semaphore, #tpu.memory_space<semaphore_mem>>)
      %scan3A = arith.constant 0 : i32
      %scan3A_34 = arith.constant 0 : i32
      %scan3A_35 = arith.constant 36 : i32
      %scan3A_36 = arith.addi %scan3A_34, %scan3A_35 : i32
      %scan3A_37 = arith.constant 1 : i32
      %scan3A_38 = scf.for %scan3A_56 = %scan3A_34 to %scan3A_36 step %scan3A_37 iter_args(%scan3A_57 = %scan3A) -> (i32)  : i32 {
        %mul3A_58 = arith.constant 256 : i32
        %mul3A_59 = arith.muli %scan3A_56, %mul3A_58 : i32
        %add3A_60 = arith.constant 0 : i32
        %add3A_61 = arith.addi %mul3A_59, %add3A_60 : i32
        %swap3A = arith.index_cast %add3A_61 : i32 to index
        %swap3A_62 = tpu.vector_load %arg6[%swap3A] {strides = array<i32>} : memref<9216xf32, #tpu.memory_space<vmem>>, vector<16xf32>,
        tpu.vector_store %arg6[%swap3A], %broadcast_in_dim3A_1 {strides = array<i32>} : memref<9216xf32, #tpu.memory_space<vmem>>, vector<16xf32>,
        %add3A_63 = arith.constant 16 : i32
        %add3A_64 = arith.addi %mul3A_59, %add3A_63 : i32
        %swap3A_65 = arith.index_cast %add3A_64 : i32 to index
        %swap3A_66 = tpu.vector_load %arg6[%swap3A_65] {strides = array<i32>} : memref<9216xf32, #tpu.memory_space<vmem>>, vector<16xf32>,
        tpu.vector_store %arg6[%swap3A_65], %broadcast_in_dim3A_1 {strides = array<i32>} : memref<9216xf32, #tpu.memory_space<vmem>>, vector<16xf32>,
        %add3A_67 = arith.constant 32 : i32
        %add3A_68 = arith.addi %mul3A_59, %add3A_67 : i32
        %swap3A_69 = arith.index_cast %add3A_68 : i32 to index
        %swap3A_70 = tpu.vector_load %arg6[%swap3A_69] {strides = array<i32>} : memref<9216xf32, #tpu.memory_space<vmem>>, vector<16xf32>,
        tpu.vector_store %arg6[%swap3A_69], %broadcast_in_dim3A_1 {strides = array<i32>} : memref<9216xf32, #tpu.memory_space<vmem>>, vector<16xf32>,
        %add3A_71 = arith.constant 48 : i32
        %add3A_72 = arith.addi %mul3A_59, %add3A_71 : i32
        %swap3A_73 = arith.index_cast %add3A_72 : i32 to index
        %swap3A_74 = tpu.vector_load %arg6[%swap3A_73] {strides = array<i32>} : memref<9216xf32, #tpu.memory_space<vmem>>, vector<16xf32>,
        tpu.vector_store %arg6[%swap3A_73], %broadcast_in_dim3A_1 {strides = array<i32>} : memref<9216xf32, #tpu.memory_space<vmem>>, vector<16xf32>,
        %add3A_75 = arith.constant 64 : i32
        %add3A_76 = arith.addi %mul3A_59, %add3A_75 : i32
        %swap3A_77 = arith.index_cast %add3A_76 : i32 to index
        %swap3A_78 = tpu.vector_load %arg6[%swap3A_77] {strides = array<i32>} : memref<9216xf32, #tpu.memory_space<vmem>>, vector<16xf32>,
        tpu.vector_store %arg6[%swap3A_77], %broadcast_in_dim3A_1 {strides = array<i32>} : memref<9216xf32, #tpu.memory_space<vmem>>, vector<16xf32>,
        %add3A_79 = arith.constant 80 : i32
        %add3A_80 = arith.addi %mul3A_59, %add3A_79 : i32
        %swap3A_81 = arith.index_cast %add3A_80 : i32 to index
        %swap3A_82 = tpu.vector_load %arg6[%swap3A_81] {strides = array<i32>} : memref<9216xf32, #tpu.memory_space<vmem>>, vector<16xf32>,
        tpu.vector_store %arg6[%swap3A_81], %broadcast_in_dim3A_1 {strides = array<i32>} : memref<9216xf32, #tpu.memory_space<vmem>>, vector<16xf32>,
        %add3A_83 = arith.constant 96 : i32
        %add3A_84 = arith.addi %mul3A_59, %add3A_83 : i32
        %swap3A_85 = arith.index_cast %add3A_84 : i32 to index
        %swap3A_86 = tpu.vector_load %arg6[%swap3A_85] {strides = array<i32>} : memref<9216xf32, #tpu.memory_space<vmem>>, vector<16xf32>,
        tpu.vector_store %arg6[%swap3A_85], %broadcast_in_dim3A_1 {strides = array<i32>} : memref<9216xf32, #tpu.memory_space<vmem>>, vector<16xf32>,
        %add3A_87 = arith.constant 112 : i32
        %add3A_88 = arith.addi %mul3A_59, %add3A_87 : i32
        %swap3A_89 = arith.index_cast %add3A_88 : i32 to index
        %swap3A_90 = tpu.vector_load %arg6[%swap3A_89] {strides = array<i32>} : memref<9216xf32, #tpu.memory_space<vmem>>, vector<16xf32>,
        tpu.vector_store %arg6[%swap3A_89], %broadcast_in_dim3A_1 {strides = array<i32>} : memref<9216xf32, #tpu.memory_space<vmem>>, vector<16xf32>,
        %add3A_91 = arith.constant 128 : i32
        %add3A_92 = arith.addi %mul3A_59, %add3A_91 : i32
        %swap3A_93 = arith.index_cast %add3A_92 : i32 to index
        %swap3A_94 = tpu.vector_load %arg6[%swap3A_93] {strides = array<i32>} : memref<9216xf32, #tpu.memory_space<vmem>>, vector<16xf32>,
        tpu.vector_store %arg6[%swap3A_93], %broadcast_in_dim3A_1 {strides = array<i32>} : memref<9216xf32, #tpu.memory_space<vmem>>, vector<16xf32>,
        %add3A_95 = arith.constant 144 : i32
        %add3A_96 = arith.addi %mul3A_59, %add3A_95 : i32
        %swap3A_97 = arith.index_cast %add3A_96 : i32 to index
        %swap3A_98 = tpu.vector_load %arg6[%swap3A_97] {strides = array<i32>} : memref<9216xf32, #tpu.memory_space<vmem>>, vector<16xf32>,
        tpu.vector_store %arg6[%swap3A_97], %broadcast_in_dim3A_1 {strides = array<i32>} : memref<9216xf32, #tpu.memory_space<vmem>>, vector<16xf32>,
        %add3A_99 = arith.constant 160 : i32
        %add3A_100 = arith.addi %mul3A_59, %add3A_99 : i32
        %swap3A_101 = arith.index_cast %add3A_100 : i32 to index
        %swap3A_102 = tpu.vector_load %arg6[%swap3A_101] {strides = array<i32>} : memref<9216xf32, #tpu.memory_space<vmem>>, vector<16xf32>,
        tpu.vector_store %arg6[%swap3A_101], %broadcast_in_dim3A_1 {strides = array<i32>} : memref<9216xf32, #tpu.memory_space<vmem>>, vector<16xf32>,
        %add3A_103 = arith.constant 176 : i32
        %add3A_104 = arith.addi %mul3A_59, %add3A_103 : i32
        %swap3A_105 = arith.index_cast %add3A_104 : i32 to index
        %swap3A_106 = tpu.vector_load %arg6[%swap3A_105] {strides = array<i32>} : memref<9216xf32, #tpu.memory_space<vmem>>, vector<16xf32>,
        tpu.vector_store %arg6[%swap3A_105], %broadcast_in_dim3A_1 {strides = array<i32>} : memref<9216xf32, #tpu.memory_space<vmem>>, vector<16xf32>,
        %add3A_107 = arith.constant 192 : i32
        %add3A_108 = arith.addi %mul3A_59, %add3A_107 : i32
        %swap3A_109 = arith.index_cast %add3A_108 : i32 to index
        %swap3A_110 = tpu.vector_load %arg6[%swap3A_109] {strides = array<i32>} : memref<9216xf32, #tpu.memory_space<vmem>>, vector<16xf32>,
        tpu.vector_store %arg6[%swap3A_109], %broadcast_in_dim3A_1 {strides = array<i32>} : memref<9216xf32, #tpu.memory_space<vmem>>, vector<16xf32>,
        %add3A_111 = arith.constant 208 : i32
        %add3A_112 = arith.addi %mul3A_59, %add3A_111 : i32
        %swap3A_113 = arith.index_cast %add3A_112 : i32 to index
        %swap3A_114 = tpu.vector_load %arg6[%swap3A_113] {strides = array<i32>} : memref<9216xf32, #tpu.memory_space<vmem>>, vector<16xf32>,
        tpu.vector_store %arg6[%swap3A_113], %broadcast_in_dim3A_1 {strides = array<i32>} : memref<9216xf32, #tpu.memory_space<vmem>>, vector<16xf32>,
        %add3A_115 = arith.constant 224 : i32
        %add3A_116 = arith.addi %mul3A_59, %add3A_115 : i32
        %swap3A_117 = arith.index_cast %add3A_116 : i32 to index
        %swap3A_118 = tpu.vector_load %arg6[%swap3A_117] {strides = array<i32>} : memref<9216xf32, #tpu.memory_space<vmem>>, vector<16xf32>,
        tpu.vector_store %arg6[%swap3A_117], %broadcast_in_dim3A_1 {strides = array<i32>} : memref<9216xf32, #tpu.memory_space<vmem>>, vector<16xf32>,
        %add3A_119 = arith.constant 240 : i32
        %add3A_120 = arith.addi %mul3A_59, %add3A_119 : i32
        %swap3A_121 = arith.index_cast %add3A_120 : i32 to index
        %swap3A_122 = tpu.vector_load %arg6[%swap3A_121] {strides = array<i32>} : memref<9216xf32, #tpu.memory_space<vmem>>, vector<16xf32>,
        tpu.vector_store %arg6[%swap3A_121], %broadcast_in_dim3A_1 {strides = array<i32>} : memref<9216xf32, #tpu.memory_space<vmem>>, vector<16xf32>,
        %scan3A_123 = arith.constant 0 : i32
        scf.yield %scan3A_123 : i32
      }
      %scan3A_39 = arith.constant 36 : i32
      %dma_wait3A = tpu.memref_slice %arg2[%mul3A_28] : memref<322560xi32, #tpu.memory_space<hbm>> -> memref<2880xi32, #tpu.memory_space<hbm>>
      %dma_wait3A_40 = tpu.memref_slice %arg2[%mul3A_28] : memref<322560xi32, #tpu.memory_space<hbm>> -> memref<2880xi32, #tpu.memory_space<hbm>>
      tpu.wait_dma2 semaphore(%arg10 : memref<!tpu.dma_semaphore, #tpu.memory_space<semaphore_mem>>) src(%dma_wait3A_40 : memref<2880xi32, #tpu.memory_space<hbm>>) dst(%arg7 : memref<2880xi32, #tpu.memory_space<vmem>>)
      %dma_wait3A_41 = tpu.memref_slice %arg3[%mul3A_28] : memref<322560xi32, #tpu.memory_space<hbm>> -> memref<2880xi32, #tpu.memory_space<hbm>>
      %dma_wait3A_42 = tpu.memref_slice %arg3[%mul3A_28] : memref<322560xi32, #tpu.memory_space<hbm>> -> memref<2880xi32, #tpu.memory_space<hbm>>
      tpu.wait_dma2 semaphore(%arg11 : memref<!tpu.dma_semaphore, #tpu.memory_space<semaphore_mem>>) src(%dma_wait3A_42 : memref<2880xi32, #tpu.memory_space<hbm>>) dst(%arg8 : memref<2880xi32, #tpu.memory_space<vmem>>)
      %dma_wait3A_43 = tpu.memref_slice %arg4[%mul3A_28] : memref<322560xf32, #tpu.memory_space<hbm>> -> memref<2880xf32, #tpu.memory_space<hbm>>
      %dma_wait3A_44 = tpu.memref_slice %arg4[%mul3A_28] : memref<322560xf32, #tpu.memory_space<hbm>> -> memref<2880xf32, #tpu.memory_space<hbm>>
      tpu.wait_dma2 semaphore(%arg12 : memref<!tpu.dma_semaphore, #tpu.memory_space<semaphore_mem>>) src(%dma_wait3A_44 : memref<2880xf32, #tpu.memory_space<hbm>>) dst(%arg9 : memref<2880xf32, #tpu.memory_space<vmem>>)
      %mul3A_45 = arith.constant 90 : i32
      %mul3A_46 = arith.muli %add3A_21, %mul3A_45 : i32
      %mul3A_47 = arith.constant 97 : i32
      %mul3A_48 = arith.muli %mul3A_46, %mul3A_47 : i32
      %scan3A_49 = arith.constant 0 : i32
      %scan3A_50 = arith.constant 0 : i32
      %scan3A_51 = arith.constant 45 : i32
      %scan3A_52 = arith.addi %scan3A_50, %scan3A_51 : i32
      %scan3A_53 = arith.constant 1 : i32
      %scan3A_54 = scf.for %scan3A_56 = %scan3A_50 to %scan3A_52 step %scan3A_53 iter_args(%scan3A_57 = %scan3A_49) -> (i32)  : i32 {
        %mul3A_58 = arith.constant 64 : i32
        %mul3A_59 = arith.muli %scan3A_56, %mul3A_58 : i32
        %add3A_60 = arith.constant 0 : i32
        %add3A_61 = arith.addi %mul3A_59, %add3A_60 : i32
        %get3A = arith.index_cast %add3A_61 : i32 to index
        %get3A_62 = tpu.vector_load %arg7[%get3A] {strides = array<i32>} : memref<2880xi32, #tpu.memory_space<vmem>>, vector<16xi32>,
        %get3A_63 = arith.index_cast %add3A_61 : i32 to index
        %get3A_64 = tpu.vector_load %arg8[%get3A_63] {strides = array<i32>} : memref<2880xi32, #tpu.memory_space<vmem>>, vector<16xi32>,
        %get3A_65 = arith.index_cast %add3A_61 : i32 to index
        %get3A_66 = tpu.vector_load %arg9[%get3A_65] {strides = array<i32>} : memref<2880xf32, #tpu.memory_space<vmem>>, vector<16xf32>,
        %mul3A_67 = arith.constant 96 : i32
        %mul3A_68 = vector.broadcast %mul3A_67 : i32 to vector<16xi32>
        %mul3A_69 = arith.muli %get3A_64, %mul3A_68 : vector<16xi32>
        %add3A_70 = arith.addi %mul3A_69, %get3A_62 : vector<16xi32>
        %sub3A = vector.broadcast %mul3A_48 : i32 to vector<16xi32>
        %sub3A_71 = arith.subi %add3A_70, %sub3A : vector<16xi32>
        tpu.vector_store_idx %arg6[%sub3A_71], %get3A_66 {add = true} : memref<9216xf32, #tpu.memory_space<vmem>>[vector<16xi32>], vector<16xf32>,
        %add3A_72 = arith.constant 16 : i32
        %add3A_73 = arith.addi %mul3A_59, %add3A_72 : i32
        %get3A_74 = arith.index_cast %add3A_73 : i32 to index
        %get3A_75 = tpu.vector_load %arg7[%get3A_74] {strides = array<i32>} : memref<2880xi32, #tpu.memory_space<vmem>>, vector<16xi32>,
        %get3A_76 = arith.index_cast %add3A_73 : i32 to index
        %get3A_77 = tpu.vector_load %arg8[%get3A_76] {strides = array<i32>} : memref<2880xi32, #tpu.memory_space<vmem>>, vector<16xi32>,
        %get3A_78 = arith.index_cast %add3A_73 : i32 to index
        %get3A_79 = tpu.vector_load %arg9[%get3A_78] {strides = array<i32>} : memref<2880xf32, #tpu.memory_space<vmem>>, vector<16xf32>,
        %mul3A_80 = arith.constant 96 : i32
        %mul3A_81 = vector.broadcast %mul3A_80 : i32 to vector<16xi32>
        %mul3A_82 = arith.muli %get3A_77, %mul3A_81 : vector<16xi32>
        %add3A_83 = arith.addi %mul3A_82, %get3A_75 : vector<16xi32>
        %sub3A_84 = vector.broadcast %mul3A_48 : i32 to vector<16xi32>
        %sub3A_85 = arith.subi %add3A_83, %sub3A_84 : vector<16xi32>
        tpu.vector_store_idx %arg6[%sub3A_85], %get3A_79 {add = true} : memref<9216xf32, #tpu.memory_space<vmem>>[vector<16xi32>], vector<16xf32>,
        %add3A_86 = arith.constant 32 : i32
        %add3A_87 = arith.addi %mul3A_59, %add3A_86 : i32
        %get3A_88 = arith.index_cast %add3A_87 : i32 to index
        %get3A_89 = tpu.vector_load %arg7[%get3A_88] {strides = array<i32>} : memref<2880xi32, #tpu.memory_space<vmem>>, vector<16xi32>,
        %get3A_90 = arith.index_cast %add3A_87 : i32 to index
        %get3A_91 = tpu.vector_load %arg8[%get3A_90] {strides = array<i32>} : memref<2880xi32, #tpu.memory_space<vmem>>, vector<16xi32>,
        %get3A_92 = arith.index_cast %add3A_87 : i32 to index
        %get3A_93 = tpu.vector_load %arg9[%get3A_92] {strides = array<i32>} : memref<2880xf32, #tpu.memory_space<vmem>>, vector<16xf32>,
        %mul3A_94 = arith.constant 96 : i32
        %mul3A_95 = vector.broadcast %mul3A_94 : i32 to vector<16xi32>
        %mul3A_96 = arith.muli %get3A_91, %mul3A_95 : vector<16xi32>
        %add3A_97 = arith.addi %mul3A_96, %get3A_89 : vector<16xi32>
        %sub3A_98 = vector.broadcast %mul3A_48 : i32 to vector<16xi32>
        %sub3A_99 = arith.subi %add3A_97, %sub3A_98 : vector<16xi32>
        tpu.vector_store_idx %arg6[%sub3A_99], %get3A_93 {add = true} : memref<9216xf32, #tpu.memory_space<vmem>>[vector<16xi32>], vector<16xf32>,
        %add3A_100 = arith.constant 48 : i32
        %add3A_101 = arith.addi %mul3A_59, %add3A_100 : i32
        %get3A_102 = arith.index_cast %add3A_101 : i32 to index
        %get3A_103 = tpu.vector_load %arg7[%get3A_102] {strides = array<i32>} : memref<2880xi32, #tpu.memory_space<vmem>>, vector<16xi32>,
        %get3A_104 = arith.index_cast %add3A_101 : i32 to index
        %get3A_105 = tpu.vector_load %arg8[%get3A_104] {strides = array<i32>} : memref<2880xi32, #tpu.memory_space<vmem>>, vector<16xi32>,
        %get3A_106 = arith.index_cast %add3A_101 : i32 to index
        %get3A_107 = tpu.vector_load %arg9[%get3A_106] {strides = array<i32>} : memref<2880xf32, #tpu.memory_space<vmem>>, vector<16xf32>,
        %mul3A_108 = arith.constant 96 : i32
        %mul3A_109 = vector.broadcast %mul3A_108 : i32 to vector<16xi32>
        %mul3A_110 = arith.muli %get3A_105, %mul3A_109 : vector<16xi32>
        %add3A_111 = arith.addi %mul3A_110, %get3A_103 : vector<16xi32>
        %sub3A_112 = vector.broadcast %mul3A_48 : i32 to vector<16xi32>
        %sub3A_113 = arith.subi %add3A_111, %sub3A_112 : vector<16xi32>
        tpu.vector_store_idx %arg6[%sub3A_113], %get3A_107 {add = true} : memref<9216xf32, #tpu.memory_space<vmem>>[vector<16xi32>], vector<16xf32>,
        %scan3A_114 = arith.constant 0 : i32
        scf.yield %scan3A_114 : i32
      }
      %scan3A_55 = arith.constant 45 : i32
      "tpu.region"() ({
        %run_scoped3A = tpu.sem_alloc : memref<!tpu.dma_semaphore, #tpu.memory_space<semaphore_mem>>
        %dma_start3A_56 = arith.constant 0 : i32
        %dma_start3A_57 = tpu.memref_slice %arg5[%add3A_21, %dma_start3A_56] : memref<112x9216xf32, #tpu.memory_space<hbm>> -> memref<1x9216xf32, #tpu.memory_space<hbm>>
        %dma_start3A_58 = tpu.memref_squeeze %dma_start3A_57 : memref<1x9216xf32, #tpu.memory_space<hbm>> -> memref<9216xf32, #tpu.memory_space<hbm>>
        %dma_start3A_59 = arith.constant 0 : i32
        %dma_start3A_60 = tpu.memref_slice %arg5[%add3A_21, %dma_start3A_59] : memref<112x9216xf32, #tpu.memory_space<hbm>> -> memref<1x9216xf32, #tpu.memory_space<hbm>>
        %dma_start3A_61 = tpu.memref_squeeze %dma_start3A_60 : memref<1x9216xf32, #tpu.memory_space<hbm>> -> memref<9216xf32, #tpu.memory_space<hbm>>
        tpu.enqueue_dma source(%arg6 : memref<9216xf32, #tpu.memory_space<vmem>>) target(%dma_start3A_61 : memref<9216xf32, #tpu.memory_space<hbm>>) target_semaphore(%run_scoped3A : memref<!tpu.dma_semaphore, #tpu.memory_space<semaphore_mem>>)
        %dma_wait3A_62 = arith.constant 0 : i32
        %dma_wait3A_63 = tpu.memref_slice %arg5[%add3A_21, %dma_wait3A_62] : memref<112x9216xf32, #tpu.memory_space<hbm>> -> memref<1x9216xf32, #tpu.memory_space<hbm>>
        %dma_wait3A_64 = tpu.memref_squeeze %dma_wait3A_63 : memref<1x9216xf32, #tpu.memory_space<hbm>> -> memref<9216xf32, #tpu.memory_space<hbm>>
        %dma_wait3A_65 = arith.constant 0 : i32
        %dma_wait3A_66 = tpu.memref_slice %arg5[%add3A_21, %dma_wait3A_65] : memref<112x9216xf32, #tpu.memory_space<hbm>> -> memref<1x9216xf32, #tpu.memory_space<hbm>>
        %dma_wait3A_67 = tpu.memref_squeeze %dma_wait3A_66 : memref<1x9216xf32, #tpu.memory_space<hbm>> -> memref<9216xf32, #tpu.memory_space<hbm>>
        tpu.wait_dma2 semaphore(%run_scoped3A : memref<!tpu.dma_semaphore, #tpu.memory_space<semaphore_mem>>) src(%arg6 : memref<9216xf32, #tpu.memory_space<vmem>>) dst(%dma_wait3A_67 : memref<9216xf32, #tpu.memory_space<hbm>>)
        tpu.yield
      }) : () -> ()
    } else {
    }
    return
  }
}

module attributes {stable_mosaic.version = 14 : i64} {
  func.func @_xw1_body(%arg0: i32, %arg1: memref<2520x128xf32, #tpu.memory_space<vmem>>, %arg2: memref<128x256xbf16, #tpu.memory_space<vmem>>, %arg3: memref<2520x256xbf16, #tpu.memory_space<vmem>>) attributes {dimension_semantics = [#tpu.dimension_semantics<arbitrary>], iteration_bounds = array<i64: 4>, scalar_prefetch = 0 : i64, scratch_operands = 0 : i64, tpu.core_type = #tpu.core_type<tc>, window_params = [{transform_indices = @transform_0, window_bounds = array<i64: 2520, 128>}, {pipeline_mode = #tpu.pipeline_mode<synchronous>, transform_indices = @transform_1, window_bounds = array<i64: 128, 256>}, {transform_indices = @transform_2, window_bounds = array<i64: 2520, 256>}]} {
    %get3A = arith.constant 0 : index
    %get3A_0 = arith.constant 0 : index
    %get3A_1 = vector.load %arg1[%get3A, %get3A_0] : memref<2520x128xf32, #tpu.memory_space<vmem>>, vector<2520x128xf32>
    %convert_element_type3A = arith.truncf %get3A_1 : vector<2520x128xf32> to vector<2520x128xbf16>
    %get3A_2 = arith.constant 0 : index
    %get3A_3 = arith.constant 0 : index
    %get3A_4 = vector.load %arg2[%get3A_2, %get3A_3] : memref<128x256xbf16, #tpu.memory_space<vmem>>, vector<128x256xbf16>
    %dot_general3A = arith.constant dense<0.000000e+00> : vector<2520x256xf32>
    %dot_general3A_5 = tpu.matmul %convert_element_type3A, %get3A_4, %dot_general3A {dimension_numbers = #tpu.dot_dimension_numbers<[1], [0], [0], [1], [0, 0, 1, 1], [], []>, transpose_lhs_hint = false} : vector<2520x128xbf16>, vector<128x256xbf16>, vector<2520x256xf32> -> vector<2520x256xf32>
    %convert_element_type3A_6 = arith.truncf %dot_general3A_5 : vector<2520x256xf32> to vector<2520x256xbf16>
    %swap3A = arith.constant 0 : index
    %swap3A_7 = arith.constant 0 : index
    %swap3A_8 = vector.load %arg3[%swap3A, %swap3A_7] : memref<2520x256xbf16, #tpu.memory_space<vmem>>, vector<2520x256xbf16>
    tpu.vector_store %arg3[%swap3A, %swap3A_7], %convert_element_type3A_6 {strides = array<i32>} : memref<2520x256xbf16, #tpu.memory_space<vmem>>, vector<2520x256xbf16>,
    return
  }
  func.func @transform_0(%arg0: i32) -> (i32, i32) {
    %c0_i32 = arith.constant 0 : i32
    %c0_i32_0 = arith.constant 0 : i32
    return %arg0, %c0_i32 : i32, i32
  }
  func.func @transform_1(%arg0: i32) -> (i32, i32) {
    %c0_i32 = arith.constant 0 : i32
    %c0_i32_0 = arith.constant 0 : i32
    %c0_i32_1 = arith.constant 0 : i32
    return %c0_i32, %c0_i32_0 : i32, i32
  }
  func.func @transform_2(%arg0: i32) -> (i32, i32) {
    %c0_i32 = arith.constant 0 : i32
    %c0_i32_0 = arith.constant 0 : i32
    return %arg0, %c0_i32 : i32, i32
  }
}

module attributes {stable_mosaic.version = 14 : i64} {
  func.func @_conv_body(%arg0: i32, %arg1: memref<16x96x96xf32, #tpu.memory_space<vmem>>, %arg2: memref<1440x256xbf16, #tpu.memory_space<vmem>>, %arg3: memref<1x256xf32, #tpu.memory_space<vmem>>, %arg4: memref<256x256xbf16, #tpu.memory_space<vmem>>, %arg5: memref<1x256xf32, #tpu.memory_space<vmem>>, %arg6: memref<90x16x256xbf16, #tpu.memory_space<vmem>>, %arg7: memref<90x16x256xbf16, #tpu.memory_space<vmem>>) attributes {dimension_semantics = [#tpu.dimension_semantics<arbitrary>], iteration_bounds = array<i64: 7>, scalar_prefetch = 0 : i64, scratch_operands = 0 : i64, tpu.core_type = #tpu.core_type<tc>, window_params = [{transform_indices = @transform_0, window_bounds = array<i64: 16, 96, 96>}, {transform_indices = @transform_1, window_bounds = array<i64: 1440, 256>}, {pipeline_mode = #tpu.pipeline_mode<synchronous>, transform_indices = @transform_2, window_bounds = array<i64: 1, 256>}, {pipeline_mode = #tpu.pipeline_mode<synchronous>, transform_indices = @transform_3, window_bounds = array<i64: 256, 256>}, {pipeline_mode = #tpu.pipeline_mode<synchronous>, transform_indices = @transform_4, window_bounds = array<i64: 1, 256>}, {transform_indices = @transform_5, window_bounds = array<i64: 90, 16, 256>}, {transform_indices = @transform_6, window_bounds = array<i64: 90, 16, 256>}]} {
    %iota3A = tpu.iota {dimensions = array<i32: 0>} : vector<90x90xi32>
    %iota3A_0 = tpu.iota {dimensions = array<i32: 1>} : vector<90x90xi32>
    %eq3A = arith.cmpi eq, %iota3A, %iota3A_0 : vector<90x90xi32>
    %jit3A = arith.constant 1.000000e+00 : f32
    %jit3A_1 = arith.constant 0.000000e+00 : f32
    %broadcast_in_dim3A = vector.broadcast %jit3A : f32 to vector<90x90xf32>
    %broadcast_in_dim3A_2 = vector.broadcast %jit3A_1 : f32 to vector<90x90xf32>
    %select_n3A = arith.select %eq3A, %broadcast_in_dim3A, %broadcast_in_dim3A_2 : vector<90x90xi1>, vector<90x90xf32>
    %get3A = arith.constant 0 : index
    %get3A_3 = arith.constant 0 : index
    %get3A_4 = vector.load %arg2[%get3A, %get3A_3] : memref<1440x256xbf16, #tpu.memory_space<vmem>>, vector<1440x256xbf16>
    %get3A_5 = arith.constant 0 : index
    %get3A_6 = arith.constant 0 : index
    %get3A_7 = arith.constant 0 : index
    %get3A_8 = vector.load %arg1[%get3A_5, %get3A_6, %get3A_7] : memref<16x96x96xf32, #tpu.memory_space<vmem>>, vector<1x90x90xf32>
    %get3A_9 = vector.shape_cast %get3A_8 : vector<1x90x90xf32> to vector<90x90xf32>
    %reduce_sum3A = arith.constant dense<0.000000e+00> : vector<90xf32>
    %reduce_sum3A_10 = vector.multi_reduction <add>, %get3A_9, %reduce_sum3A [1] : vector<90x90xf32> to vector<90xf32>
    %broadcast_in_dim3A_11 = vector.shape_cast %reduce_sum3A_10 : vector<90xf32> to vector<90x1xf32>
    %add3A = arith.constant 1.000000e+00 : f32
    %add3A_12 = vector.broadcast %add3A : f32 to vector<90x1xf32>
    %add3A_13 = arith.addf %broadcast_in_dim3A_11, %add3A_12 : vector<90x1xf32>
    %gt3A = arith.constant 0.000000e+00 : f32
    %gt3A_14 = vector.broadcast %gt3A : f32 to vector<90x1xf32>
    %gt3A_15 = arith.cmpf ogt, %add3A_13, %gt3A_14 : vector<90x1xf32>
    %rsqrt3A = math.rsqrt %add3A_13 : vector<90x1xf32>
    %jit3A_16 = arith.constant 0.000000e+00 : f32
    %broadcast_in_dim3A_17 = vector.broadcast %jit3A_16 : f32 to vector<90x1xf32>
    %select_n3A_18 = arith.select %gt3A_15, %rsqrt3A, %broadcast_in_dim3A_17 : vector<90x1xi1>, vector<90x1xf32>
    %add3A_19 = arith.addf %get3A_9, %select_n3A : vector<90x90xf32>
    %convert_element_type3A = arith.truncf %add3A_19 : vector<90x90xf32> to vector<90x90xbf16>
    %slice3A = vector.extract_strided_slice %get3A_4 {offsets = [0, 0], sizes = [90, 256], strides = [1, 1]} : vector<1440x256xbf16> to vector<90x256xbf16>
    %convert_element_type3A_20 = arith.extf %slice3A : vector<90x256xbf16> to vector<90x256xf32>
    %mul3A = vector.broadcast %select_n3A_18 : vector<90x1xf32> to vector<90x256xf32>
    %mul3A_21 = arith.mulf %mul3A, %convert_element_type3A_20 : vector<90x256xf32>
    %convert_element_type3A_22 = arith.truncf %mul3A_21 : vector<90x256xf32> to vector<90x256xbf16>
    %dot_general3A = arith.constant dense<0.000000e+00> : vector<90x256xf32>
    %dot_general3A_23 = tpu.matmul %convert_element_type3A, %convert_element_type3A_22, %dot_general3A {dimension_numbers = #tpu.dot_dimension_numbers<[1], [0], [0], [1], [0, 0, 1, 1], [], []>, transpose_lhs_hint = false} : vector<90x90xbf16>, vector<90x256xbf16>, vector<90x256xf32> -> vector<90x256xf32>
    %mul3A_24 = vector.broadcast %select_n3A_18 : vector<90x1xf32> to vector<90x256xf32>
    %mul3A_25 = arith.mulf %mul3A_24, %dot_general3A_23 : vector<90x256xf32>
    %get3A_26 = arith.constant 0 : index
    %get3A_27 = arith.constant 0 : index
    %get3A_28 = vector.load %arg3[%get3A_26, %get3A_27] : memref<1x256xf32, #tpu.memory_space<vmem>>, vector<1x256xf32>
    %add3A_29 = vector.broadcast %get3A_28 : vector<1x256xf32> to vector<90x256xf32>
    %add3A_30 = arith.addf %mul3A_25, %add3A_29 : vector<90x256xf32>
    %max3A = arith.constant 0.000000e+00 : f32
    %max3A_31 = vector.broadcast %max3A : f32 to vector<90x256xf32>
    %max3A_32 = arith.maximumf %add3A_30, %max3A_31 : vector<90x256xf32>
    %convert_element_type3A_33 = arith.truncf %max3A_32 : vector<90x256xf32> to vector<90x256xbf16>
    %swap3A = arith.constant 0 : index
    %swap3A_34 = arith.constant 0 : index
    %swap3A_35 = arith.constant 0 : index
    %swap3A_36 = vector.load %arg6[%swap3A, %swap3A_34, %swap3A_35] : memref<90x16x256xbf16, #tpu.memory_space<vmem>>, vector<90x1x256xbf16>
    %swap3A_37 = vector.shape_cast %swap3A_36 : vector<90x1x256xbf16> to vector<90x256xbf16>
    %swap3A_38 = vector.shape_cast %convert_element_type3A_33 : vector<90x256xbf16> to vector<90x1x256xbf16>
    tpu.vector_store %arg6[%swap3A, %swap3A_34, %swap3A_35], %swap3A_38 {strides = array<i32>} : memref<90x16x256xbf16, #tpu.memory_space<vmem>>, vector<90x1x256xbf16>,
    %get3A_39 = arith.constant 1 : index
    %get3A_40 = arith.constant 0 : index
    %get3A_41 = arith.constant 0 : index
    %get3A_42 = vector.load %arg1[%get3A_39, %get3A_40, %get3A_41] : memref<16x96x96xf32, #tpu.memory_space<vmem>>, vector<1x90x90xf32>
    %get3A_43 = vector.shape_cast %get3A_42 : vector<1x90x90xf32> to vector<90x90xf32>
    %reduce_sum3A_44 = arith.constant dense<0.000000e+00> : vector<90xf32>
    %reduce_sum3A_45 = vector.multi_reduction <add>, %get3A_43, %reduce_sum3A_44 [1] : vector<90x90xf32> to vector<90xf32>
    %broadcast_in_dim3A_46 = vector.shape_cast %reduce_sum3A_45 : vector<90xf32> to vector<90x1xf32>
    %add3A_47 = arith.constant 1.000000e+00 : f32
    %add3A_48 = vector.broadcast %add3A_47 : f32 to vector<90x1xf32>
    %add3A_49 = arith.addf %broadcast_in_dim3A_46, %add3A_48 : vector<90x1xf32>
    %gt3A_50 = arith.constant 0.000000e+00 : f32
    %gt3A_51 = vector.broadcast %gt3A_50 : f32 to vector<90x1xf32>
    %gt3A_52 = arith.cmpf ogt, %add3A_49, %gt3A_51 : vector<90x1xf32>
    %rsqrt3A_53 = math.rsqrt %add3A_49 : vector<90x1xf32>
    %jit3A_54 = arith.constant 0.000000e+00 : f32
    %broadcast_in_dim3A_55 = vector.broadcast %jit3A_54 : f32 to vector<90x1xf32>
    %select_n3A_56 = arith.select %gt3A_52, %rsqrt3A_53, %broadcast_in_dim3A_55 : vector<90x1xi1>, vector<90x1xf32>
    %add3A_57 = arith.addf %get3A_43, %select_n3A : vector<90x90xf32>
    %convert_element_type3A_58 = arith.truncf %add3A_57 : vector<90x90xf32> to vector<90x90xbf16>
    %slice3A_59 = vector.extract_strided_slice %get3A_4 {offsets = [90, 0], sizes = [90, 256], strides = [1, 1]} : vector<1440x256xbf16> to vector<90x256xbf16>
    %convert_element_type3A_60 = arith.extf %slice3A_59 : vector<90x256xbf16> to vector<90x256xf32>
    %mul3A_61 = vector.broadcast %select_n3A_56 : vector<90x1xf32> to vector<90x256xf32>
    %mul3A_62 = arith.mulf %mul3A_61, %convert_element_type3A_60 : vector<90x256xf32>
    %convert_element_type3A_63 = arith.truncf %mul3A_62 : vector<90x256xf32> to vector<90x256xbf16>
    %dot_general3A_64 = arith.constant dense<0.000000e+00> : vector<90x256xf32>
    %dot_general3A_65 = tpu.matmul %convert_element_type3A_58, %convert_element_type3A_63, %dot_general3A_64 {dimension_numbers = #tpu.dot_dimension_numbers<[1], [0], [0], [1], [0, 0, 1, 1], [], []>, transpose_lhs_hint = false} : vector<90x90xbf16>, vector<90x256xbf16>, vector<90x256xf32> -> vector<90x256xf32>
    %mul3A_66 = vector.broadcast %select_n3A_56 : vector<90x1xf32> to vector<90x256xf32>
    %mul3A_67 = arith.mulf %mul3A_66, %dot_general3A_65 : vector<90x256xf32>
    %get3A_68 = arith.constant 0 : index
    %get3A_69 = arith.constant 0 : index
    %get3A_70 = vector.load %arg3[%get3A_68, %get3A_69] : memref<1x256xf32, #tpu.memory_space<vmem>>, vector<1x256xf32>
    %add3A_71 = vector.broadcast %get3A_70 : vector<1x256xf32> to vector<90x256xf32>
    %add3A_72 = arith.addf %mul3A_67, %add3A_71 : vector<90x256xf32>
    %max3A_73 = arith.constant 0.000000e+00 : f32
    %max3A_74 = vector.broadcast %max3A_73 : f32 to vector<90x256xf32>
    %max3A_75 = arith.maximumf %add3A_72, %max3A_74 : vector<90x256xf32>
    %convert_element_type3A_76 = arith.truncf %max3A_75 : vector<90x256xf32> to vector<90x256xbf16>
    %swap3A_77 = arith.constant 0 : index
    %swap3A_78 = arith.constant 1 : index
    %swap3A_79 = arith.constant 0 : index
    %swap3A_80 = vector.load %arg6[%swap3A_77, %swap3A_78, %swap3A_79] : memref<90x16x256xbf16, #tpu.memory_space<vmem>>, vector<90x1x256xbf16>
    %swap3A_81 = vector.shape_cast %swap3A_80 : vector<90x1x256xbf16> to vector<90x256xbf16>
    %swap3A_82 = vector.shape_cast %convert_element_type3A_76 : vector<90x256xbf16> to vector<90x1x256xbf16>
    tpu.vector_store %arg6[%swap3A_77, %swap3A_78, %swap3A_79], %swap3A_82 {strides = array<i32>} : memref<90x16x256xbf16, #tpu.memory_space<vmem>>, vector<90x1x256xbf16>,
    %get3A_83 = arith.constant 2 : index
    %get3A_84 = arith.constant 0 : index
    %get3A_85 = arith.constant 0 : index
    %get3A_86 = vector.load %arg1[%get3A_83, %get3A_84, %get3A_85] : memref<16x96x96xf32, #tpu.memory_space<vmem>>, vector<1x90x90xf32>
    %get3A_87 = vector.shape_cast %get3A_86 : vector<1x90x90xf32> to vector<90x90xf32>
    %reduce_sum3A_88 = arith.constant dense<0.000000e+00> : vector<90xf32>
    %reduce_sum3A_89 = vector.multi_reduction <add>, %get3A_87, %reduce_sum3A_88 [1] : vector<90x90xf32> to vector<90xf32>
    %broadcast_in_dim3A_90 = vector.shape_cast %reduce_sum3A_89 : vector<90xf32> to vector<90x1xf32>
    %add3A_91 = arith.constant 1.000000e+00 : f32
    %add3A_92 = vector.broadcast %add3A_91 : f32 to vector<90x1xf32>
    %add3A_93 = arith.addf %broadcast_in_dim3A_90, %add3A_92 : vector<90x1xf32>
    %gt3A_94 = arith.constant 0.000000e+00 : f32
    %gt3A_95 = vector.broadcast %gt3A_94 : f32 to vector<90x1xf32>
    %gt3A_96 = arith.cmpf ogt, %add3A_93, %gt3A_95 : vector<90x1xf32>
    %rsqrt3A_97 = math.rsqrt %add3A_93 : vector<90x1xf32>
    %jit3A_98 = arith.constant 0.000000e+00 : f32
    %broadcast_in_dim3A_99 = vector.broadcast %jit3A_98 : f32 to vector<90x1xf32>
    %select_n3A_100 = arith.select %gt3A_96, %rsqrt3A_97, %broadcast_in_dim3A_99 : vector<90x1xi1>, vector<90x1xf32>
    %add3A_101 = arith.addf %get3A_87, %select_n3A : vector<90x90xf32>
    %convert_element_type3A_102 = arith.truncf %add3A_101 : vector<90x90xf32> to vector<90x90xbf16>
    %slice3A_103 = vector.extract_strided_slice %get3A_4 {offsets = [180, 0], sizes = [90, 256], strides = [1, 1]} : vector<1440x256xbf16> to vector<90x256xbf16>
    %convert_element_type3A_104 = arith.extf %slice3A_103 : vector<90x256xbf16> to vector<90x256xf32>
    %mul3A_105 = vector.broadcast %select_n3A_100 : vector<90x1xf32> to vector<90x256xf32>
    %mul3A_106 = arith.mulf %mul3A_105, %convert_element_type3A_104 : vector<90x256xf32>
    %convert_element_type3A_107 = arith.truncf %mul3A_106 : vector<90x256xf32> to vector<90x256xbf16>
    %dot_general3A_108 = arith.constant dense<0.000000e+00> : vector<90x256xf32>
    %dot_general3A_109 = tpu.matmul %convert_element_type3A_102, %convert_element_type3A_107, %dot_general3A_108 {dimension_numbers = #tpu.dot_dimension_numbers<[1], [0], [0], [1], [0, 0, 1, 1], [], []>, transpose_lhs_hint = false} : vector<90x90xbf16>, vector<90x256xbf16>, vector<90x256xf32> -> vector<90x256xf32>
    %mul3A_110 = vector.broadcast %select_n3A_100 : vector<90x1xf32> to vector<90x256xf32>
    %mul3A_111 = arith.mulf %mul3A_110, %dot_general3A_109 : vector<90x256xf32>
    %get3A_112 = arith.constant 0 : index
    %get3A_113 = arith.constant 0 : index
    %get3A_114 = vector.load %arg3[%get3A_112, %get3A_113] : memref<1x256xf32, #tpu.memory_space<vmem>>, vector<1x256xf32>
    %add3A_115 = vector.broadcast %get3A_114 : vector<1x256xf32> to vector<90x256xf32>
    %add3A_116 = arith.addf %mul3A_111, %add3A_115 : vector<90x256xf32>
    %max3A_117 = arith.constant 0.000000e+00 : f32
    %max3A_118 = vector.broadcast %max3A_117 : f32 to vector<90x256xf32>
    %max3A_119 = arith.maximumf %add3A_116, %max3A_118 : vector<90x256xf32>
    %convert_element_type3A_120 = arith.truncf %max3A_119 : vector<90x256xf32> to vector<90x256xbf16>
    %swap3A_121 = arith.constant 0 : index
    %swap3A_122 = arith.constant 2 : index
    %swap3A_123 = arith.constant 0 : index
    %swap3A_124 = vector.load %arg6[%swap3A_121, %swap3A_122, %swap3A_123] : memref<90x16x256xbf16, #tpu.memory_space<vmem>>, vector<90x1x256xbf16>
    %swap3A_125 = vector.shape_cast %swap3A_124 : vector<90x1x256xbf16> to vector<90x256xbf16>
    %swap3A_126 = vector.shape_cast %convert_element_type3A_120 : vector<90x256xbf16> to vector<90x1x256xbf16>
    tpu.vector_store %arg6[%swap3A_121, %swap3A_122, %swap3A_123], %swap3A_126 {strides = array<i32>} : memref<90x16x256xbf16, #tpu.memory_space<vmem>>, vector<90x1x256xbf16>,
    %get3A_127 = arith.constant 3 : index
    %get3A_128 = arith.constant 0 : index
    %get3A_129 = arith.constant 0 : index
    %get3A_130 = vector.load %arg1[%get3A_127, %get3A_128, %get3A_129] : memref<16x96x96xf32, #tpu.memory_space<vmem>>, vector<1x90x90xf32>
    %get3A_131 = vector.shape_cast %get3A_130 : vector<1x90x90xf32> to vector<90x90xf32>
    %reduce_sum3A_132 = arith.constant dense<0.000000e+00> : vector<90xf32>
    %reduce_sum3A_133 = vector.multi_reduction <add>, %get3A_131, %reduce_sum3A_132 [1] : vector<90x90xf32> to vector<90xf32>
    %broadcast_in_dim3A_134 = vector.shape_cast %reduce_sum3A_133 : vector<90xf32> to vector<90x1xf32>
    %add3A_135 = arith.constant 1.000000e+00 : f32
    %add3A_136 = vector.broadcast %add3A_135 : f32 to vector<90x1xf32>
    %add3A_137 = arith.addf %broadcast_in_dim3A_134, %add3A_136 : vector<90x1xf32>
    %gt3A_138 = arith.constant 0.000000e+00 : f32
    %gt3A_139 = vector.broadcast %gt3A_138 : f32 to vector<90x1xf32>
    %gt3A_140 = arith.cmpf ogt, %add3A_137, %gt3A_139 : vector<90x1xf32>
    %rsqrt3A_141 = math.rsqrt %add3A_137 : vector<90x1xf32>
    %jit3A_142 = arith.constant 0.000000e+00 : f32
    %broadcast_in_dim3A_143 = vector.broadcast %jit3A_142 : f32 to vector<90x1xf32>
    %select_n3A_144 = arith.select %gt3A_140, %rsqrt3A_141, %broadcast_in_dim3A_143 : vector<90x1xi1>, vector<90x1xf32>
    %add3A_145 = arith.addf %get3A_131, %select_n3A : vector<90x90xf32>
    %convert_element_type3A_146 = arith.truncf %add3A_145 : vector<90x90xf32> to vector<90x90xbf16>
    %slice3A_147 = vector.extract_strided_slice %get3A_4 {offsets = [270, 0], sizes = [90, 256], strides = [1, 1]} : vector<1440x256xbf16> to vector<90x256xbf16>
    %convert_element_type3A_148 = arith.extf %slice3A_147 : vector<90x256xbf16> to vector<90x256xf32>
    %mul3A_149 = vector.broadcast %select_n3A_144 : vector<90x1xf32> to vector<90x256xf32>
    %mul3A_150 = arith.mulf %mul3A_149, %convert_element_type3A_148 : vector<90x256xf32>
    %convert_element_type3A_151 = arith.truncf %mul3A_150 : vector<90x256xf32> to vector<90x256xbf16>
    %dot_general3A_152 = arith.constant dense<0.000000e+00> : vector<90x256xf32>
    %dot_general3A_153 = tpu.matmul %convert_element_type3A_146, %convert_element_type3A_151, %dot_general3A_152 {dimension_numbers = #tpu.dot_dimension_numbers<[1], [0], [0], [1], [0, 0, 1, 1], [], []>, transpose_lhs_hint = false} : vector<90x90xbf16>, vector<90x256xbf16>, vector<90x256xf32> -> vector<90x256xf32>
    %mul3A_154 = vector.broadcast %select_n3A_144 : vector<90x1xf32> to vector<90x256xf32>
    %mul3A_155 = arith.mulf %mul3A_154, %dot_general3A_153 : vector<90x256xf32>
    %get3A_156 = arith.constant 0 : index
    %get3A_157 = arith.constant 0 : index
    %get3A_158 = vector.load %arg3[%get3A_156, %get3A_157] : memref<1x256xf32, #tpu.memory_space<vmem>>, vector<1x256xf32>
    %add3A_159 = vector.broadcast %get3A_158 : vector<1x256xf32> to vector<90x256xf32>
    %add3A_160 = arith.addf %mul3A_155, %add3A_159 : vector<90x256xf32>
    %max3A_161 = arith.constant 0.000000e+00 : f32
    %max3A_162 = vector.broadcast %max3A_161 : f32 to vector<90x256xf32>
    %max3A_163 = arith.maximumf %add3A_160, %max3A_162 : vector<90x256xf32>
    %convert_element_type3A_164 = arith.truncf %max3A_163 : vector<90x256xf32> to vector<90x256xbf16>
    %swap3A_165 = arith.constant 0 : index
    %swap3A_166 = arith.constant 3 : index
    %swap3A_167 = arith.constant 0 : index
    %swap3A_168 = vector.load %arg6[%swap3A_165, %swap3A_166, %swap3A_167] : memref<90x16x256xbf16, #tpu.memory_space<vmem>>, vector<90x1x256xbf16>
    %swap3A_169 = vector.shape_cast %swap3A_168 : vector<90x1x256xbf16> to vector<90x256xbf16>
    %swap3A_170 = vector.shape_cast %convert_element_type3A_164 : vector<90x256xbf16> to vector<90x1x256xbf16>
    tpu.vector_store %arg6[%swap3A_165, %swap3A_166, %swap3A_167], %swap3A_170 {strides = array<i32>} : memref<90x16x256xbf16, #tpu.memory_space<vmem>>, vector<90x1x256xbf16>,
    %get3A_171 = arith.constant 4 : index
    %get3A_172 = arith.constant 0 : index
    %get3A_173 = arith.constant 0 : index
    %get3A_174 = vector.load %arg1[%get3A_171, %get3A_172, %get3A_173] : memref<16x96x96xf32, #tpu.memory_space<vmem>>, vector<1x90x90xf32>
    %get3A_175 = vector.shape_cast %get3A_174 : vector<1x90x90xf32> to vector<90x90xf32>
    %reduce_sum3A_176 = arith.constant dense<0.000000e+00> : vector<90xf32>
    %reduce_sum3A_177 = vector.multi_reduction <add>, %get3A_175, %reduce_sum3A_176 [1] : vector<90x90xf32> to vector<90xf32>
    %broadcast_in_dim3A_178 = vector.shape_cast %reduce_sum3A_177 : vector<90xf32> to vector<90x1xf32>
    %add3A_179 = arith.constant 1.000000e+00 : f32
    %add3A_180 = vector.broadcast %add3A_179 : f32 to vector<90x1xf32>
    %add3A_181 = arith.addf %broadcast_in_dim3A_178, %add3A_180 : vector<90x1xf32>
    %gt3A_182 = arith.constant 0.000000e+00 : f32
    %gt3A_183 = vector.broadcast %gt3A_182 : f32 to vector<90x1xf32>
    %gt3A_184 = arith.cmpf ogt, %add3A_181, %gt3A_183 : vector<90x1xf32>
    %rsqrt3A_185 = math.rsqrt %add3A_181 : vector<90x1xf32>
    %jit3A_186 = arith.constant 0.000000e+00 : f32
    %broadcast_in_dim3A_187 = vector.broadcast %jit3A_186 : f32 to vector<90x1xf32>
    %select_n3A_188 = arith.select %gt3A_184, %rsqrt3A_185, %broadcast_in_dim3A_187 : vector<90x1xi1>, vector<90x1xf32>
    %add3A_189 = arith.addf %get3A_175, %select_n3A : vector<90x90xf32>
    %convert_element_type3A_190 = arith.truncf %add3A_189 : vector<90x90xf32> to vector<90x90xbf16>
    %slice3A_191 = vector.extract_strided_slice %get3A_4 {offsets = [360, 0], sizes = [90, 256], strides = [1, 1]} : vector<1440x256xbf16> to vector<90x256xbf16>
    %convert_element_type3A_192 = arith.extf %slice3A_191 : vector<90x256xbf16> to vector<90x256xf32>
    %mul3A_193 = vector.broadcast %select_n3A_188 : vector<90x1xf32> to vector<90x256xf32>
    %mul3A_194 = arith.mulf %mul3A_193, %convert_element_type3A_192 : vector<90x256xf32>
    %convert_element_type3A_195 = arith.truncf %mul3A_194 : vector<90x256xf32> to vector<90x256xbf16>
    %dot_general3A_196 = arith.constant dense<0.000000e+00> : vector<90x256xf32>
    %dot_general3A_197 = tpu.matmul %convert_element_type3A_190, %convert_element_type3A_195, %dot_general3A_196 {dimension_numbers = #tpu.dot_dimension_numbers<[1], [0], [0], [1], [0, 0, 1, 1], [], []>, transpose_lhs_hint = false} : vector<90x90xbf16>, vector<90x256xbf16>, vector<90x256xf32> -> vector<90x256xf32>
    %mul3A_198 = vector.broadcast %select_n3A_188 : vector<90x1xf32> to vector<90x256xf32>
    %mul3A_199 = arith.mulf %mul3A_198, %dot_general3A_197 : vector<90x256xf32>
    %get3A_200 = arith.constant 0 : index
    %get3A_201 = arith.constant 0 : index
    %get3A_202 = vector.load %arg3[%get3A_200, %get3A_201] : memref<1x256xf32, #tpu.memory_space<vmem>>, vector<1x256xf32>
    %add3A_203 = vector.broadcast %get3A_202 : vector<1x256xf32> to vector<90x256xf32>
    %add3A_204 = arith.addf %mul3A_199, %add3A_203 : vector<90x256xf32>
    %max3A_205 = arith.constant 0.000000e+00 : f32
    %max3A_206 = vector.broadcast %max3A_205 : f32 to vector<90x256xf32>
    %max3A_207 = arith.maximumf %add3A_204, %max3A_206 : vector<90x256xf32>
    %convert_element_type3A_208 = arith.truncf %max3A_207 : vector<90x256xf32> to vector<90x256xbf16>
    %swap3A_209 = arith.constant 0 : index
    %swap3A_210 = arith.constant 4 : index
    %swap3A_211 = arith.constant 0 : index
    %swap3A_212 = vector.load %arg6[%swap3A_209, %swap3A_210, %swap3A_211] : memref<90x16x256xbf16, #tpu.memory_space<vmem>>, vector<90x1x256xbf16>
    %swap3A_213 = vector.shape_cast %swap3A_212 : vector<90x1x256xbf16> to vector<90x256xbf16>
    %swap3A_214 = vector.shape_cast %convert_element_type3A_208 : vector<90x256xbf16> to vector<90x1x256xbf16>
    tpu.vector_store %arg6[%swap3A_209, %swap3A_210, %swap3A_211], %swap3A_214 {strides = array<i32>} : memref<90x16x256xbf16, #tpu.memory_space<vmem>>, vector<90x1x256xbf16>,
    %get3A_215 = arith.constant 5 : index
    %get3A_216 = arith.constant 0 : index
    %get3A_217 = arith.constant 0 : index
    %get3A_218 = vector.load %arg1[%get3A_215, %get3A_216, %get3A_217] : memref<16x96x96xf32, #tpu.memory_space<vmem>>, vector<1x90x90xf32>
    %get3A_219 = vector.shape_cast %get3A_218 : vector<1x90x90xf32> to vector<90x90xf32>
    %reduce_sum3A_220 = arith.constant dense<0.000000e+00> : vector<90xf32>
    %reduce_sum3A_221 = vector.multi_reduction <add>, %get3A_219, %reduce_sum3A_220 [1] : vector<90x90xf32> to vector<90xf32>
    %broadcast_in_dim3A_222 = vector.shape_cast %reduce_sum3A_221 : vector<90xf32> to vector<90x1xf32>
    %add3A_223 = arith.constant 1.000000e+00 : f32
    %add3A_224 = vector.broadcast %add3A_223 : f32 to vector<90x1xf32>
    %add3A_225 = arith.addf %broadcast_in_dim3A_222, %add3A_224 : vector<90x1xf32>
    %gt3A_226 = arith.constant 0.000000e+00 : f32
    %gt3A_227 = vector.broadcast %gt3A_226 : f32 to vector<90x1xf32>
    %gt3A_228 = arith.cmpf ogt, %add3A_225, %gt3A_227 : vector<90x1xf32>
    %rsqrt3A_229 = math.rsqrt %add3A_225 : vector<90x1xf32>
    %jit3A_230 = arith.constant 0.000000e+00 : f32
    %broadcast_in_dim3A_231 = vector.broadcast %jit3A_230 : f32 to vector<90x1xf32>
    %select_n3A_232 = arith.select %gt3A_228, %rsqrt3A_229, %broadcast_in_dim3A_231 : vector<90x1xi1>, vector<90x1xf32>
    %add3A_233 = arith.addf %get3A_219, %select_n3A : vector<90x90xf32>
    %convert_element_type3A_234 = arith.truncf %add3A_233 : vector<90x90xf32> to vector<90x90xbf16>
    %slice3A_235 = vector.extract_strided_slice %get3A_4 {offsets = [450, 0], sizes = [90, 256], strides = [1, 1]} : vector<1440x256xbf16> to vector<90x256xbf16>
    %convert_element_type3A_236 = arith.extf %slice3A_235 : vector<90x256xbf16> to vector<90x256xf32>
    %mul3A_237 = vector.broadcast %select_n3A_232 : vector<90x1xf32> to vector<90x256xf32>
    %mul3A_238 = arith.mulf %mul3A_237, %convert_element_type3A_236 : vector<90x256xf32>
    %convert_element_type3A_239 = arith.truncf %mul3A_238 : vector<90x256xf32> to vector<90x256xbf16>
    %dot_general3A_240 = arith.constant dense<0.000000e+00> : vector<90x256xf32>
    %dot_general3A_241 = tpu.matmul %convert_element_type3A_234, %convert_element_type3A_239, %dot_general3A_240 {dimension_numbers = #tpu.dot_dimension_numbers<[1], [0], [0], [1], [0, 0, 1, 1], [], []>, transpose_lhs_hint = false} : vector<90x90xbf16>, vector<90x256xbf16>, vector<90x256xf32> -> vector<90x256xf32>
    %mul3A_242 = vector.broadcast %select_n3A_232 : vector<90x1xf32> to vector<90x256xf32>
    %mul3A_243 = arith.mulf %mul3A_242, %dot_general3A_241 : vector<90x256xf32>
    %get3A_244 = arith.constant 0 : index
    %get3A_245 = arith.constant 0 : index
    %get3A_246 = vector.load %arg3[%get3A_244, %get3A_245] : memref<1x256xf32, #tpu.memory_space<vmem>>, vector<1x256xf32>
    %add3A_247 = vector.broadcast %get3A_246 : vector<1x256xf32> to vector<90x256xf32>
    %add3A_248 = arith.addf %mul3A_243, %add3A_247 : vector<90x256xf32>
    %max3A_249 = arith.constant 0.000000e+00 : f32
    %max3A_250 = vector.broadcast %max3A_249 : f32 to vector<90x256xf32>
    %max3A_251 = arith.maximumf %add3A_248, %max3A_250 : vector<90x256xf32>
    %convert_element_type3A_252 = arith.truncf %max3A_251 : vector<90x256xf32> to vector<90x256xbf16>
    %swap3A_253 = arith.constant 0 : index
    %swap3A_254 = arith.constant 5 : index
    %swap3A_255 = arith.constant 0 : index
    %swap3A_256 = vector.load %arg6[%swap3A_253, %swap3A_254, %swap3A_255] : memref<90x16x256xbf16, #tpu.memory_space<vmem>>, vector<90x1x256xbf16>
    %swap3A_257 = vector.shape_cast %swap3A_256 : vector<90x1x256xbf16> to vector<90x256xbf16>
    %swap3A_258 = vector.shape_cast %convert_element_type3A_252 : vector<90x256xbf16> to vector<90x1x256xbf16>
    tpu.vector_store %arg6[%swap3A_253, %swap3A_254, %swap3A_255], %swap3A_258 {strides = array<i32>} : memref<90x16x256xbf16, #tpu.memory_space<vmem>>, vector<90x1x256xbf16>,
    %get3A_259 = arith.constant 6 : index
    %get3A_260 = arith.constant 0 : index
    %get3A_261 = arith.constant 0 : index
    %get3A_262 = vector.load %arg1[%get3A_259, %get3A_260, %get3A_261] : memref<16x96x96xf32, #tpu.memory_space<vmem>>, vector<1x90x90xf32>
    %get3A_263 = vector.shape_cast %get3A_262 : vector<1x90x90xf32> to vector<90x90xf32>
    %reduce_sum3A_264 = arith.constant dense<0.000000e+00> : vector<90xf32>
    %reduce_sum3A_265 = vector.multi_reduction <add>, %get3A_263, %reduce_sum3A_264 [1] : vector<90x90xf32> to vector<90xf32>
    %broadcast_in_dim3A_266 = vector.shape_cast %reduce_sum3A_265 : vector<90xf32> to vector<90x1xf32>
    %add3A_267 = arith.constant 1.000000e+00 : f32
    %add3A_268 = vector.broadcast %add3A_267 : f32 to vector<90x1xf32>
    %add3A_269 = arith.addf %broadcast_in_dim3A_266, %add3A_268 : vector<90x1xf32>
    %gt3A_270 = arith.constant 0.000000e+00 : f32
    %gt3A_271 = vector.broadcast %gt3A_270 : f32 to vector<90x1xf32>
    %gt3A_272 = arith.cmpf ogt, %add3A_269, %gt3A_271 : vector<90x1xf32>
    %rsqrt3A_273 = math.rsqrt %add3A_269 : vector<90x1xf32>
    %jit3A_274 = arith.constant 0.000000e+00 : f32
    %broadcast_in_dim3A_275 = vector.broadcast %jit3A_274 : f32 to vector<90x1xf32>
    %select_n3A_276 = arith.select %gt3A_272, %rsqrt3A_273, %broadcast_in_dim3A_275 : vector<90x1xi1>, vector<90x1xf32>
    %add3A_277 = arith.addf %get3A_263, %select_n3A : vector<90x90xf32>
    %convert_element_type3A_278 = arith.truncf %add3A_277 : vector<90x90xf32> to vector<90x90xbf16>
    %slice3A_279 = vector.extract_strided_slice %get3A_4 {offsets = [540, 0], sizes = [90, 256], strides = [1, 1]} : vector<1440x256xbf16> to vector<90x256xbf16>
    %convert_element_type3A_280 = arith.extf %slice3A_279 : vector<90x256xbf16> to vector<90x256xf32>
    %mul3A_281 = vector.broadcast %select_n3A_276 : vector<90x1xf32> to vector<90x256xf32>
    %mul3A_282 = arith.mulf %mul3A_281, %convert_element_type3A_280 : vector<90x256xf32>
    %convert_element_type3A_283 = arith.truncf %mul3A_282 : vector<90x256xf32> to vector<90x256xbf16>
    %dot_general3A_284 = arith.constant dense<0.000000e+00> : vector<90x256xf32>
    %dot_general3A_285 = tpu.matmul %convert_element_type3A_278, %convert_element_type3A_283, %dot_general3A_284 {dimension_numbers = #tpu.dot_dimension_numbers<[1], [0], [0], [1], [0, 0, 1, 1], [], []>, transpose_lhs_hint = false} : vector<90x90xbf16>, vector<90x256xbf16>, vector<90x256xf32> -> vector<90x256xf32>
    %mul3A_286 = vector.broadcast %select_n3A_276 : vector<90x1xf32> to vector<90x256xf32>
    %mul3A_287 = arith.mulf %mul3A_286, %dot_general3A_285 : vector<90x256xf32>
    %get3A_288 = arith.constant 0 : index
    %get3A_289 = arith.constant 0 : index
    %get3A_290 = vector.load %arg3[%get3A_288, %get3A_289] : memref<1x256xf32, #tpu.memory_space<vmem>>, vector<1x256xf32>
    %add3A_291 = vector.broadcast %get3A_290 : vector<1x256xf32> to vector<90x256xf32>
    %add3A_292 = arith.addf %mul3A_287, %add3A_291 : vector<90x256xf32>
    %max3A_293 = arith.constant 0.000000e+00 : f32
    %max3A_294 = vector.broadcast %max3A_293 : f32 to vector<90x256xf32>
    %max3A_295 = arith.maximumf %add3A_292, %max3A_294 : vector<90x256xf32>
    %convert_element_type3A_296 = arith.truncf %max3A_295 : vector<90x256xf32> to vector<90x256xbf16>
    %swap3A_297 = arith.constant 0 : index
    %swap3A_298 = arith.constant 6 : index
    %swap3A_299 = arith.constant 0 : index
    %swap3A_300 = vector.load %arg6[%swap3A_297, %swap3A_298, %swap3A_299] : memref<90x16x256xbf16, #tpu.memory_space<vmem>>, vector<90x1x256xbf16>
    %swap3A_301 = vector.shape_cast %swap3A_300 : vector<90x1x256xbf16> to vector<90x256xbf16>
    %swap3A_302 = vector.shape_cast %convert_element_type3A_296 : vector<90x256xbf16> to vector<90x1x256xbf16>
    tpu.vector_store %arg6[%swap3A_297, %swap3A_298, %swap3A_299], %swap3A_302 {strides = array<i32>} : memref<90x16x256xbf16, #tpu.memory_space<vmem>>, vector<90x1x256xbf16>,
    %get3A_303 = arith.constant 7 : index
    %get3A_304 = arith.constant 0 : index
    %get3A_305 = arith.constant 0 : index
    %get3A_306 = vector.load %arg1[%get3A_303, %get3A_304, %get3A_305] : memref<16x96x96xf32, #tpu.memory_space<vmem>>, vector<1x90x90xf32>
    %get3A_307 = vector.shape_cast %get3A_306 : vector<1x90x90xf32> to vector<90x90xf32>
    %reduce_sum3A_308 = arith.constant dense<0.000000e+00> : vector<90xf32>
    %reduce_sum3A_309 = vector.multi_reduction <add>, %get3A_307, %reduce_sum3A_308 [1] : vector<90x90xf32> to vector<90xf32>
    %broadcast_in_dim3A_310 = vector.shape_cast %reduce_sum3A_309 : vector<90xf32> to vector<90x1xf32>
    %add3A_311 = arith.constant 1.000000e+00 : f32
    %add3A_312 = vector.broadcast %add3A_311 : f32 to vector<90x1xf32>
    %add3A_313 = arith.addf %broadcast_in_dim3A_310, %add3A_312 : vector<90x1xf32>
    %gt3A_314 = arith.constant 0.000000e+00 : f32
    %gt3A_315 = vector.broadcast %gt3A_314 : f32 to vector<90x1xf32>
    %gt3A_316 = arith.cmpf ogt, %add3A_313, %gt3A_315 : vector<90x1xf32>
    %rsqrt3A_317 = math.rsqrt %add3A_313 : vector<90x1xf32>
    %jit3A_318 = arith.constant 0.000000e+00 : f32
    %broadcast_in_dim3A_319 = vector.broadcast %jit3A_318 : f32 to vector<90x1xf32>
    %select_n3A_320 = arith.select %gt3A_316, %rsqrt3A_317, %broadcast_in_dim3A_319 : vector<90x1xi1>, vector<90x1xf32>
    %add3A_321 = arith.addf %get3A_307, %select_n3A : vector<90x90xf32>
    %convert_element_type3A_322 = arith.truncf %add3A_321 : vector<90x90xf32> to vector<90x90xbf16>
    %slice3A_323 = vector.extract_strided_slice %get3A_4 {offsets = [630, 0], sizes = [90, 256], strides = [1, 1]} : vector<1440x256xbf16> to vector<90x256xbf16>
    %convert_element_type3A_324 = arith.extf %slice3A_323 : vector<90x256xbf16> to vector<90x256xf32>
    %mul3A_325 = vector.broadcast %select_n3A_320 : vector<90x1xf32> to vector<90x256xf32>
    %mul3A_326 = arith.mulf %mul3A_325, %convert_element_type3A_324 : vector<90x256xf32>
    %convert_element_type3A_327 = arith.truncf %mul3A_326 : vector<90x256xf32> to vector<90x256xbf16>
    %dot_general3A_328 = arith.constant dense<0.000000e+00> : vector<90x256xf32>
    %dot_general3A_329 = tpu.matmul %convert_element_type3A_322, %convert_element_type3A_327, %dot_general3A_328 {dimension_numbers = #tpu.dot_dimension_numbers<[1], [0], [0], [1], [0, 0, 1, 1], [], []>, transpose_lhs_hint = false} : vector<90x90xbf16>, vector<90x256xbf16>, vector<90x256xf32> -> vector<90x256xf32>
    %mul3A_330 = vector.broadcast %select_n3A_320 : vector<90x1xf32> to vector<90x256xf32>
    %mul3A_331 = arith.mulf %mul3A_330, %dot_general3A_329 : vector<90x256xf32>
    %get3A_332 = arith.constant 0 : index
    %get3A_333 = arith.constant 0 : index
    %get3A_334 = vector.load %arg3[%get3A_332, %get3A_333] : memref<1x256xf32, #tpu.memory_space<vmem>>, vector<1x256xf32>
    %add3A_335 = vector.broadcast %get3A_334 : vector<1x256xf32> to vector<90x256xf32>
    %add3A_336 = arith.addf %mul3A_331, %add3A_335 : vector<90x256xf32>
    %max3A_337 = arith.constant 0.000000e+00 : f32
    %max3A_338 = vector.broadcast %max3A_337 : f32 to vector<90x256xf32>
    %max3A_339 = arith.maximumf %add3A_336, %max3A_338 : vector<90x256xf32>
    %convert_element_type3A_340 = arith.truncf %max3A_339 : vector<90x256xf32> to vector<90x256xbf16>
    %swap3A_341 = arith.constant 0 : index
    %swap3A_342 = arith.constant 7 : index
    %swap3A_343 = arith.constant 0 : index
    %swap3A_344 = vector.load %arg6[%swap3A_341, %swap3A_342, %swap3A_343] : memref<90x16x256xbf16, #tpu.memory_space<vmem>>, vector<90x1x256xbf16>
    %swap3A_345 = vector.shape_cast %swap3A_344 : vector<90x1x256xbf16> to vector<90x256xbf16>
    %swap3A_346 = vector.shape_cast %convert_element_type3A_340 : vector<90x256xbf16> to vector<90x1x256xbf16>
    tpu.vector_store %arg6[%swap3A_341, %swap3A_342, %swap3A_343], %swap3A_346 {strides = array<i32>} : memref<90x16x256xbf16, #tpu.memory_space<vmem>>, vector<90x1x256xbf16>,
    %get3A_347 = arith.constant 8 : index
    %get3A_348 = arith.constant 0 : index
    %get3A_349 = arith.constant 0 : index
    %get3A_350 = vector.load %arg1[%get3A_347, %get3A_348, %get3A_349] : memref<16x96x96xf32, #tpu.memory_space<vmem>>, vector<1x90x90xf32>
    %get3A_351 = vector.shape_cast %get3A_350 : vector<1x90x90xf32> to vector<90x90xf32>
    %reduce_sum3A_352 = arith.constant dense<0.000000e+00> : vector<90xf32>
    %reduce_sum3A_353 = vector.multi_reduction <add>, %get3A_351, %reduce_sum3A_352 [1] : vector<90x90xf32> to vector<90xf32>
    %broadcast_in_dim3A_354 = vector.shape_cast %reduce_sum3A_353 : vector<90xf32> to vector<90x1xf32>
    %add3A_355 = arith.constant 1.000000e+00 : f32
    %add3A_356 = vector.broadcast %add3A_355 : f32 to vector<90x1xf32>
    %add3A_357 = arith.addf %broadcast_in_dim3A_354, %add3A_356 : vector<90x1xf32>
    %gt3A_358 = arith.constant 0.000000e+00 : f32
    %gt3A_359 = vector.broadcast %gt3A_358 : f32 to vector<90x1xf32>
    %gt3A_360 = arith.cmpf ogt, %add3A_357, %gt3A_359 : vector<90x1xf32>
    %rsqrt3A_361 = math.rsqrt %add3A_357 : vector<90x1xf32>
    %jit3A_362 = arith.constant 0.000000e+00 : f32
    %broadcast_in_dim3A_363 = vector.broadcast %jit3A_362 : f32 to vector<90x1xf32>
    %select_n3A_364 = arith.select %gt3A_360, %rsqrt3A_361, %broadcast_in_dim3A_363 : vector<90x1xi1>, vector<90x1xf32>
    %add3A_365 = arith.addf %get3A_351, %select_n3A : vector<90x90xf32>
    %convert_element_type3A_366 = arith.truncf %add3A_365 : vector<90x90xf32> to vector<90x90xbf16>
    %slice3A_367 = vector.extract_strided_slice %get3A_4 {offsets = [720, 0], sizes = [90, 256], strides = [1, 1]} : vector<1440x256xbf16> to vector<90x256xbf16>
    %convert_element_type3A_368 = arith.extf %slice3A_367 : vector<90x256xbf16> to vector<90x256xf32>
    %mul3A_369 = vector.broadcast %select_n3A_364 : vector<90x1xf32> to vector<90x256xf32>
    %mul3A_370 = arith.mulf %mul3A_369, %convert_element_type3A_368 : vector<90x256xf32>
    %convert_element_type3A_371 = arith.truncf %mul3A_370 : vector<90x256xf32> to vector<90x256xbf16>
    %dot_general3A_372 = arith.constant dense<0.000000e+00> : vector<90x256xf32>
    %dot_general3A_373 = tpu.matmul %convert_element_type3A_366, %convert_element_type3A_371, %dot_general3A_372 {dimension_numbers = #tpu.dot_dimension_numbers<[1], [0], [0], [1], [0, 0, 1, 1], [], []>, transpose_lhs_hint = false} : vector<90x90xbf16>, vector<90x256xbf16>, vector<90x256xf32> -> vector<90x256xf32>
    %mul3A_374 = vector.broadcast %select_n3A_364 : vector<90x1xf32> to vector<90x256xf32>
    %mul3A_375 = arith.mulf %mul3A_374, %dot_general3A_373 : vector<90x256xf32>
    %get3A_376 = arith.constant 0 : index
    %get3A_377 = arith.constant 0 : index
    %get3A_378 = vector.load %arg3[%get3A_376, %get3A_377] : memref<1x256xf32, #tpu.memory_space<vmem>>, vector<1x256xf32>
    %add3A_379 = vector.broadcast %get3A_378 : vector<1x256xf32> to vector<90x256xf32>
    %add3A_380 = arith.addf %mul3A_375, %add3A_379 : vector<90x256xf32>
    %max3A_381 = arith.constant 0.000000e+00 : f32
    %max3A_382 = vector.broadcast %max3A_381 : f32 to vector<90x256xf32>
    %max3A_383 = arith.maximumf %add3A_380, %max3A_382 : vector<90x256xf32>
    %convert_element_type3A_384 = arith.truncf %max3A_383 : vector<90x256xf32> to vector<90x256xbf16>
    %swap3A_385 = arith.constant 0 : index
    %swap3A_386 = arith.constant 8 : index
    %swap3A_387 = arith.constant 0 : index
    %swap3A_388 = vector.load %arg6[%swap3A_385, %swap3A_386, %swap3A_387] : memref<90x16x256xbf16, #tpu.memory_space<vmem>>, vector<90x1x256xbf16>
    %swap3A_389 = vector.shape_cast %swap3A_388 : vector<90x1x256xbf16> to vector<90x256xbf16>
    %swap3A_390 = vector.shape_cast %convert_element_type3A_384 : vector<90x256xbf16> to vector<90x1x256xbf16>
    tpu.vector_store %arg6[%swap3A_385, %swap3A_386, %swap3A_387], %swap3A_390 {strides = array<i32>} : memref<90x16x256xbf16, #tpu.memory_space<vmem>>, vector<90x1x256xbf16>,
    %get3A_391 = arith.constant 9 : index
    %get3A_392 = arith.constant 0 : index
    %get3A_393 = arith.constant 0 : index
    %get3A_394 = vector.load %arg1[%get3A_391, %get3A_392, %get3A_393] : memref<16x96x96xf32, #tpu.memory_space<vmem>>, vector<1x90x90xf32>
    %get3A_395 = vector.shape_cast %get3A_394 : vector<1x90x90xf32> to vector<90x90xf32>
    %reduce_sum3A_396 = arith.constant dense<0.000000e+00> : vector<90xf32>
    %reduce_sum3A_397 = vector.multi_reduction <add>, %get3A_395, %reduce_sum3A_396 [1] : vector<90x90xf32> to vector<90xf32>
    %broadcast_in_dim3A_398 = vector.shape_cast %reduce_sum3A_397 : vector<90xf32> to vector<90x1xf32>
    %add3A_399 = arith.constant 1.000000e+00 : f32
    %add3A_400 = vector.broadcast %add3A_399 : f32 to vector<90x1xf32>
    %add3A_401 = arith.addf %broadcast_in_dim3A_398, %add3A_400 : vector<90x1xf32>
    %gt3A_402 = arith.constant 0.000000e+00 : f32
    %gt3A_403 = vector.broadcast %gt3A_402 : f32 to vector<90x1xf32>
    %gt3A_404 = arith.cmpf ogt, %add3A_401, %gt3A_403 : vector<90x1xf32>
    %rsqrt3A_405 = math.rsqrt %add3A_401 : vector<90x1xf32>
    %jit3A_406 = arith.constant 0.000000e+00 : f32
    %broadcast_in_dim3A_407 = vector.broadcast %jit3A_406 : f32 to vector<90x1xf32>
    %select_n3A_408 = arith.select %gt3A_404, %rsqrt3A_405, %broadcast_in_dim3A_407 : vector<90x1xi1>, vector<90x1xf32>
    %add3A_409 = arith.addf %get3A_395, %select_n3A : vector<90x90xf32>
    %convert_element_type3A_410 = arith.truncf %add3A_409 : vector<90x90xf32> to vector<90x90xbf16>
    %slice3A_411 = vector.extract_strided_slice %get3A_4 {offsets = [810, 0], sizes = [90, 256], strides = [1, 1]} : vector<1440x256xbf16> to vector<90x256xbf16>
    %convert_element_type3A_412 = arith.extf %slice3A_411 : vector<90x256xbf16> to vector<90x256xf32>
    %mul3A_413 = vector.broadcast %select_n3A_408 : vector<90x1xf32> to vector<90x256xf32>
    %mul3A_414 = arith.mulf %mul3A_413, %convert_element_type3A_412 : vector<90x256xf32>
    %convert_element_type3A_415 = arith.truncf %mul3A_414 : vector<90x256xf32> to vector<90x256xbf16>
    %dot_general3A_416 = arith.constant dense<0.000000e+00> : vector<90x256xf32>
    %dot_general3A_417 = tpu.matmul %convert_element_type3A_410, %convert_element_type3A_415, %dot_general3A_416 {dimension_numbers = #tpu.dot_dimension_numbers<[1], [0], [0], [1], [0, 0, 1, 1], [], []>, transpose_lhs_hint = false} : vector<90x90xbf16>, vector<90x256xbf16>, vector<90x256xf32> -> vector<90x256xf32>
    %mul3A_418 = vector.broadcast %select_n3A_408 : vector<90x1xf32> to vector<90x256xf32>
    %mul3A_419 = arith.mulf %mul3A_418, %dot_general3A_417 : vector<90x256xf32>
    %get3A_420 = arith.constant 0 : index
    %get3A_421 = arith.constant 0 : index
    %get3A_422 = vector.load %arg3[%get3A_420, %get3A_421] : memref<1x256xf32, #tpu.memory_space<vmem>>, vector<1x256xf32>
    %add3A_423 = vector.broadcast %get3A_422 : vector<1x256xf32> to vector<90x256xf32>
    %add3A_424 = arith.addf %mul3A_419, %add3A_423 : vector<90x256xf32>
    %max3A_425 = arith.constant 0.000000e+00 : f32
    %max3A_426 = vector.broadcast %max3A_425 : f32 to vector<90x256xf32>
    %max3A_427 = arith.maximumf %add3A_424, %max3A_426 : vector<90x256xf32>
    %convert_element_type3A_428 = arith.truncf %max3A_427 : vector<90x256xf32> to vector<90x256xbf16>
    %swap3A_429 = arith.constant 0 : index
    %swap3A_430 = arith.constant 9 : index
    %swap3A_431 = arith.constant 0 : index
    %swap3A_432 = vector.load %arg6[%swap3A_429, %swap3A_430, %swap3A_431] : memref<90x16x256xbf16, #tpu.memory_space<vmem>>, vector<90x1x256xbf16>
    %swap3A_433 = vector.shape_cast %swap3A_432 : vector<90x1x256xbf16> to vector<90x256xbf16>
    %swap3A_434 = vector.shape_cast %convert_element_type3A_428 : vector<90x256xbf16> to vector<90x1x256xbf16>
    tpu.vector_store %arg6[%swap3A_429, %swap3A_430, %swap3A_431], %swap3A_434 {strides = array<i32>} : memref<90x16x256xbf16, #tpu.memory_space<vmem>>, vector<90x1x256xbf16>,
    %get3A_435 = arith.constant 10 : index
    %get3A_436 = arith.constant 0 : index
    %get3A_437 = arith.constant 0 : index
    %get3A_438 = vector.load %arg1[%get3A_435, %get3A_436, %get3A_437] : memref<16x96x96xf32, #tpu.memory_space<vmem>>, vector<1x90x90xf32>
    %get3A_439 = vector.shape_cast %get3A_438 : vector<1x90x90xf32> to vector<90x90xf32>
    %reduce_sum3A_440 = arith.constant dense<0.000000e+00> : vector<90xf32>
    %reduce_sum3A_441 = vector.multi_reduction <add>, %get3A_439, %reduce_sum3A_440 [1] : vector<90x90xf32> to vector<90xf32>
    %broadcast_in_dim3A_442 = vector.shape_cast %reduce_sum3A_441 : vector<90xf32> to vector<90x1xf32>
    %add3A_443 = arith.constant 1.000000e+00 : f32
    %add3A_444 = vector.broadcast %add3A_443 : f32 to vector<90x1xf32>
    %add3A_445 = arith.addf %broadcast_in_dim3A_442, %add3A_444 : vector<90x1xf32>
    %gt3A_446 = arith.constant 0.000000e+00 : f32
    %gt3A_447 = vector.broadcast %gt3A_446 : f32 to vector<90x1xf32>
    %gt3A_448 = arith.cmpf ogt, %add3A_445, %gt3A_447 : vector<90x1xf32>
    %rsqrt3A_449 = math.rsqrt %add3A_445 : vector<90x1xf32>
    %jit3A_450 = arith.constant 0.000000e+00 : f32
    %broadcast_in_dim3A_451 = vector.broadcast %jit3A_450 : f32 to vector<90x1xf32>
    %select_n3A_452 = arith.select %gt3A_448, %rsqrt3A_449, %broadcast_in_dim3A_451 : vector<90x1xi1>, vector<90x1xf32>
    %add3A_453 = arith.addf %get3A_439, %select_n3A : vector<90x90xf32>
    %convert_element_type3A_454 = arith.truncf %add3A_453 : vector<90x90xf32> to vector<90x90xbf16>
    %slice3A_455 = vector.extract_strided_slice %get3A_4 {offsets = [900, 0], sizes = [90, 256], strides = [1, 1]} : vector<1440x256xbf16> to vector<90x256xbf16>
    %convert_element_type3A_456 = arith.extf %slice3A_455 : vector<90x256xbf16> to vector<90x256xf32>
    %mul3A_457 = vector.broadcast %select_n3A_452 : vector<90x1xf32> to vector<90x256xf32>
    %mul3A_458 = arith.mulf %mul3A_457, %convert_element_type3A_456 : vector<90x256xf32>
    %convert_element_type3A_459 = arith.truncf %mul3A_458 : vector<90x256xf32> to vector<90x256xbf16>
    %dot_general3A_460 = arith.constant dense<0.000000e+00> : vector<90x256xf32>
    %dot_general3A_461 = tpu.matmul %convert_element_type3A_454, %convert_element_type3A_459, %dot_general3A_460 {dimension_numbers = #tpu.dot_dimension_numbers<[1], [0], [0], [1], [0, 0, 1, 1], [], []>, transpose_lhs_hint = false} : vector<90x90xbf16>, vector<90x256xbf16>, vector<90x256xf32> -> vector<90x256xf32>
    %mul3A_462 = vector.broadcast %select_n3A_452 : vector<90x1xf32> to vector<90x256xf32>
    %mul3A_463 = arith.mulf %mul3A_462, %dot_general3A_461 : vector<90x256xf32>
    %get3A_464 = arith.constant 0 : index
    %get3A_465 = arith.constant 0 : index
    %get3A_466 = vector.load %arg3[%get3A_464, %get3A_465] : memref<1x256xf32, #tpu.memory_space<vmem>>, vector<1x256xf32>
    %add3A_467 = vector.broadcast %get3A_466 : vector<1x256xf32> to vector<90x256xf32>
    %add3A_468 = arith.addf %mul3A_463, %add3A_467 : vector<90x256xf32>
    %max3A_469 = arith.constant 0.000000e+00 : f32
    %max3A_470 = vector.broadcast %max3A_469 : f32 to vector<90x256xf32>
    %max3A_471 = arith.maximumf %add3A_468, %max3A_470 : vector<90x256xf32>
    %convert_element_type3A_472 = arith.truncf %max3A_471 : vector<90x256xf32> to vector<90x256xbf16>
    %swap3A_473 = arith.constant 0 : index
    %swap3A_474 = arith.constant 10 : index
    %swap3A_475 = arith.constant 0 : index
    %swap3A_476 = vector.load %arg6[%swap3A_473, %swap3A_474, %swap3A_475] : memref<90x16x256xbf16, #tpu.memory_space<vmem>>, vector<90x1x256xbf16>
    %swap3A_477 = vector.shape_cast %swap3A_476 : vector<90x1x256xbf16> to vector<90x256xbf16>
    %swap3A_478 = vector.shape_cast %convert_element_type3A_472 : vector<90x256xbf16> to vector<90x1x256xbf16>
    tpu.vector_store %arg6[%swap3A_473, %swap3A_474, %swap3A_475], %swap3A_478 {strides = array<i32>} : memref<90x16x256xbf16, #tpu.memory_space<vmem>>, vector<90x1x256xbf16>,
    %get3A_479 = arith.constant 11 : index
    %get3A_480 = arith.constant 0 : index
    %get3A_481 = arith.constant 0 : index
    %get3A_482 = vector.load %arg1[%get3A_479, %get3A_480, %get3A_481] : memref<16x96x96xf32, #tpu.memory_space<vmem>>, vector<1x90x90xf32>
    %get3A_483 = vector.shape_cast %get3A_482 : vector<1x90x90xf32> to vector<90x90xf32>
    %reduce_sum3A_484 = arith.constant dense<0.000000e+00> : vector<90xf32>
    %reduce_sum3A_485 = vector.multi_reduction <add>, %get3A_483, %reduce_sum3A_484 [1] : vector<90x90xf32> to vector<90xf32>
    %broadcast_in_dim3A_486 = vector.shape_cast %reduce_sum3A_485 : vector<90xf32> to vector<90x1xf32>
    %add3A_487 = arith.constant 1.000000e+00 : f32
    %add3A_488 = vector.broadcast %add3A_487 : f32 to vector<90x1xf32>
    %add3A_489 = arith.addf %broadcast_in_dim3A_486, %add3A_488 : vector<90x1xf32>
    %gt3A_490 = arith.constant 0.000000e+00 : f32
    %gt3A_491 = vector.broadcast %gt3A_490 : f32 to vector<90x1xf32>
    %gt3A_492 = arith.cmpf ogt, %add3A_489, %gt3A_491 : vector<90x1xf32>
    %rsqrt3A_493 = math.rsqrt %add3A_489 : vector<90x1xf32>
    %jit3A_494 = arith.constant 0.000000e+00 : f32
    %broadcast_in_dim3A_495 = vector.broadcast %jit3A_494 : f32 to vector<90x1xf32>
    %select_n3A_496 = arith.select %gt3A_492, %rsqrt3A_493, %broadcast_in_dim3A_495 : vector<90x1xi1>, vector<90x1xf32>
    %add3A_497 = arith.addf %get3A_483, %select_n3A : vector<90x90xf32>
    %convert_element_type3A_498 = arith.truncf %add3A_497 : vector<90x90xf32> to vector<90x90xbf16>
    %slice3A_499 = vector.extract_strided_slice %get3A_4 {offsets = [990, 0], sizes = [90, 256], strides = [1, 1]} : vector<1440x256xbf16> to vector<90x256xbf16>
    %convert_element_type3A_500 = arith.extf %slice3A_499 : vector<90x256xbf16> to vector<90x256xf32>
    %mul3A_501 = vector.broadcast %select_n3A_496 : vector<90x1xf32> to vector<90x256xf32>
    %mul3A_502 = arith.mulf %mul3A_501, %convert_element_type3A_500 : vector<90x256xf32>
    %convert_element_type3A_503 = arith.truncf %mul3A_502 : vector<90x256xf32> to vector<90x256xbf16>
    %dot_general3A_504 = arith.constant dense<0.000000e+00> : vector<90x256xf32>
    %dot_general3A_505 = tpu.matmul %convert_element_type3A_498, %convert_element_type3A_503, %dot_general3A_504 {dimension_numbers = #tpu.dot_dimension_numbers<[1], [0], [0], [1], [0, 0, 1, 1], [], []>, transpose_lhs_hint = false} : vector<90x90xbf16>, vector<90x256xbf16>, vector<90x256xf32> -> vector<90x256xf32>
    %mul3A_506 = vector.broadcast %select_n3A_496 : vector<90x1xf32> to vector<90x256xf32>
    %mul3A_507 = arith.mulf %mul3A_506, %dot_general3A_505 : vector<90x256xf32>
    %get3A_508 = arith.constant 0 : index
    %get3A_509 = arith.constant 0 : index
    %get3A_510 = vector.load %arg3[%get3A_508, %get3A_509] : memref<1x256xf32, #tpu.memory_space<vmem>>, vector<1x256xf32>
    %add3A_511 = vector.broadcast %get3A_510 : vector<1x256xf32> to vector<90x256xf32>
    %add3A_512 = arith.addf %mul3A_507, %add3A_511 : vector<90x256xf32>
    %max3A_513 = arith.constant 0.000000e+00 : f32
    %max3A_514 = vector.broadcast %max3A_513 : f32 to vector<90x256xf32>
    %max3A_515 = arith.maximumf %add3A_512, %max3A_514 : vector<90x256xf32>
    %convert_element_type3A_516 = arith.truncf %max3A_515 : vector<90x256xf32> to vector<90x256xbf16>
    %swap3A_517 = arith.constant 0 : index
    %swap3A_518 = arith.constant 11 : index
    %swap3A_519 = arith.constant 0 : index
    %swap3A_520 = vector.load %arg6[%swap3A_517, %swap3A_518, %swap3A_519] : memref<90x16x256xbf16, #tpu.memory_space<vmem>>, vector<90x1x256xbf16>
    %swap3A_521 = vector.shape_cast %swap3A_520 : vector<90x1x256xbf16> to vector<90x256xbf16>
    %swap3A_522 = vector.shape_cast %convert_element_type3A_516 : vector<90x256xbf16> to vector<90x1x256xbf16>
    tpu.vector_store %arg6[%swap3A_517, %swap3A_518, %swap3A_519], %swap3A_522 {strides = array<i32>} : memref<90x16x256xbf16, #tpu.memory_space<vmem>>, vector<90x1x256xbf16>,
    %get3A_523 = arith.constant 12 : index
    %get3A_524 = arith.constant 0 : index
    %get3A_525 = arith.constant 0 : index
    %get3A_526 = vector.load %arg1[%get3A_523, %get3A_524, %get3A_525] : memref<16x96x96xf32, #tpu.memory_space<vmem>>, vector<1x90x90xf32>
    %get3A_527 = vector.shape_cast %get3A_526 : vector<1x90x90xf32> to vector<90x90xf32>
    %reduce_sum3A_528 = arith.constant dense<0.000000e+00> : vector<90xf32>
    %reduce_sum3A_529 = vector.multi_reduction <add>, %get3A_527, %reduce_sum3A_528 [1] : vector<90x90xf32> to vector<90xf32>
    %broadcast_in_dim3A_530 = vector.shape_cast %reduce_sum3A_529 : vector<90xf32> to vector<90x1xf32>
    %add3A_531 = arith.constant 1.000000e+00 : f32
    %add3A_532 = vector.broadcast %add3A_531 : f32 to vector<90x1xf32>
    %add3A_533 = arith.addf %broadcast_in_dim3A_530, %add3A_532 : vector<90x1xf32>
    %gt3A_534 = arith.constant 0.000000e+00 : f32
    %gt3A_535 = vector.broadcast %gt3A_534 : f32 to vector<90x1xf32>
    %gt3A_536 = arith.cmpf ogt, %add3A_533, %gt3A_535 : vector<90x1xf32>
    %rsqrt3A_537 = math.rsqrt %add3A_533 : vector<90x1xf32>
    %jit3A_538 = arith.constant 0.000000e+00 : f32
    %broadcast_in_dim3A_539 = vector.broadcast %jit3A_538 : f32 to vector<90x1xf32>
    %select_n3A_540 = arith.select %gt3A_536, %rsqrt3A_537, %broadcast_in_dim3A_539 : vector<90x1xi1>, vector<90x1xf32>
    %add3A_541 = arith.addf %get3A_527, %select_n3A : vector<90x90xf32>
    %convert_element_type3A_542 = arith.truncf %add3A_541 : vector<90x90xf32> to vector<90x90xbf16>
    %slice3A_543 = vector.extract_strided_slice %get3A_4 {offsets = [1080, 0], sizes = [90, 256], strides = [1, 1]} : vector<1440x256xbf16> to vector<90x256xbf16>
    %convert_element_type3A_544 = arith.extf %slice3A_543 : vector<90x256xbf16> to vector<90x256xf32>
    %mul3A_545 = vector.broadcast %select_n3A_540 : vector<90x1xf32> to vector<90x256xf32>
    %mul3A_546 = arith.mulf %mul3A_545, %convert_element_type3A_544 : vector<90x256xf32>
    %convert_element_type3A_547 = arith.truncf %mul3A_546 : vector<90x256xf32> to vector<90x256xbf16>
    %dot_general3A_548 = arith.constant dense<0.000000e+00> : vector<90x256xf32>
    %dot_general3A_549 = tpu.matmul %convert_element_type3A_542, %convert_element_type3A_547, %dot_general3A_548 {dimension_numbers = #tpu.dot_dimension_numbers<[1], [0], [0], [1], [0, 0, 1, 1], [], []>, transpose_lhs_hint = false} : vector<90x90xbf16>, vector<90x256xbf16>, vector<90x256xf32> -> vector<90x256xf32>
    %mul3A_550 = vector.broadcast %select_n3A_540 : vector<90x1xf32> to vector<90x256xf32>
    %mul3A_551 = arith.mulf %mul3A_550, %dot_general3A_549 : vector<90x256xf32>
    %get3A_552 = arith.constant 0 : index
    %get3A_553 = arith.constant 0 : index
    %get3A_554 = vector.load %arg3[%get3A_552, %get3A_553] : memref<1x256xf32, #tpu.memory_space<vmem>>, vector<1x256xf32>
    %add3A_555 = vector.broadcast %get3A_554 : vector<1x256xf32> to vector<90x256xf32>
    %add3A_556 = arith.addf %mul3A_551, %add3A_555 : vector<90x256xf32>
    %max3A_557 = arith.constant 0.000000e+00 : f32
    %max3A_558 = vector.broadcast %max3A_557 : f32 to vector<90x256xf32>
    %max3A_559 = arith.maximumf %add3A_556, %max3A_558 : vector<90x256xf32>
    %convert_element_type3A_560 = arith.truncf %max3A_559 : vector<90x256xf32> to vector<90x256xbf16>
    %swap3A_561 = arith.constant 0 : index
    %swap3A_562 = arith.constant 12 : index
    %swap3A_563 = arith.constant 0 : index
    %swap3A_564 = vector.load %arg6[%swap3A_561, %swap3A_562, %swap3A_563] : memref<90x16x256xbf16, #tpu.memory_space<vmem>>, vector<90x1x256xbf16>
    %swap3A_565 = vector.shape_cast %swap3A_564 : vector<90x1x256xbf16> to vector<90x256xbf16>
    %swap3A_566 = vector.shape_cast %convert_element_type3A_560 : vector<90x256xbf16> to vector<90x1x256xbf16>
    tpu.vector_store %arg6[%swap3A_561, %swap3A_562, %swap3A_563], %swap3A_566 {strides = array<i32>} : memref<90x16x256xbf16, #tpu.memory_space<vmem>>, vector<90x1x256xbf16>,
    %get3A_567 = arith.constant 13 : index
    %get3A_568 = arith.constant 0 : index
    %get3A_569 = arith.constant 0 : index
    %get3A_570 = vector.load %arg1[%get3A_567, %get3A_568, %get3A_569] : memref<16x96x96xf32, #tpu.memory_space<vmem>>, vector<1x90x90xf32>
    %get3A_571 = vector.shape_cast %get3A_570 : vector<1x90x90xf32> to vector<90x90xf32>
    %reduce_sum3A_572 = arith.constant dense<0.000000e+00> : vector<90xf32>
    %reduce_sum3A_573 = vector.multi_reduction <add>, %get3A_571, %reduce_sum3A_572 [1] : vector<90x90xf32> to vector<90xf32>
    %broadcast_in_dim3A_574 = vector.shape_cast %reduce_sum3A_573 : vector<90xf32> to vector<90x1xf32>
    %add3A_575 = arith.constant 1.000000e+00 : f32
    %add3A_576 = vector.broadcast %add3A_575 : f32 to vector<90x1xf32>
    %add3A_577 = arith.addf %broadcast_in_dim3A_574, %add3A_576 : vector<90x1xf32>
    %gt3A_578 = arith.constant 0.000000e+00 : f32
    %gt3A_579 = vector.broadcast %gt3A_578 : f32 to vector<90x1xf32>
    %gt3A_580 = arith.cmpf ogt, %add3A_577, %gt3A_579 : vector<90x1xf32>
    %rsqrt3A_581 = math.rsqrt %add3A_577 : vector<90x1xf32>
    %jit3A_582 = arith.constant 0.000000e+00 : f32
    %broadcast_in_dim3A_583 = vector.broadcast %jit3A_582 : f32 to vector<90x1xf32>
    %select_n3A_584 = arith.select %gt3A_580, %rsqrt3A_581, %broadcast_in_dim3A_583 : vector<90x1xi1>, vector<90x1xf32>
    %add3A_585 = arith.addf %get3A_571, %select_n3A : vector<90x90xf32>
    %convert_element_type3A_586 = arith.truncf %add3A_585 : vector<90x90xf32> to vector<90x90xbf16>
    %slice3A_587 = vector.extract_strided_slice %get3A_4 {offsets = [1170, 0], sizes = [90, 256], strides = [1, 1]} : vector<1440x256xbf16> to vector<90x256xbf16>
    %convert_element_type3A_588 = arith.extf %slice3A_587 : vector<90x256xbf16> to vector<90x256xf32>
    %mul3A_589 = vector.broadcast %select_n3A_584 : vector<90x1xf32> to vector<90x256xf32>
    %mul3A_590 = arith.mulf %mul3A_589, %convert_element_type3A_588 : vector<90x256xf32>
    %convert_element_type3A_591 = arith.truncf %mul3A_590 : vector<90x256xf32> to vector<90x256xbf16>
    %dot_general3A_592 = arith.constant dense<0.000000e+00> : vector<90x256xf32>
    %dot_general3A_593 = tpu.matmul %convert_element_type3A_586, %convert_element_type3A_591, %dot_general3A_592 {dimension_numbers = #tpu.dot_dimension_numbers<[1], [0], [0], [1], [0, 0, 1, 1], [], []>, transpose_lhs_hint = false} : vector<90x90xbf16>, vector<90x256xbf16>, vector<90x256xf32> -> vector<90x256xf32>
    %mul3A_594 = vector.broadcast %select_n3A_584 : vector<90x1xf32> to vector<90x256xf32>
    %mul3A_595 = arith.mulf %mul3A_594, %dot_general3A_593 : vector<90x256xf32>
    %get3A_596 = arith.constant 0 : index
    %get3A_597 = arith.constant 0 : index
    %get3A_598 = vector.load %arg3[%get3A_596, %get3A_597] : memref<1x256xf32, #tpu.memory_space<vmem>>, vector<1x256xf32>
    %add3A_599 = vector.broadcast %get3A_598 : vector<1x256xf32> to vector<90x256xf32>
    %add3A_600 = arith.addf %mul3A_595, %add3A_599 : vector<90x256xf32>
    %max3A_601 = arith.constant 0.000000e+00 : f32
    %max3A_602 = vector.broadcast %max3A_601 : f32 to vector<90x256xf32>
    %max3A_603 = arith.maximumf %add3A_600, %max3A_602 : vector<90x256xf32>
    %convert_element_type3A_604 = arith.truncf %max3A_603 : vector<90x256xf32> to vector<90x256xbf16>
    %swap3A_605 = arith.constant 0 : index
    %swap3A_606 = arith.constant 13 : index
    %swap3A_607 = arith.constant 0 : index
    %swap3A_608 = vector.load %arg6[%swap3A_605, %swap3A_606, %swap3A_607] : memref<90x16x256xbf16, #tpu.memory_space<vmem>>, vector<90x1x256xbf16>
    %swap3A_609 = vector.shape_cast %swap3A_608 : vector<90x1x256xbf16> to vector<90x256xbf16>
    %swap3A_610 = vector.shape_cast %convert_element_type3A_604 : vector<90x256xbf16> to vector<90x1x256xbf16>
    tpu.vector_store %arg6[%swap3A_605, %swap3A_606, %swap3A_607], %swap3A_610 {strides = array<i32>} : memref<90x16x256xbf16, #tpu.memory_space<vmem>>, vector<90x1x256xbf16>,
    %get3A_611 = arith.constant 14 : index
    %get3A_612 = arith.constant 0 : index
    %get3A_613 = arith.constant 0 : index
    %get3A_614 = vector.load %arg1[%get3A_611, %get3A_612, %get3A_613] : memref<16x96x96xf32, #tpu.memory_space<vmem>>, vector<1x90x90xf32>
    %get3A_615 = vector.shape_cast %get3A_614 : vector<1x90x90xf32> to vector<90x90xf32>
    %reduce_sum3A_616 = arith.constant dense<0.000000e+00> : vector<90xf32>
    %reduce_sum3A_617 = vector.multi_reduction <add>, %get3A_615, %reduce_sum3A_616 [1] : vector<90x90xf32> to vector<90xf32>
    %broadcast_in_dim3A_618 = vector.shape_cast %reduce_sum3A_617 : vector<90xf32> to vector<90x1xf32>
    %add3A_619 = arith.constant 1.000000e+00 : f32
    %add3A_620 = vector.broadcast %add3A_619 : f32 to vector<90x1xf32>
    %add3A_621 = arith.addf %broadcast_in_dim3A_618, %add3A_620 : vector<90x1xf32>
    %gt3A_622 = arith.constant 0.000000e+00 : f32
    %gt3A_623 = vector.broadcast %gt3A_622 : f32 to vector<90x1xf32>
    %gt3A_624 = arith.cmpf ogt, %add3A_621, %gt3A_623 : vector<90x1xf32>
    %rsqrt3A_625 = math.rsqrt %add3A_621 : vector<90x1xf32>
    %jit3A_626 = arith.constant 0.000000e+00 : f32
    %broadcast_in_dim3A_627 = vector.broadcast %jit3A_626 : f32 to vector<90x1xf32>
    %select_n3A_628 = arith.select %gt3A_624, %rsqrt3A_625, %broadcast_in_dim3A_627 : vector<90x1xi1>, vector<90x1xf32>
    %add3A_629 = arith.addf %get3A_615, %select_n3A : vector<90x90xf32>
    %convert_element_type3A_630 = arith.truncf %add3A_629 : vector<90x90xf32> to vector<90x90xbf16>
    %slice3A_631 = vector.extract_strided_slice %get3A_4 {offsets = [1260, 0], sizes = [90, 256], strides = [1, 1]} : vector<1440x256xbf16> to vector<90x256xbf16>
    %convert_element_type3A_632 = arith.extf %slice3A_631 : vector<90x256xbf16> to vector<90x256xf32>
    %mul3A_633 = vector.broadcast %select_n3A_628 : vector<90x1xf32> to vector<90x256xf32>
    %mul3A_634 = arith.mulf %mul3A_633, %convert_element_type3A_632 : vector<90x256xf32>
    %convert_element_type3A_635 = arith.truncf %mul3A_634 : vector<90x256xf32> to vector<90x256xbf16>
    %dot_general3A_636 = arith.constant dense<0.000000e+00> : vector<90x256xf32>
    %dot_general3A_637 = tpu.matmul %convert_element_type3A_630, %convert_element_type3A_635, %dot_general3A_636 {dimension_numbers = #tpu.dot_dimension_numbers<[1], [0], [0], [1], [0, 0, 1, 1], [], []>, transpose_lhs_hint = false} : vector<90x90xbf16>, vector<90x256xbf16>, vector<90x256xf32> -> vector<90x256xf32>
    %mul3A_638 = vector.broadcast %select_n3A_628 : vector<90x1xf32> to vector<90x256xf32>
    %mul3A_639 = arith.mulf %mul3A_638, %dot_general3A_637 : vector<90x256xf32>
    %get3A_640 = arith.constant 0 : index
    %get3A_641 = arith.constant 0 : index
    %get3A_642 = vector.load %arg3[%get3A_640, %get3A_641] : memref<1x256xf32, #tpu.memory_space<vmem>>, vector<1x256xf32>
    %add3A_643 = vector.broadcast %get3A_642 : vector<1x256xf32> to vector<90x256xf32>
    %add3A_644 = arith.addf %mul3A_639, %add3A_643 : vector<90x256xf32>
    %max3A_645 = arith.constant 0.000000e+00 : f32
    %max3A_646 = vector.broadcast %max3A_645 : f32 to vector<90x256xf32>
    %max3A_647 = arith.maximumf %add3A_644, %max3A_646 : vector<90x256xf32>
    %convert_element_type3A_648 = arith.truncf %max3A_647 : vector<90x256xf32> to vector<90x256xbf16>
    %swap3A_649 = arith.constant 0 : index
    %swap3A_650 = arith.constant 14 : index
    %swap3A_651 = arith.constant 0 : index
    %swap3A_652 = vector.load %arg6[%swap3A_649, %swap3A_650, %swap3A_651] : memref<90x16x256xbf16, #tpu.memory_space<vmem>>, vector<90x1x256xbf16>
    %swap3A_653 = vector.shape_cast %swap3A_652 : vector<90x1x256xbf16> to vector<90x256xbf16>
    %swap3A_654 = vector.shape_cast %convert_element_type3A_648 : vector<90x256xbf16> to vector<90x1x256xbf16>
    tpu.vector_store %arg6[%swap3A_649, %swap3A_650, %swap3A_651], %swap3A_654 {strides = array<i32>} : memref<90x16x256xbf16, #tpu.memory_space<vmem>>, vector<90x1x256xbf16>,
    %get3A_655 = arith.constant 15 : index
    %get3A_656 = arith.constant 0 : index
    %get3A_657 = arith.constant 0 : index
    %get3A_658 = vector.load %arg1[%get3A_655, %get3A_656, %get3A_657] : memref<16x96x96xf32, #tpu.memory_space<vmem>>, vector<1x90x90xf32>
    %get3A_659 = vector.shape_cast %get3A_658 : vector<1x90x90xf32> to vector<90x90xf32>
    %reduce_sum3A_660 = arith.constant dense<0.000000e+00> : vector<90xf32>
    %reduce_sum3A_661 = vector.multi_reduction <add>, %get3A_659, %reduce_sum3A_660 [1] : vector<90x90xf32> to vector<90xf32>
    %broadcast_in_dim3A_662 = vector.shape_cast %reduce_sum3A_661 : vector<90xf32> to vector<90x1xf32>
    %add3A_663 = arith.constant 1.000000e+00 : f32
    %add3A_664 = vector.broadcast %add3A_663 : f32 to vector<90x1xf32>
    %add3A_665 = arith.addf %broadcast_in_dim3A_662, %add3A_664 : vector<90x1xf32>
    %gt3A_666 = arith.constant 0.000000e+00 : f32
    %gt3A_667 = vector.broadcast %gt3A_666 : f32 to vector<90x1xf32>
    %gt3A_668 = arith.cmpf ogt, %add3A_665, %gt3A_667 : vector<90x1xf32>
    %rsqrt3A_669 = math.rsqrt %add3A_665 : vector<90x1xf32>
    %jit3A_670 = arith.constant 0.000000e+00 : f32
    %broadcast_in_dim3A_671 = vector.broadcast %jit3A_670 : f32 to vector<90x1xf32>
    %select_n3A_672 = arith.select %gt3A_668, %rsqrt3A_669, %broadcast_in_dim3A_671 : vector<90x1xi1>, vector<90x1xf32>
    %add3A_673 = arith.addf %get3A_659, %select_n3A : vector<90x90xf32>
    %convert_element_type3A_674 = arith.truncf %add3A_673 : vector<90x90xf32> to vector<90x90xbf16>
    %slice3A_675 = vector.extract_strided_slice %get3A_4 {offsets = [1350, 0], sizes = [90, 256], strides = [1, 1]} : vector<1440x256xbf16> to vector<90x256xbf16>
    %convert_element_type3A_676 = arith.extf %slice3A_675 : vector<90x256xbf16> to vector<90x256xf32>
    %mul3A_677 = vector.broadcast %select_n3A_672 : vector<90x1xf32> to vector<90x256xf32>
    %mul3A_678 = arith.mulf %mul3A_677, %convert_element_type3A_676 : vector<90x256xf32>
    %convert_element_type3A_679 = arith.truncf %mul3A_678 : vector<90x256xf32> to vector<90x256xbf16>
    %dot_general3A_680 = arith.constant dense<0.000000e+00> : vector<90x256xf32>
    %dot_general3A_681 = tpu.matmul %convert_element_type3A_674, %convert_element_type3A_679, %dot_general3A_680 {dimension_numbers = #tpu.dot_dimension_numbers<[1], [0], [0], [1], [0, 0, 1, 1], [], []>, transpose_lhs_hint = false} : vector<90x90xbf16>, vector<90x256xbf16>, vector<90x256xf32> -> vector<90x256xf32>
    %mul3A_682 = vector.broadcast %select_n3A_672 : vector<90x1xf32> to vector<90x256xf32>
    %mul3A_683 = arith.mulf %mul3A_682, %dot_general3A_681 : vector<90x256xf32>
    %get3A_684 = arith.constant 0 : index
    %get3A_685 = arith.constant 0 : index
    %get3A_686 = vector.load %arg3[%get3A_684, %get3A_685] : memref<1x256xf32, #tpu.memory_space<vmem>>, vector<1x256xf32>
    %add3A_687 = vector.broadcast %get3A_686 : vector<1x256xf32> to vector<90x256xf32>
    %add3A_688 = arith.addf %mul3A_683, %add3A_687 : vector<90x256xf32>
    %max3A_689 = arith.constant 0.000000e+00 : f32
    %max3A_690 = vector.broadcast %max3A_689 : f32 to vector<90x256xf32>
    %max3A_691 = arith.maximumf %add3A_688, %max3A_690 : vector<90x256xf32>
    %convert_element_type3A_692 = arith.truncf %max3A_691 : vector<90x256xf32> to vector<90x256xbf16>
    %swap3A_693 = arith.constant 0 : index
    %swap3A_694 = arith.constant 15 : index
    %swap3A_695 = arith.constant 0 : index
    %swap3A_696 = vector.load %arg6[%swap3A_693, %swap3A_694, %swap3A_695] : memref<90x16x256xbf16, #tpu.memory_space<vmem>>, vector<90x1x256xbf16>
    %swap3A_697 = vector.shape_cast %swap3A_696 : vector<90x1x256xbf16> to vector<90x256xbf16>
    %swap3A_698 = vector.shape_cast %convert_element_type3A_692 : vector<90x256xbf16> to vector<90x1x256xbf16>
    tpu.vector_store %arg6[%swap3A_693, %swap3A_694, %swap3A_695], %swap3A_698 {strides = array<i32>} : memref<90x16x256xbf16, #tpu.memory_space<vmem>>, vector<90x1x256xbf16>,
    %concatenate3A = tpu.concatenate %convert_element_type3A_33, %convert_element_type3A_76, %convert_element_type3A_120, %convert_element_type3A_164, %convert_element_type3A_208, %convert_element_type3A_252, %convert_element_type3A_296, %convert_element_type3A_340, %convert_element_type3A_384, %convert_element_type3A_428, %convert_element_type3A_472, %convert_element_type3A_516, %convert_element_type3A_560, %convert_element_type3A_604, %convert_element_type3A_648, %convert_element_type3A_692 in 0 : vector<90x256xbf16>, vector<90x256xbf16>, vector<90x256xbf16>, vector<90x256xbf16>, vector<90x256xbf16>, vector<90x256xbf16>, vector<90x256xbf16>, vector<90x256xbf16>, vector<90x256xbf16>, vector<90x256xbf16>, vector<90x256xbf16>, vector<90x256xbf16>, vector<90x256xbf16>, vector<90x256xbf16>, vector<90x256xbf16>, vector<90x256xbf16> -> vector<1440x256xbf16>
    %get3A_699 = arith.constant 0 : index
    %get3A_700 = arith.constant 0 : index
    %get3A_701 = vector.load %arg4[%get3A_699, %get3A_700] : memref<256x256xbf16, #tpu.memory_space<vmem>>, vector<256x256xbf16>
    %dot_general3A_702 = arith.constant dense<0.000000e+00> : vector<1440x256xf32>
    %dot_general3A_703 = tpu.matmul %concatenate3A, %get3A_701, %dot_general3A_702 {dimension_numbers = #tpu.dot_dimension_numbers<[1], [0], [0], [1], [0, 0, 1, 1], [], []>, transpose_lhs_hint = false} : vector<1440x256xbf16>, vector<256x256xbf16>, vector<1440x256xf32> -> vector<1440x256xf32>
    %slice3A_704 = vector.extract_strided_slice %dot_general3A_703 {offsets = [0, 0], sizes = [90, 256], strides = [1, 1]} : vector<1440x256xf32> to vector<90x256xf32>
    %mul3A_705 = vector.broadcast %select_n3A_18 : vector<90x1xf32> to vector<90x256xf32>
    %mul3A_706 = arith.mulf %mul3A_705, %slice3A_704 : vector<90x256xf32>
    %convert_element_type3A_707 = arith.truncf %mul3A_706 : vector<90x256xf32> to vector<90x256xbf16>
    %dot_general3A_708 = arith.constant dense<0.000000e+00> : vector<90x256xf32>
    %dot_general3A_709 = tpu.matmul %convert_element_type3A, %convert_element_type3A_707, %dot_general3A_708 {dimension_numbers = #tpu.dot_dimension_numbers<[1], [0], [0], [1], [0, 0, 1, 1], [], []>, transpose_lhs_hint = false} : vector<90x90xbf16>, vector<90x256xbf16>, vector<90x256xf32> -> vector<90x256xf32>
    %mul3A_710 = vector.broadcast %select_n3A_18 : vector<90x1xf32> to vector<90x256xf32>
    %mul3A_711 = arith.mulf %mul3A_710, %dot_general3A_709 : vector<90x256xf32>
    %get3A_712 = arith.constant 0 : index
    %get3A_713 = arith.constant 0 : index
    %get3A_714 = vector.load %arg5[%get3A_712, %get3A_713] : memref<1x256xf32, #tpu.memory_space<vmem>>, vector<1x256xf32>
    %add3A_715 = vector.broadcast %get3A_714 : vector<1x256xf32> to vector<90x256xf32>
    %add3A_716 = arith.addf %mul3A_711, %add3A_715 : vector<90x256xf32>
    %max3A_717 = arith.constant 0.000000e+00 : f32
    %max3A_718 = vector.broadcast %max3A_717 : f32 to vector<90x256xf32>
    %max3A_719 = arith.maximumf %add3A_716, %max3A_718 : vector<90x256xf32>
    %convert_element_type3A_720 = arith.truncf %max3A_719 : vector<90x256xf32> to vector<90x256xbf16>
    %swap3A_721 = arith.constant 0 : index
    %swap3A_722 = arith.constant 0 : index
    %swap3A_723 = arith.constant 0 : index
    %swap3A_724 = vector.load %arg7[%swap3A_721, %swap3A_722, %swap3A_723] : memref<90x16x256xbf16, #tpu.memory_space<vmem>>, vector<90x1x256xbf16>
    %swap3A_725 = vector.shape_cast %swap3A_724 : vector<90x1x256xbf16> to vector<90x256xbf16>
    %swap3A_726 = vector.shape_cast %convert_element_type3A_720 : vector<90x256xbf16> to vector<90x1x256xbf16>
    tpu.vector_store %arg7[%swap3A_721, %swap3A_722, %swap3A_723], %swap3A_726 {strides = array<i32>} : memref<90x16x256xbf16, #tpu.memory_space<vmem>>, vector<90x1x256xbf16>,
    %slice3A_727 = vector.extract_strided_slice %dot_general3A_703 {offsets = [90, 0], sizes = [90, 256], strides = [1, 1]} : vector<1440x256xf32> to vector<90x256xf32>
    %mul3A_728 = vector.broadcast %select_n3A_56 : vector<90x1xf32> to vector<90x256xf32>
    %mul3A_729 = arith.mulf %mul3A_728, %slice3A_727 : vector<90x256xf32>
    %convert_element_type3A_730 = arith.truncf %mul3A_729 : vector<90x256xf32> to vector<90x256xbf16>
    %dot_general3A_731 = arith.constant dense<0.000000e+00> : vector<90x256xf32>
    %dot_general3A_732 = tpu.matmul %convert_element_type3A_58, %convert_element_type3A_730, %dot_general3A_731 {dimension_numbers = #tpu.dot_dimension_numbers<[1], [0], [0], [1], [0, 0, 1, 1], [], []>, transpose_lhs_hint = false} : vector<90x90xbf16>, vector<90x256xbf16>, vector<90x256xf32> -> vector<90x256xf32>
    %mul3A_733 = vector.broadcast %select_n3A_56 : vector<90x1xf32> to vector<90x256xf32>
    %mul3A_734 = arith.mulf %mul3A_733, %dot_general3A_732 : vector<90x256xf32>
    %get3A_735 = arith.constant 0 : index
    %get3A_736 = arith.constant 0 : index
    %get3A_737 = vector.load %arg5[%get3A_735, %get3A_736] : memref<1x256xf32, #tpu.memory_space<vmem>>, vector<1x256xf32>
    %add3A_738 = vector.broadcast %get3A_737 : vector<1x256xf32> to vector<90x256xf32>
    %add3A_739 = arith.addf %mul3A_734, %add3A_738 : vector<90x256xf32>
    %max3A_740 = arith.constant 0.000000e+00 : f32
    %max3A_741 = vector.broadcast %max3A_740 : f32 to vector<90x256xf32>
    %max3A_742 = arith.maximumf %add3A_739, %max3A_741 : vector<90x256xf32>
    %convert_element_type3A_743 = arith.truncf %max3A_742 : vector<90x256xf32> to vector<90x256xbf16>
    %swap3A_744 = arith.constant 0 : index
    %swap3A_745 = arith.constant 1 : index
    %swap3A_746 = arith.constant 0 : index
    %swap3A_747 = vector.load %arg7[%swap3A_744, %swap3A_745, %swap3A_746] : memref<90x16x256xbf16, #tpu.memory_space<vmem>>, vector<90x1x256xbf16>
    %swap3A_748 = vector.shape_cast %swap3A_747 : vector<90x1x256xbf16> to vector<90x256xbf16>
    %swap3A_749 = vector.shape_cast %convert_element_type3A_743 : vector<90x256xbf16> to vector<90x1x256xbf16>
    tpu.vector_store %arg7[%swap3A_744, %swap3A_745, %swap3A_746], %swap3A_749 {strides = array<i32>} : memref<90x16x256xbf16, #tpu.memory_space<vmem>>, vector<90x1x256xbf16>,
    %slice3A_750 = vector.extract_strided_slice %dot_general3A_703 {offsets = [180, 0], sizes = [90, 256], strides = [1, 1]} : vector<1440x256xf32> to vector<90x256xf32>
    %mul3A_751 = vector.broadcast %select_n3A_100 : vector<90x1xf32> to vector<90x256xf32>
    %mul3A_752 = arith.mulf %mul3A_751, %slice3A_750 : vector<90x256xf32>
    %convert_element_type3A_753 = arith.truncf %mul3A_752 : vector<90x256xf32> to vector<90x256xbf16>
    %dot_general3A_754 = arith.constant dense<0.000000e+00> : vector<90x256xf32>
    %dot_general3A_755 = tpu.matmul %convert_element_type3A_102, %convert_element_type3A_753, %dot_general3A_754 {dimension_numbers = #tpu.dot_dimension_numbers<[1], [0], [0], [1], [0, 0, 1, 1], [], []>, transpose_lhs_hint = false} : vector<90x90xbf16>, vector<90x256xbf16>, vector<90x256xf32> -> vector<90x256xf32>
    %mul3A_756 = vector.broadcast %select_n3A_100 : vector<90x1xf32> to vector<90x256xf32>
    %mul3A_757 = arith.mulf %mul3A_756, %dot_general3A_755 : vector<90x256xf32>
    %get3A_758 = arith.constant 0 : index
    %get3A_759 = arith.constant 0 : index
    %get3A_760 = vector.load %arg5[%get3A_758, %get3A_759] : memref<1x256xf32, #tpu.memory_space<vmem>>, vector<1x256xf32>
    %add3A_761 = vector.broadcast %get3A_760 : vector<1x256xf32> to vector<90x256xf32>
    %add3A_762 = arith.addf %mul3A_757, %add3A_761 : vector<90x256xf32>
    %max3A_763 = arith.constant 0.000000e+00 : f32
    %max3A_764 = vector.broadcast %max3A_763 : f32 to vector<90x256xf32>
    %max3A_765 = arith.maximumf %add3A_762, %max3A_764 : vector<90x256xf32>
    %convert_element_type3A_766 = arith.truncf %max3A_765 : vector<90x256xf32> to vector<90x256xbf16>
    %swap3A_767 = arith.constant 0 : index
    %swap3A_768 = arith.constant 2 : index
    %swap3A_769 = arith.constant 0 : index
    %swap3A_770 = vector.load %arg7[%swap3A_767, %swap3A_768, %swap3A_769] : memref<90x16x256xbf16, #tpu.memory_space<vmem>>, vector<90x1x256xbf16>
    %swap3A_771 = vector.shape_cast %swap3A_770 : vector<90x1x256xbf16> to vector<90x256xbf16>
    %swap3A_772 = vector.shape_cast %convert_element_type3A_766 : vector<90x256xbf16> to vector<90x1x256xbf16>
    tpu.vector_store %arg7[%swap3A_767, %swap3A_768, %swap3A_769], %swap3A_772 {strides = array<i32>} : memref<90x16x256xbf16, #tpu.memory_space<vmem>>, vector<90x1x256xbf16>,
    %slice3A_773 = vector.extract_strided_slice %dot_general3A_703 {offsets = [270, 0], sizes = [90, 256], strides = [1, 1]} : vector<1440x256xf32> to vector<90x256xf32>
    %mul3A_774 = vector.broadcast %select_n3A_144 : vector<90x1xf32> to vector<90x256xf32>
    %mul3A_775 = arith.mulf %mul3A_774, %slice3A_773 : vector<90x256xf32>
    %convert_element_type3A_776 = arith.truncf %mul3A_775 : vector<90x256xf32> to vector<90x256xbf16>
    %dot_general3A_777 = arith.constant dense<0.000000e+00> : vector<90x256xf32>
    %dot_general3A_778 = tpu.matmul %convert_element_type3A_146, %convert_element_type3A_776, %dot_general3A_777 {dimension_numbers = #tpu.dot_dimension_numbers<[1], [0], [0], [1], [0, 0, 1, 1], [], []>, transpose_lhs_hint = false} : vector<90x90xbf16>, vector<90x256xbf16>, vector<90x256xf32> -> vector<90x256xf32>
    %mul3A_779 = vector.broadcast %select_n3A_144 : vector<90x1xf32> to vector<90x256xf32>
    %mul3A_780 = arith.mulf %mul3A_779, %dot_general3A_778 : vector<90x256xf32>
    %get3A_781 = arith.constant 0 : index
    %get3A_782 = arith.constant 0 : index
    %get3A_783 = vector.load %arg5[%get3A_781, %get3A_782] : memref<1x256xf32, #tpu.memory_space<vmem>>, vector<1x256xf32>
    %add3A_784 = vector.broadcast %get3A_783 : vector<1x256xf32> to vector<90x256xf32>
    %add3A_785 = arith.addf %mul3A_780, %add3A_784 : vector<90x256xf32>
    %max3A_786 = arith.constant 0.000000e+00 : f32
    %max3A_787 = vector.broadcast %max3A_786 : f32 to vector<90x256xf32>
    %max3A_788 = arith.maximumf %add3A_785, %max3A_787 : vector<90x256xf32>
    %convert_element_type3A_789 = arith.truncf %max3A_788 : vector<90x256xf32> to vector<90x256xbf16>
    %swap3A_790 = arith.constant 0 : index
    %swap3A_791 = arith.constant 3 : index
    %swap3A_792 = arith.constant 0 : index
    %swap3A_793 = vector.load %arg7[%swap3A_790, %swap3A_791, %swap3A_792] : memref<90x16x256xbf16, #tpu.memory_space<vmem>>, vector<90x1x256xbf16>
    %swap3A_794 = vector.shape_cast %swap3A_793 : vector<90x1x256xbf16> to vector<90x256xbf16>
    %swap3A_795 = vector.shape_cast %convert_element_type3A_789 : vector<90x256xbf16> to vector<90x1x256xbf16>
    tpu.vector_store %arg7[%swap3A_790, %swap3A_791, %swap3A_792], %swap3A_795 {strides = array<i32>} : memref<90x16x256xbf16, #tpu.memory_space<vmem>>, vector<90x1x256xbf16>,
    %slice3A_796 = vector.extract_strided_slice %dot_general3A_703 {offsets = [360, 0], sizes = [90, 256], strides = [1, 1]} : vector<1440x256xf32> to vector<90x256xf32>
    %mul3A_797 = vector.broadcast %select_n3A_188 : vector<90x1xf32> to vector<90x256xf32>
    %mul3A_798 = arith.mulf %mul3A_797, %slice3A_796 : vector<90x256xf32>
    %convert_element_type3A_799 = arith.truncf %mul3A_798 : vector<90x256xf32> to vector<90x256xbf16>
    %dot_general3A_800 = arith.constant dense<0.000000e+00> : vector<90x256xf32>
    %dot_general3A_801 = tpu.matmul %convert_element_type3A_190, %convert_element_type3A_799, %dot_general3A_800 {dimension_numbers = #tpu.dot_dimension_numbers<[1], [0], [0], [1], [0, 0, 1, 1], [], []>, transpose_lhs_hint = false} : vector<90x90xbf16>, vector<90x256xbf16>, vector<90x256xf32> -> vector<90x256xf32>
    %mul3A_802 = vector.broadcast %select_n3A_188 : vector<90x1xf32> to vector<90x256xf32>
    %mul3A_803 = arith.mulf %mul3A_802, %dot_general3A_801 : vector<90x256xf32>
    %get3A_804 = arith.constant 0 : index
    %get3A_805 = arith.constant 0 : index
    %get3A_806 = vector.load %arg5[%get3A_804, %get3A_805] : memref<1x256xf32, #tpu.memory_space<vmem>>, vector<1x256xf32>
    %add3A_807 = vector.broadcast %get3A_806 : vector<1x256xf32> to vector<90x256xf32>
    %add3A_808 = arith.addf %mul3A_803, %add3A_807 : vector<90x256xf32>
    %max3A_809 = arith.constant 0.000000e+00 : f32
    %max3A_810 = vector.broadcast %max3A_809 : f32 to vector<90x256xf32>
    %max3A_811 = arith.maximumf %add3A_808, %max3A_810 : vector<90x256xf32>
    %convert_element_type3A_812 = arith.truncf %max3A_811 : vector<90x256xf32> to vector<90x256xbf16>
    %swap3A_813 = arith.constant 0 : index
    %swap3A_814 = arith.constant 4 : index
    %swap3A_815 = arith.constant 0 : index
    %swap3A_816 = vector.load %arg7[%swap3A_813, %swap3A_814, %swap3A_815] : memref<90x16x256xbf16, #tpu.memory_space<vmem>>, vector<90x1x256xbf16>
    %swap3A_817 = vector.shape_cast %swap3A_816 : vector<90x1x256xbf16> to vector<90x256xbf16>
    %swap3A_818 = vector.shape_cast %convert_element_type3A_812 : vector<90x256xbf16> to vector<90x1x256xbf16>
    tpu.vector_store %arg7[%swap3A_813, %swap3A_814, %swap3A_815], %swap3A_818 {strides = array<i32>} : memref<90x16x256xbf16, #tpu.memory_space<vmem>>, vector<90x1x256xbf16>,
    %slice3A_819 = vector.extract_strided_slice %dot_general3A_703 {offsets = [450, 0], sizes = [90, 256], strides = [1, 1]} : vector<1440x256xf32> to vector<90x256xf32>
    %mul3A_820 = vector.broadcast %select_n3A_232 : vector<90x1xf32> to vector<90x256xf32>
    %mul3A_821 = arith.mulf %mul3A_820, %slice3A_819 : vector<90x256xf32>
    %convert_element_type3A_822 = arith.truncf %mul3A_821 : vector<90x256xf32> to vector<90x256xbf16>
    %dot_general3A_823 = arith.constant dense<0.000000e+00> : vector<90x256xf32>
    %dot_general3A_824 = tpu.matmul %convert_element_type3A_234, %convert_element_type3A_822, %dot_general3A_823 {dimension_numbers = #tpu.dot_dimension_numbers<[1], [0], [0], [1], [0, 0, 1, 1], [], []>, transpose_lhs_hint = false} : vector<90x90xbf16>, vector<90x256xbf16>, vector<90x256xf32> -> vector<90x256xf32>
    %mul3A_825 = vector.broadcast %select_n3A_232 : vector<90x1xf32> to vector<90x256xf32>
    %mul3A_826 = arith.mulf %mul3A_825, %dot_general3A_824 : vector<90x256xf32>
    %get3A_827 = arith.constant 0 : index
    %get3A_828 = arith.constant 0 : index
    %get3A_829 = vector.load %arg5[%get3A_827, %get3A_828] : memref<1x256xf32, #tpu.memory_space<vmem>>, vector<1x256xf32>
    %add3A_830 = vector.broadcast %get3A_829 : vector<1x256xf32> to vector<90x256xf32>
    %add3A_831 = arith.addf %mul3A_826, %add3A_830 : vector<90x256xf32>
    %max3A_832 = arith.constant 0.000000e+00 : f32
    %max3A_833 = vector.broadcast %max3A_832 : f32 to vector<90x256xf32>
    %max3A_834 = arith.maximumf %add3A_831, %max3A_833 : vector<90x256xf32>
    %convert_element_type3A_835 = arith.truncf %max3A_834 : vector<90x256xf32> to vector<90x256xbf16>
    %swap3A_836 = arith.constant 0 : index
    %swap3A_837 = arith.constant 5 : index
    %swap3A_838 = arith.constant 0 : index
    %swap3A_839 = vector.load %arg7[%swap3A_836, %swap3A_837, %swap3A_838] : memref<90x16x256xbf16, #tpu.memory_space<vmem>>, vector<90x1x256xbf16>
    %swap3A_840 = vector.shape_cast %swap3A_839 : vector<90x1x256xbf16> to vector<90x256xbf16>
    %swap3A_841 = vector.shape_cast %convert_element_type3A_835 : vector<90x256xbf16> to vector<90x1x256xbf16>
    tpu.vector_store %arg7[%swap3A_836, %swap3A_837, %swap3A_838], %swap3A_841 {strides = array<i32>} : memref<90x16x256xbf16, #tpu.memory_space<vmem>>, vector<90x1x256xbf16>,
    %slice3A_842 = vector.extract_strided_slice %dot_general3A_703 {offsets = [540, 0], sizes = [90, 256], strides = [1, 1]} : vector<1440x256xf32> to vector<90x256xf32>
    %mul3A_843 = vector.broadcast %select_n3A_276 : vector<90x1xf32> to vector<90x256xf32>
    %mul3A_844 = arith.mulf %mul3A_843, %slice3A_842 : vector<90x256xf32>
    %convert_element_type3A_845 = arith.truncf %mul3A_844 : vector<90x256xf32> to vector<90x256xbf16>
    %dot_general3A_846 = arith.constant dense<0.000000e+00> : vector<90x256xf32>
    %dot_general3A_847 = tpu.matmul %convert_element_type3A_278, %convert_element_type3A_845, %dot_general3A_846 {dimension_numbers = #tpu.dot_dimension_numbers<[1], [0], [0], [1], [0, 0, 1, 1], [], []>, transpose_lhs_hint = false} : vector<90x90xbf16>, vector<90x256xbf16>, vector<90x256xf32> -> vector<90x256xf32>
    %mul3A_848 = vector.broadcast %select_n3A_276 : vector<90x1xf32> to vector<90x256xf32>
    %mul3A_849 = arith.mulf %mul3A_848, %dot_general3A_847 : vector<90x256xf32>
    %get3A_850 = arith.constant 0 : index
    %get3A_851 = arith.constant 0 : index
    %get3A_852 = vector.load %arg5[%get3A_850, %get3A_851] : memref<1x256xf32, #tpu.memory_space<vmem>>, vector<1x256xf32>
    %add3A_853 = vector.broadcast %get3A_852 : vector<1x256xf32> to vector<90x256xf32>
    %add3A_854 = arith.addf %mul3A_849, %add3A_853 : vector<90x256xf32>
    %max3A_855 = arith.constant 0.000000e+00 : f32
    %max3A_856 = vector.broadcast %max3A_855 : f32 to vector<90x256xf32>
    %max3A_857 = arith.maximumf %add3A_854, %max3A_856 : vector<90x256xf32>
    %convert_element_type3A_858 = arith.truncf %max3A_857 : vector<90x256xf32> to vector<90x256xbf16>
    %swap3A_859 = arith.constant 0 : index
    %swap3A_860 = arith.constant 6 : index
    %swap3A_861 = arith.constant 0 : index
    %swap3A_862 = vector.load %arg7[%swap3A_859, %swap3A_860, %swap3A_861] : memref<90x16x256xbf16, #tpu.memory_space<vmem>>, vector<90x1x256xbf16>
    %swap3A_863 = vector.shape_cast %swap3A_862 : vector<90x1x256xbf16> to vector<90x256xbf16>
    %swap3A_864 = vector.shape_cast %convert_element_type3A_858 : vector<90x256xbf16> to vector<90x1x256xbf16>
    tpu.vector_store %arg7[%swap3A_859, %swap3A_860, %swap3A_861], %swap3A_864 {strides = array<i32>} : memref<90x16x256xbf16, #tpu.memory_space<vmem>>, vector<90x1x256xbf16>,
    %slice3A_865 = vector.extract_strided_slice %dot_general3A_703 {offsets = [630, 0], sizes = [90, 256], strides = [1, 1]} : vector<1440x256xf32> to vector<90x256xf32>
    %mul3A_866 = vector.broadcast %select_n3A_320 : vector<90x1xf32> to vector<90x256xf32>
    %mul3A_867 = arith.mulf %mul3A_866, %slice3A_865 : vector<90x256xf32>
    %convert_element_type3A_868 = arith.truncf %mul3A_867 : vector<90x256xf32> to vector<90x256xbf16>
    %dot_general3A_869 = arith.constant dense<0.000000e+00> : vector<90x256xf32>
    %dot_general3A_870 = tpu.matmul %convert_element_type3A_322, %convert_element_type3A_868, %dot_general3A_869 {dimension_numbers = #tpu.dot_dimension_numbers<[1], [0], [0], [1], [0, 0, 1, 1], [], []>, transpose_lhs_hint = false} : vector<90x90xbf16>, vector<90x256xbf16>, vector<90x256xf32> -> vector<90x256xf32>
    %mul3A_871 = vector.broadcast %select_n3A_320 : vector<90x1xf32> to vector<90x256xf32>
    %mul3A_872 = arith.mulf %mul3A_871, %dot_general3A_870 : vector<90x256xf32>
    %get3A_873 = arith.constant 0 : index
    %get3A_874 = arith.constant 0 : index
    %get3A_875 = vector.load %arg5[%get3A_873, %get3A_874] : memref<1x256xf32, #tpu.memory_space<vmem>>, vector<1x256xf32>
    %add3A_876 = vector.broadcast %get3A_875 : vector<1x256xf32> to vector<90x256xf32>
    %add3A_877 = arith.addf %mul3A_872, %add3A_876 : vector<90x256xf32>
    %max3A_878 = arith.constant 0.000000e+00 : f32
    %max3A_879 = vector.broadcast %max3A_878 : f32 to vector<90x256xf32>
    %max3A_880 = arith.maximumf %add3A_877, %max3A_879 : vector<90x256xf32>
    %convert_element_type3A_881 = arith.truncf %max3A_880 : vector<90x256xf32> to vector<90x256xbf16>
    %swap3A_882 = arith.constant 0 : index
    %swap3A_883 = arith.constant 7 : index
    %swap3A_884 = arith.constant 0 : index
    %swap3A_885 = vector.load %arg7[%swap3A_882, %swap3A_883, %swap3A_884] : memref<90x16x256xbf16, #tpu.memory_space<vmem>>, vector<90x1x256xbf16>
    %swap3A_886 = vector.shape_cast %swap3A_885 : vector<90x1x256xbf16> to vector<90x256xbf16>
    %swap3A_887 = vector.shape_cast %convert_element_type3A_881 : vector<90x256xbf16> to vector<90x1x256xbf16>
    tpu.vector_store %arg7[%swap3A_882, %swap3A_883, %swap3A_884], %swap3A_887 {strides = array<i32>} : memref<90x16x256xbf16, #tpu.memory_space<vmem>>, vector<90x1x256xbf16>,
    %slice3A_888 = vector.extract_strided_slice %dot_general3A_703 {offsets = [720, 0], sizes = [90, 256], strides = [1, 1]} : vector<1440x256xf32> to vector<90x256xf32>
    %mul3A_889 = vector.broadcast %select_n3A_364 : vector<90x1xf32> to vector<90x256xf32>
    %mul3A_890 = arith.mulf %mul3A_889, %slice3A_888 : vector<90x256xf32>
    %convert_element_type3A_891 = arith.truncf %mul3A_890 : vector<90x256xf32> to vector<90x256xbf16>
    %dot_general3A_892 = arith.constant dense<0.000000e+00> : vector<90x256xf32>
    %dot_general3A_893 = tpu.matmul %convert_element_type3A_366, %convert_element_type3A_891, %dot_general3A_892 {dimension_numbers = #tpu.dot_dimension_numbers<[1], [0], [0], [1], [0, 0, 1, 1], [], []>, transpose_lhs_hint = false} : vector<90x90xbf16>, vector<90x256xbf16>, vector<90x256xf32> -> vector<90x256xf32>
    %mul3A_894 = vector.broadcast %select_n3A_364 : vector<90x1xf32> to vector<90x256xf32>
    %mul3A_895 = arith.mulf %mul3A_894, %dot_general3A_893 : vector<90x256xf32>
    %get3A_896 = arith.constant 0 : index
    %get3A_897 = arith.constant 0 : index
    %get3A_898 = vector.load %arg5[%get3A_896, %get3A_897] : memref<1x256xf32, #tpu.memory_space<vmem>>, vector<1x256xf32>
    %add3A_899 = vector.broadcast %get3A_898 : vector<1x256xf32> to vector<90x256xf32>
    %add3A_900 = arith.addf %mul3A_895, %add3A_899 : vector<90x256xf32>
    %max3A_901 = arith.constant 0.000000e+00 : f32
    %max3A_902 = vector.broadcast %max3A_901 : f32 to vector<90x256xf32>
    %max3A_903 = arith.maximumf %add3A_900, %max3A_902 : vector<90x256xf32>
    %convert_element_type3A_904 = arith.truncf %max3A_903 : vector<90x256xf32> to vector<90x256xbf16>
    %swap3A_905 = arith.constant 0 : index
    %swap3A_906 = arith.constant 8 : index
    %swap3A_907 = arith.constant 0 : index
    %swap3A_908 = vector.load %arg7[%swap3A_905, %swap3A_906, %swap3A_907] : memref<90x16x256xbf16, #tpu.memory_space<vmem>>, vector<90x1x256xbf16>
    %swap3A_909 = vector.shape_cast %swap3A_908 : vector<90x1x256xbf16> to vector<90x256xbf16>
    %swap3A_910 = vector.shape_cast %convert_element_type3A_904 : vector<90x256xbf16> to vector<90x1x256xbf16>
    tpu.vector_store %arg7[%swap3A_905, %swap3A_906, %swap3A_907], %swap3A_910 {strides = array<i32>} : memref<90x16x256xbf16, #tpu.memory_space<vmem>>, vector<90x1x256xbf16>,
    %slice3A_911 = vector.extract_strided_slice %dot_general3A_703 {offsets = [810, 0], sizes = [90, 256], strides = [1, 1]} : vector<1440x256xf32> to vector<90x256xf32>
    %mul3A_912 = vector.broadcast %select_n3A_408 : vector<90x1xf32> to vector<90x256xf32>
    %mul3A_913 = arith.mulf %mul3A_912, %slice3A_911 : vector<90x256xf32>
    %convert_element_type3A_914 = arith.truncf %mul3A_913 : vector<90x256xf32> to vector<90x256xbf16>
    %dot_general3A_915 = arith.constant dense<0.000000e+00> : vector<90x256xf32>
    %dot_general3A_916 = tpu.matmul %convert_element_type3A_410, %convert_element_type3A_914, %dot_general3A_915 {dimension_numbers = #tpu.dot_dimension_numbers<[1], [0], [0], [1], [0, 0, 1, 1], [], []>, transpose_lhs_hint = false} : vector<90x90xbf16>, vector<90x256xbf16>, vector<90x256xf32> -> vector<90x256xf32>
    %mul3A_917 = vector.broadcast %select_n3A_408 : vector<90x1xf32> to vector<90x256xf32>
    %mul3A_918 = arith.mulf %mul3A_917, %dot_general3A_916 : vector<90x256xf32>
    %get3A_919 = arith.constant 0 : index
    %get3A_920 = arith.constant 0 : index
    %get3A_921 = vector.load %arg5[%get3A_919, %get3A_920] : memref<1x256xf32, #tpu.memory_space<vmem>>, vector<1x256xf32>
    %add3A_922 = vector.broadcast %get3A_921 : vector<1x256xf32> to vector<90x256xf32>
    %add3A_923 = arith.addf %mul3A_918, %add3A_922 : vector<90x256xf32>
    %max3A_924 = arith.constant 0.000000e+00 : f32
    %max3A_925 = vector.broadcast %max3A_924 : f32 to vector<90x256xf32>
    %max3A_926 = arith.maximumf %add3A_923, %max3A_925 : vector<90x256xf32>
    %convert_element_type3A_927 = arith.truncf %max3A_926 : vector<90x256xf32> to vector<90x256xbf16>
    %swap3A_928 = arith.constant 0 : index
    %swap3A_929 = arith.constant 9 : index
    %swap3A_930 = arith.constant 0 : index
    %swap3A_931 = vector.load %arg7[%swap3A_928, %swap3A_929, %swap3A_930] : memref<90x16x256xbf16, #tpu.memory_space<vmem>>, vector<90x1x256xbf16>
    %swap3A_932 = vector.shape_cast %swap3A_931 : vector<90x1x256xbf16> to vector<90x256xbf16>
    %swap3A_933 = vector.shape_cast %convert_element_type3A_927 : vector<90x256xbf16> to vector<90x1x256xbf16>
    tpu.vector_store %arg7[%swap3A_928, %swap3A_929, %swap3A_930], %swap3A_933 {strides = array<i32>} : memref<90x16x256xbf16, #tpu.memory_space<vmem>>, vector<90x1x256xbf16>,
    %slice3A_934 = vector.extract_strided_slice %dot_general3A_703 {offsets = [900, 0], sizes = [90, 256], strides = [1, 1]} : vector<1440x256xf32> to vector<90x256xf32>
    %mul3A_935 = vector.broadcast %select_n3A_452 : vector<90x1xf32> to vector<90x256xf32>
    %mul3A_936 = arith.mulf %mul3A_935, %slice3A_934 : vector<90x256xf32>
    %convert_element_type3A_937 = arith.truncf %mul3A_936 : vector<90x256xf32> to vector<90x256xbf16>
    %dot_general3A_938 = arith.constant dense<0.000000e+00> : vector<90x256xf32>
    %dot_general3A_939 = tpu.matmul %convert_element_type3A_454, %convert_element_type3A_937, %dot_general3A_938 {dimension_numbers = #tpu.dot_dimension_numbers<[1], [0], [0], [1], [0, 0, 1, 1], [], []>, transpose_lhs_hint = false} : vector<90x90xbf16>, vector<90x256xbf16>, vector<90x256xf32> -> vector<90x256xf32>
    %mul3A_940 = vector.broadcast %select_n3A_452 : vector<90x1xf32> to vector<90x256xf32>
    %mul3A_941 = arith.mulf %mul3A_940, %dot_general3A_939 : vector<90x256xf32>
    %get3A_942 = arith.constant 0 : index
    %get3A_943 = arith.constant 0 : index
    %get3A_944 = vector.load %arg5[%get3A_942, %get3A_943] : memref<1x256xf32, #tpu.memory_space<vmem>>, vector<1x256xf32>
    %add3A_945 = vector.broadcast %get3A_944 : vector<1x256xf32> to vector<90x256xf32>
    %add3A_946 = arith.addf %mul3A_941, %add3A_945 : vector<90x256xf32>
    %max3A_947 = arith.constant 0.000000e+00 : f32
    %max3A_948 = vector.broadcast %max3A_947 : f32 to vector<90x256xf32>
    %max3A_949 = arith.maximumf %add3A_946, %max3A_948 : vector<90x256xf32>
    %convert_element_type3A_950 = arith.truncf %max3A_949 : vector<90x256xf32> to vector<90x256xbf16>
    %swap3A_951 = arith.constant 0 : index
    %swap3A_952 = arith.constant 10 : index
    %swap3A_953 = arith.constant 0 : index
    %swap3A_954 = vector.load %arg7[%swap3A_951, %swap3A_952, %swap3A_953] : memref<90x16x256xbf16, #tpu.memory_space<vmem>>, vector<90x1x256xbf16>
    %swap3A_955 = vector.shape_cast %swap3A_954 : vector<90x1x256xbf16> to vector<90x256xbf16>
    %swap3A_956 = vector.shape_cast %convert_element_type3A_950 : vector<90x256xbf16> to vector<90x1x256xbf16>
    tpu.vector_store %arg7[%swap3A_951, %swap3A_952, %swap3A_953], %swap3A_956 {strides = array<i32>} : memref<90x16x256xbf16, #tpu.memory_space<vmem>>, vector<90x1x256xbf16>,
    %slice3A_957 = vector.extract_strided_slice %dot_general3A_703 {offsets = [990, 0], sizes = [90, 256], strides = [1, 1]} : vector<1440x256xf32> to vector<90x256xf32>
    %mul3A_958 = vector.broadcast %select_n3A_496 : vector<90x1xf32> to vector<90x256xf32>
    %mul3A_959 = arith.mulf %mul3A_958, %slice3A_957 : vector<90x256xf32>
    %convert_element_type3A_960 = arith.truncf %mul3A_959 : vector<90x256xf32> to vector<90x256xbf16>
    %dot_general3A_961 = arith.constant dense<0.000000e+00> : vector<90x256xf32>
    %dot_general3A_962 = tpu.matmul %convert_element_type3A_498, %convert_element_type3A_960, %dot_general3A_961 {dimension_numbers = #tpu.dot_dimension_numbers<[1], [0], [0], [1], [0, 0, 1, 1], [], []>, transpose_lhs_hint = false} : vector<90x90xbf16>, vector<90x256xbf16>, vector<90x256xf32> -> vector<90x256xf32>
    %mul3A_963 = vector.broadcast %select_n3A_496 : vector<90x1xf32> to vector<90x256xf32>
    %mul3A_964 = arith.mulf %mul3A_963, %dot_general3A_962 : vector<90x256xf32>
    %get3A_965 = arith.constant 0 : index
    %get3A_966 = arith.constant 0 : index
    %get3A_967 = vector.load %arg5[%get3A_965, %get3A_966] : memref<1x256xf32, #tpu.memory_space<vmem>>, vector<1x256xf32>
    %add3A_968 = vector.broadcast %get3A_967 : vector<1x256xf32> to vector<90x256xf32>
    %add3A_969 = arith.addf %mul3A_964, %add3A_968 : vector<90x256xf32>
    %max3A_970 = arith.constant 0.000000e+00 : f32
    %max3A_971 = vector.broadcast %max3A_970 : f32 to vector<90x256xf32>
    %max3A_972 = arith.maximumf %add3A_969, %max3A_971 : vector<90x256xf32>
    %convert_element_type3A_973 = arith.truncf %max3A_972 : vector<90x256xf32> to vector<90x256xbf16>
    %swap3A_974 = arith.constant 0 : index
    %swap3A_975 = arith.constant 11 : index
    %swap3A_976 = arith.constant 0 : index
    %swap3A_977 = vector.load %arg7[%swap3A_974, %swap3A_975, %swap3A_976] : memref<90x16x256xbf16, #tpu.memory_space<vmem>>, vector<90x1x256xbf16>
    %swap3A_978 = vector.shape_cast %swap3A_977 : vector<90x1x256xbf16> to vector<90x256xbf16>
    %swap3A_979 = vector.shape_cast %convert_element_type3A_973 : vector<90x256xbf16> to vector<90x1x256xbf16>
    tpu.vector_store %arg7[%swap3A_974, %swap3A_975, %swap3A_976], %swap3A_979 {strides = array<i32>} : memref<90x16x256xbf16, #tpu.memory_space<vmem>>, vector<90x1x256xbf16>,
    %slice3A_980 = vector.extract_strided_slice %dot_general3A_703 {offsets = [1080, 0], sizes = [90, 256], strides = [1, 1]} : vector<1440x256xf32> to vector<90x256xf32>
    %mul3A_981 = vector.broadcast %select_n3A_540 : vector<90x1xf32> to vector<90x256xf32>
    %mul3A_982 = arith.mulf %mul3A_981, %slice3A_980 : vector<90x256xf32>
    %convert_element_type3A_983 = arith.truncf %mul3A_982 : vector<90x256xf32> to vector<90x256xbf16>
    %dot_general3A_984 = arith.constant dense<0.000000e+00> : vector<90x256xf32>
    %dot_general3A_985 = tpu.matmul %convert_element_type3A_542, %convert_element_type3A_983, %dot_general3A_984 {dimension_numbers = #tpu.dot_dimension_numbers<[1], [0], [0], [1], [0, 0, 1, 1], [], []>, transpose_lhs_hint = false} : vector<90x90xbf16>, vector<90x256xbf16>, vector<90x256xf32> -> vector<90x256xf32>
    %mul3A_986 = vector.broadcast %select_n3A_540 : vector<90x1xf32> to vector<90x256xf32>
    %mul3A_987 = arith.mulf %mul3A_986, %dot_general3A_985 : vector<90x256xf32>
    %get3A_988 = arith.constant 0 : index
    %get3A_989 = arith.constant 0 : index
    %get3A_990 = vector.load %arg5[%get3A_988, %get3A_989] : memref<1x256xf32, #tpu.memory_space<vmem>>, vector<1x256xf32>
    %add3A_991 = vector.broadcast %get3A_990 : vector<1x256xf32> to vector<90x256xf32>
    %add3A_992 = arith.addf %mul3A_987, %add3A_991 : vector<90x256xf32>
    %max3A_993 = arith.constant 0.000000e+00 : f32
    %max3A_994 = vector.broadcast %max3A_993 : f32 to vector<90x256xf32>
    %max3A_995 = arith.maximumf %add3A_992, %max3A_994 : vector<90x256xf32>
    %convert_element_type3A_996 = arith.truncf %max3A_995 : vector<90x256xf32> to vector<90x256xbf16>
    %swap3A_997 = arith.constant 0 : index
    %swap3A_998 = arith.constant 12 : index
    %swap3A_999 = arith.constant 0 : index
    %swap3A_1000 = vector.load %arg7[%swap3A_997, %swap3A_998, %swap3A_999] : memref<90x16x256xbf16, #tpu.memory_space<vmem>>, vector<90x1x256xbf16>
    %swap3A_1001 = vector.shape_cast %swap3A_1000 : vector<90x1x256xbf16> to vector<90x256xbf16>
    %swap3A_1002 = vector.shape_cast %convert_element_type3A_996 : vector<90x256xbf16> to vector<90x1x256xbf16>
    tpu.vector_store %arg7[%swap3A_997, %swap3A_998, %swap3A_999], %swap3A_1002 {strides = array<i32>} : memref<90x16x256xbf16, #tpu.memory_space<vmem>>, vector<90x1x256xbf16>,
    %slice3A_1003 = vector.extract_strided_slice %dot_general3A_703 {offsets = [1170, 0], sizes = [90, 256], strides = [1, 1]} : vector<1440x256xf32> to vector<90x256xf32>
    %mul3A_1004 = vector.broadcast %select_n3A_584 : vector<90x1xf32> to vector<90x256xf32>
    %mul3A_1005 = arith.mulf %mul3A_1004, %slice3A_1003 : vector<90x256xf32>
    %convert_element_type3A_1006 = arith.truncf %mul3A_1005 : vector<90x256xf32> to vector<90x256xbf16>
    %dot_general3A_1007 = arith.constant dense<0.000000e+00> : vector<90x256xf32>
    %dot_general3A_1008 = tpu.matmul %convert_element_type3A_586, %convert_element_type3A_1006, %dot_general3A_1007 {dimension_numbers = #tpu.dot_dimension_numbers<[1], [0], [0], [1], [0, 0, 1, 1], [], []>, transpose_lhs_hint = false} : vector<90x90xbf16>, vector<90x256xbf16>, vector<90x256xf32> -> vector<90x256xf32>
    %mul3A_1009 = vector.broadcast %select_n3A_584 : vector<90x1xf32> to vector<90x256xf32>
    %mul3A_1010 = arith.mulf %mul3A_1009, %dot_general3A_1008 : vector<90x256xf32>
    %get3A_1011 = arith.constant 0 : index
    %get3A_1012 = arith.constant 0 : index
    %get3A_1013 = vector.load %arg5[%get3A_1011, %get3A_1012] : memref<1x256xf32, #tpu.memory_space<vmem>>, vector<1x256xf32>
    %add3A_1014 = vector.broadcast %get3A_1013 : vector<1x256xf32> to vector<90x256xf32>
    %add3A_1015 = arith.addf %mul3A_1010, %add3A_1014 : vector<90x256xf32>
    %max3A_1016 = arith.constant 0.000000e+00 : f32
    %max3A_1017 = vector.broadcast %max3A_1016 : f32 to vector<90x256xf32>
    %max3A_1018 = arith.maximumf %add3A_1015, %max3A_1017 : vector<90x256xf32>
    %convert_element_type3A_1019 = arith.truncf %max3A_1018 : vector<90x256xf32> to vector<90x256xbf16>
    %swap3A_1020 = arith.constant 0 : index
    %swap3A_1021 = arith.constant 13 : index
    %swap3A_1022 = arith.constant 0 : index
    %swap3A_1023 = vector.load %arg7[%swap3A_1020, %swap3A_1021, %swap3A_1022] : memref<90x16x256xbf16, #tpu.memory_space<vmem>>, vector<90x1x256xbf16>
    %swap3A_1024 = vector.shape_cast %swap3A_1023 : vector<90x1x256xbf16> to vector<90x256xbf16>
    %swap3A_1025 = vector.shape_cast %convert_element_type3A_1019 : vector<90x256xbf16> to vector<90x1x256xbf16>
    tpu.vector_store %arg7[%swap3A_1020, %swap3A_1021, %swap3A_1022], %swap3A_1025 {strides = array<i32>} : memref<90x16x256xbf16, #tpu.memory_space<vmem>>, vector<90x1x256xbf16>,
    %slice3A_1026 = vector.extract_strided_slice %dot_general3A_703 {offsets = [1260, 0], sizes = [90, 256], strides = [1, 1]} : vector<1440x256xf32> to vector<90x256xf32>
    %mul3A_1027 = vector.broadcast %select_n3A_628 : vector<90x1xf32> to vector<90x256xf32>
    %mul3A_1028 = arith.mulf %mul3A_1027, %slice3A_1026 : vector<90x256xf32>
    %convert_element_type3A_1029 = arith.truncf %mul3A_1028 : vector<90x256xf32> to vector<90x256xbf16>
    %dot_general3A_1030 = arith.constant dense<0.000000e+00> : vector<90x256xf32>
    %dot_general3A_1031 = tpu.matmul %convert_element_type3A_630, %convert_element_type3A_1029, %dot_general3A_1030 {dimension_numbers = #tpu.dot_dimension_numbers<[1], [0], [0], [1], [0, 0, 1, 1], [], []>, transpose_lhs_hint = false} : vector<90x90xbf16>, vector<90x256xbf16>, vector<90x256xf32> -> vector<90x256xf32>
    %mul3A_1032 = vector.broadcast %select_n3A_628 : vector<90x1xf32> to vector<90x256xf32>
    %mul3A_1033 = arith.mulf %mul3A_1032, %dot_general3A_1031 : vector<90x256xf32>
    %get3A_1034 = arith.constant 0 : index
    %get3A_1035 = arith.constant 0 : index
    %get3A_1036 = vector.load %arg5[%get3A_1034, %get3A_1035] : memref<1x256xf32, #tpu.memory_space<vmem>>, vector<1x256xf32>
    %add3A_1037 = vector.broadcast %get3A_1036 : vector<1x256xf32> to vector<90x256xf32>
    %add3A_1038 = arith.addf %mul3A_1033, %add3A_1037 : vector<90x256xf32>
    %max3A_1039 = arith.constant 0.000000e+00 : f32
    %max3A_1040 = vector.broadcast %max3A_1039 : f32 to vector<90x256xf32>
    %max3A_1041 = arith.maximumf %add3A_1038, %max3A_1040 : vector<90x256xf32>
    %convert_element_type3A_1042 = arith.truncf %max3A_1041 : vector<90x256xf32> to vector<90x256xbf16>
    %swap3A_1043 = arith.constant 0 : index
    %swap3A_1044 = arith.constant 14 : index
    %swap3A_1045 = arith.constant 0 : index
    %swap3A_1046 = vector.load %arg7[%swap3A_1043, %swap3A_1044, %swap3A_1045] : memref<90x16x256xbf16, #tpu.memory_space<vmem>>, vector<90x1x256xbf16>
    %swap3A_1047 = vector.shape_cast %swap3A_1046 : vector<90x1x256xbf16> to vector<90x256xbf16>
    %swap3A_1048 = vector.shape_cast %convert_element_type3A_1042 : vector<90x256xbf16> to vector<90x1x256xbf16>
    tpu.vector_store %arg7[%swap3A_1043, %swap3A_1044, %swap3A_1045], %swap3A_1048 {strides = array<i32>} : memref<90x16x256xbf16, #tpu.memory_space<vmem>>, vector<90x1x256xbf16>,
    %slice3A_1049 = vector.extract_strided_slice %dot_general3A_703 {offsets = [1350, 0], sizes = [90, 256], strides = [1, 1]} : vector<1440x256xf32> to vector<90x256xf32>
    %mul3A_1050 = vector.broadcast %select_n3A_672 : vector<90x1xf32> to vector<90x256xf32>
    %mul3A_1051 = arith.mulf %mul3A_1050, %slice3A_1049 : vector<90x256xf32>
    %convert_element_type3A_1052 = arith.truncf %mul3A_1051 : vector<90x256xf32> to vector<90x256xbf16>
    %dot_general3A_1053 = arith.constant dense<0.000000e+00> : vector<90x256xf32>
    %dot_general3A_1054 = tpu.matmul %convert_element_type3A_674, %convert_element_type3A_1052, %dot_general3A_1053 {dimension_numbers = #tpu.dot_dimension_numbers<[1], [0], [0], [1], [0, 0, 1, 1], [], []>, transpose_lhs_hint = false} : vector<90x90xbf16>, vector<90x256xbf16>, vector<90x256xf32> -> vector<90x256xf32>
    %mul3A_1055 = vector.broadcast %select_n3A_672 : vector<90x1xf32> to vector<90x256xf32>
    %mul3A_1056 = arith.mulf %mul3A_1055, %dot_general3A_1054 : vector<90x256xf32>
    %get3A_1057 = arith.constant 0 : index
    %get3A_1058 = arith.constant 0 : index
    %get3A_1059 = vector.load %arg5[%get3A_1057, %get3A_1058] : memref<1x256xf32, #tpu.memory_space<vmem>>, vector<1x256xf32>
    %add3A_1060 = vector.broadcast %get3A_1059 : vector<1x256xf32> to vector<90x256xf32>
    %add3A_1061 = arith.addf %mul3A_1056, %add3A_1060 : vector<90x256xf32>
    %max3A_1062 = arith.constant 0.000000e+00 : f32
    %max3A_1063 = vector.broadcast %max3A_1062 : f32 to vector<90x256xf32>
    %max3A_1064 = arith.maximumf %add3A_1061, %max3A_1063 : vector<90x256xf32>
    %convert_element_type3A_1065 = arith.truncf %max3A_1064 : vector<90x256xf32> to vector<90x256xbf16>
    %swap3A_1066 = arith.constant 0 : index
    %swap3A_1067 = arith.constant 15 : index
    %swap3A_1068 = arith.constant 0 : index
    %swap3A_1069 = vector.load %arg7[%swap3A_1066, %swap3A_1067, %swap3A_1068] : memref<90x16x256xbf16, #tpu.memory_space<vmem>>, vector<90x1x256xbf16>
    %swap3A_1070 = vector.shape_cast %swap3A_1069 : vector<90x1x256xbf16> to vector<90x256xbf16>
    %swap3A_1071 = vector.shape_cast %convert_element_type3A_1065 : vector<90x256xbf16> to vector<90x1x256xbf16>
    tpu.vector_store %arg7[%swap3A_1066, %swap3A_1067, %swap3A_1068], %swap3A_1071 {strides = array<i32>} : memref<90x16x256xbf16, #tpu.memory_space<vmem>>, vector<90x1x256xbf16>,
    return
  }
  func.func @transform_0(%arg0: i32) -> (i32, i32, i32) {
    %c0_i32 = arith.constant 0 : i32
    %c0_i32_0 = arith.constant 0 : i32
    %c0_i32_1 = arith.constant 0 : i32
    return %arg0, %c0_i32, %c0_i32_0 : i32, i32, i32
  }
  func.func @transform_1(%arg0: i32) -> (i32, i32) {
    %c0_i32 = arith.constant 0 : i32
    %c0_i32_0 = arith.constant 0 : i32
    return %arg0, %c0_i32 : i32, i32
  }
  func.func @transform_2(%arg0: i32) -> (i32, i32) {
    %c0_i32 = arith.constant 0 : i32
    %c0_i32_0 = arith.constant 0 : i32
    %c0_i32_1 = arith.constant 0 : i32
    return %c0_i32, %c0_i32_0 : i32, i32
  }
  func.func @transform_3(%arg0: i32) -> (i32, i32) {
    %c0_i32 = arith.constant 0 : i32
    %c0_i32_0 = arith.constant 0 : i32
    %c0_i32_1 = arith.constant 0 : i32
    return %c0_i32, %c0_i32_0 : i32, i32
  }
  func.func @transform_4(%arg0: i32) -> (i32, i32) {
    %c0_i32 = arith.constant 0 : i32
    %c0_i32_0 = arith.constant 0 : i32
    %c0_i32_1 = arith.constant 0 : i32
    return %c0_i32, %c0_i32_0 : i32, i32
  }
  func.func @transform_5(%arg0: i32) -> (i32, i32, i32) {
    %c0_i32 = arith.constant 0 : i32
    %c0_i32_0 = arith.constant 0 : i32
    %c0_i32_1 = arith.constant 0 : i32
    return %c0_i32, %arg0, %c0_i32_0 : i32, i32, i32
  }
  func.func @transform_6(%arg0: i32) -> (i32, i32, i32) {
    %c0_i32 = arith.constant 0 : i32
    %c0_i32_0 = arith.constant 0 : i32
    %c0_i32_1 = arith.constant 0 : i32
    return %c0_i32, %arg0, %c0_i32_0 : i32, i32, i32
  }
}

module attributes {stable_mosaic.version = 14 : i64} {
  func.func @_head_body(%arg0: i32, %arg1: memref<18x112x256xbf16, #tpu.memory_space<vmem>>, %arg2: memref<18x112x256xbf16, #tpu.memory_space<vmem>>, %arg3: memref<18x256x64xf32, #tpu.memory_space<vmem>>, %arg4: memref<18x256x64xf32, #tpu.memory_space<vmem>>, %arg5: memref<1x64xf32, #tpu.memory_space<vmem>>, %arg6: memref<64x16xf32, #tpu.memory_space<vmem>>, %arg7: memref<1x16xf32, #tpu.memory_space<vmem>>, %arg8: memref<16x2xf32, #tpu.memory_space<vmem>>, %arg9: memref<1x2xf32, #tpu.memory_space<vmem>>, %arg10: memref<1x64xf32, #tpu.memory_space<vmem>>, %arg11: memref<1x64xf32, #tpu.memory_space<vmem>>, %arg12: memref<1x16xf32, #tpu.memory_space<vmem>>, %arg13: memref<1x16xf32, #tpu.memory_space<vmem>>, %arg14: memref<112x2xf32, #tpu.memory_space<vmem>>, %arg15: memref<112x64xf32, #tpu.memory_space<vmem>>) attributes {dimension_semantics = [#tpu.dimension_semantics<arbitrary>], iteration_bounds = array<i64: 5>, scalar_prefetch = 0 : i64, scratch_operands = 1 : i64, tpu.core_type = #tpu.core_type<tc>, window_params = [{transform_indices = @transform_0, window_bounds = array<i64: 18, 112, 256>}, {transform_indices = @transform_1, window_bounds = array<i64: 18, 112, 256>}, {transform_indices = @transform_2, window_bounds = array<i64: 18, 256, 64>}, {transform_indices = @transform_3, window_bounds = array<i64: 18, 256, 64>}, {pipeline_mode = #tpu.pipeline_mode<synchronous>, transform_indices = @transform_4, window_bounds = array<i64: 1, 64>}, {pipeline_mode = #tpu.pipeline_mode<synchronous>, transform_indices = @transform_5, window_bounds = array<i64: 64, 16>}, {pipeline_mode = #tpu.pipeline_mode<synchronous>, transform_indices = @transform_6, window_bounds = array<i64: 1, 16>}, {pipeline_mode = #tpu.pipeline_mode<synchronous>, transform_indices = @transform_7, window_bounds = array<i64: 16, 2>}, {pipeline_mode = #tpu.pipeline_mode<synchronous>, transform_indices = @transform_8, window_bounds = array<i64: 1, 2>}, {pipeline_mode = #tpu.pipeline_mode<synchronous>, transform_indices = @transform_9, window_bounds = array<i64: 1, 64>}, {pipeline_mode = #tpu.pipeline_mode<synchronous>, transform_indices = @transform_10, window_bounds = array<i64: 1, 64>}, {pipeline_mode = #tpu.pipeline_mode<synchronous>, transform_indices = @transform_11, window_bounds = array<i64: 1, 16>}, {pipeline_mode = #tpu.pipeline_mode<synchronous>, transform_indices = @transform_12, window_bounds = array<i64: 1, 16>}, {pipeline_mode = #tpu.pipeline_mode<synchronous>, transform_indices = @transform_13, window_bounds = array<i64: 112, 2>}]} {
    %eq3A = arith.constant 0 : i32
    %eq3A_0 = arith.cmpi eq, %arg0, %eq3A : i32
    %convert_element_type3A = arith.extui %eq3A_0 : i1 to i32
    %cond3A = arith.constant 0 : i32
    %cond3A_1 = arith.cmpi ne, %convert_element_type3A, %cond3A : i32
    scf.if %cond3A_1 {
      %broadcast_in_dim3A_379 = arith.constant 0.000000e+00 : f32
      %broadcast_in_dim3A_380 = vector.broadcast %broadcast_in_dim3A_379 : f32 to vector<112x64xf32>
      %swap3A_381 = arith.constant 0 : index
      %swap3A_382 = arith.constant 0 : index
      %swap3A_383 = vector.load %arg15[%swap3A_381, %swap3A_382] : memref<112x64xf32, #tpu.memory_space<vmem>>, vector<112x64xf32>
      tpu.vector_store %arg15[%swap3A_381, %swap3A_382], %broadcast_in_dim3A_380 {strides = array<i32>} : memref<112x64xf32, #tpu.memory_space<vmem>>, vector<112x64xf32>,
    } else {
    }
    %get3A = arith.constant 0 : index
    %get3A_2 = arith.constant 0 : index
    %get3A_3 = arith.constant 0 : index
    %get3A_4 = vector.load %arg3[%get3A, %get3A_2, %get3A_3] : memref<18x256x64xf32, #tpu.memory_space<vmem>>, vector<18x256x64xf32>
    %convert_element_type3A_5 = arith.truncf %get3A_4 : vector<18x256x64xf32> to vector<18x256x64xbf16>
    %get3A_6 = arith.constant 0 : index
    %get3A_7 = arith.constant 0 : index
    %get3A_8 = arith.constant 0 : index
    %get3A_9 = vector.load %arg4[%get3A_6, %get3A_7, %get3A_8] : memref<18x256x64xf32, #tpu.memory_space<vmem>>, vector<18x256x64xf32>
    %convert_element_type3A_10 = arith.truncf %get3A_9 : vector<18x256x64xf32> to vector<18x256x64xbf16>
    %broadcast_in_dim3A = arith.constant 0.000000e+00 : f32
    %broadcast_in_dim3A_11 = vector.broadcast %broadcast_in_dim3A : f32 to vector<112x64xf32>
    %get3A_12 = arith.constant 0 : index
    %get3A_13 = arith.constant 0 : index
    %get3A_14 = arith.constant 0 : index
    %get3A_15 = vector.load %arg1[%get3A_12, %get3A_13, %get3A_14] : memref<18x112x256xbf16, #tpu.memory_space<vmem>>, vector<1x112x256xbf16>
    %get3A_16 = vector.shape_cast %get3A_15 : vector<1x112x256xbf16> to vector<112x256xbf16>
    %get3A_17 = arith.constant 0 : index
    %get3A_18 = arith.constant 0 : index
    %get3A_19 = arith.constant 0 : index
    %get3A_20 = vector.load %arg2[%get3A_17, %get3A_18, %get3A_19] : memref<18x112x256xbf16, #tpu.memory_space<vmem>>, vector<1x112x256xbf16>
    %get3A_21 = vector.shape_cast %get3A_20 : vector<1x112x256xbf16> to vector<112x256xbf16>
    %slice3A = vector.extract_strided_slice %convert_element_type3A_5 {offsets = [0, 0, 0], sizes = [1, 256, 64], strides = [1, 1, 1]} : vector<18x256x64xbf16> to vector<1x256x64xbf16>
    %squeeze3A = vector.shape_cast %slice3A : vector<1x256x64xbf16> to vector<256x64xbf16>
    %dot_general3A = arith.constant dense<0.000000e+00> : vector<112x64xf32>
    %dot_general3A_22 = tpu.matmul %get3A_16, %squeeze3A, %dot_general3A {dimension_numbers = #tpu.dot_dimension_numbers<[1], [0], [0], [1], [0, 0, 1, 1], [], []>, transpose_lhs_hint = false} : vector<112x256xbf16>, vector<256x64xbf16>, vector<112x64xf32> -> vector<112x64xf32>
    %slice3A_23 = vector.extract_strided_slice %convert_element_type3A_10 {offsets = [0, 0, 0], sizes = [1, 256, 64], strides = [1, 1, 1]} : vector<18x256x64xbf16> to vector<1x256x64xbf16>
    %squeeze3A_24 = vector.shape_cast %slice3A_23 : vector<1x256x64xbf16> to vector<256x64xbf16>
    %dot_general3A_25 = arith.constant dense<0.000000e+00> : vector<112x64xf32>
    %dot_general3A_26 = tpu.matmul %get3A_21, %squeeze3A_24, %dot_general3A_25 {dimension_numbers = #tpu.dot_dimension_numbers<[1], [0], [0], [1], [0, 0, 1, 1], [], []>, transpose_lhs_hint = false} : vector<112x256xbf16>, vector<256x64xbf16>, vector<112x64xf32> -> vector<112x64xf32>
    %add3A = arith.addf %dot_general3A_22, %dot_general3A_26 : vector<112x64xf32>
    %add3A_27 = arith.addf %broadcast_in_dim3A_11, %add3A : vector<112x64xf32>
    %get3A_28 = arith.constant 1 : index
    %get3A_29 = arith.constant 0 : index
    %get3A_30 = arith.constant 0 : index
    %get3A_31 = vector.load %arg1[%get3A_28, %get3A_29, %get3A_30] : memref<18x112x256xbf16, #tpu.memory_space<vmem>>, vector<1x112x256xbf16>
    %get3A_32 = vector.shape_cast %get3A_31 : vector<1x112x256xbf16> to vector<112x256xbf16>
    %get3A_33 = arith.constant 1 : index
    %get3A_34 = arith.constant 0 : index
    %get3A_35 = arith.constant 0 : index
    %get3A_36 = vector.load %arg2[%get3A_33, %get3A_34, %get3A_35] : memref<18x112x256xbf16, #tpu.memory_space<vmem>>, vector<1x112x256xbf16>
    %get3A_37 = vector.shape_cast %get3A_36 : vector<1x112x256xbf16> to vector<112x256xbf16>
    %slice3A_38 = vector.extract_strided_slice %convert_element_type3A_5 {offsets = [1, 0, 0], sizes = [1, 256, 64], strides = [1, 1, 1]} : vector<18x256x64xbf16> to vector<1x256x64xbf16>
    %squeeze3A_39 = vector.shape_cast %slice3A_38 : vector<1x256x64xbf16> to vector<256x64xbf16>
    %dot_general3A_40 = arith.constant dense<0.000000e+00> : vector<112x64xf32>
    %dot_general3A_41 = tpu.matmul %get3A_32, %squeeze3A_39, %dot_general3A_40 {dimension_numbers = #tpu.dot_dimension_numbers<[1], [0], [0], [1], [0, 0, 1, 1], [], []>, transpose_lhs_hint = false} : vector<112x256xbf16>, vector<256x64xbf16>, vector<112x64xf32> -> vector<112x64xf32>
    %slice3A_42 = vector.extract_strided_slice %convert_element_type3A_10 {offsets = [1, 0, 0], sizes = [1, 256, 64], strides = [1, 1, 1]} : vector<18x256x64xbf16> to vector<1x256x64xbf16>
    %squeeze3A_43 = vector.shape_cast %slice3A_42 : vector<1x256x64xbf16> to vector<256x64xbf16>
    %dot_general3A_44 = arith.constant dense<0.000000e+00> : vector<112x64xf32>
    %dot_general3A_45 = tpu.matmul %get3A_37, %squeeze3A_43, %dot_general3A_44 {dimension_numbers = #tpu.dot_dimension_numbers<[1], [0], [0], [1], [0, 0, 1, 1], [], []>, transpose_lhs_hint = false} : vector<112x256xbf16>, vector<256x64xbf16>, vector<112x64xf32> -> vector<112x64xf32>
    %add3A_46 = arith.addf %dot_general3A_41, %dot_general3A_45 : vector<112x64xf32>
    %add3A_47 = arith.addf %add3A_27, %add3A_46 : vector<112x64xf32>
    %get3A_48 = arith.constant 2 : index
    %get3A_49 = arith.constant 0 : index
    %get3A_50 = arith.constant 0 : index
    %get3A_51 = vector.load %arg1[%get3A_48, %get3A_49, %get3A_50] : memref<18x112x256xbf16, #tpu.memory_space<vmem>>, vector<1x112x256xbf16>
    %get3A_52 = vector.shape_cast %get3A_51 : vector<1x112x256xbf16> to vector<112x256xbf16>
    %get3A_53 = arith.constant 2 : index
    %get3A_54 = arith.constant 0 : index
    %get3A_55 = arith.constant 0 : index
    %get3A_56 = vector.load %arg2[%get3A_53, %get3A_54, %get3A_55] : memref<18x112x256xbf16, #tpu.memory_space<vmem>>, vector<1x112x256xbf16>
    %get3A_57 = vector.shape_cast %get3A_56 : vector<1x112x256xbf16> to vector<112x256xbf16>
    %slice3A_58 = vector.extract_strided_slice %convert_element_type3A_5 {offsets = [2, 0, 0], sizes = [1, 256, 64], strides = [1, 1, 1]} : vector<18x256x64xbf16> to vector<1x256x64xbf16>
    %squeeze3A_59 = vector.shape_cast %slice3A_58 : vector<1x256x64xbf16> to vector<256x64xbf16>
    %dot_general3A_60 = arith.constant dense<0.000000e+00> : vector<112x64xf32>
    %dot_general3A_61 = tpu.matmul %get3A_52, %squeeze3A_59, %dot_general3A_60 {dimension_numbers = #tpu.dot_dimension_numbers<[1], [0], [0], [1], [0, 0, 1, 1], [], []>, transpose_lhs_hint = false} : vector<112x256xbf16>, vector<256x64xbf16>, vector<112x64xf32> -> vector<112x64xf32>
    %slice3A_62 = vector.extract_strided_slice %convert_element_type3A_10 {offsets = [2, 0, 0], sizes = [1, 256, 64], strides = [1, 1, 1]} : vector<18x256x64xbf16> to vector<1x256x64xbf16>
    %squeeze3A_63 = vector.shape_cast %slice3A_62 : vector<1x256x64xbf16> to vector<256x64xbf16>
    %dot_general3A_64 = arith.constant dense<0.000000e+00> : vector<112x64xf32>
    %dot_general3A_65 = tpu.matmul %get3A_57, %squeeze3A_63, %dot_general3A_64 {dimension_numbers = #tpu.dot_dimension_numbers<[1], [0], [0], [1], [0, 0, 1, 1], [], []>, transpose_lhs_hint = false} : vector<112x256xbf16>, vector<256x64xbf16>, vector<112x64xf32> -> vector<112x64xf32>
    %add3A_66 = arith.addf %dot_general3A_61, %dot_general3A_65 : vector<112x64xf32>
    %add3A_67 = arith.addf %add3A_47, %add3A_66 : vector<112x64xf32>
    %get3A_68 = arith.constant 3 : index
    %get3A_69 = arith.constant 0 : index
    %get3A_70 = arith.constant 0 : index
    %get3A_71 = vector.load %arg1[%get3A_68, %get3A_69, %get3A_70] : memref<18x112x256xbf16, #tpu.memory_space<vmem>>, vector<1x112x256xbf16>
    %get3A_72 = vector.shape_cast %get3A_71 : vector<1x112x256xbf16> to vector<112x256xbf16>
    %get3A_73 = arith.constant 3 : index
    %get3A_74 = arith.constant 0 : index
    %get3A_75 = arith.constant 0 : index
    %get3A_76 = vector.load %arg2[%get3A_73, %get3A_74, %get3A_75] : memref<18x112x256xbf16, #tpu.memory_space<vmem>>, vector<1x112x256xbf16>
    %get3A_77 = vector.shape_cast %get3A_76 : vector<1x112x256xbf16> to vector<112x256xbf16>
    %slice3A_78 = vector.extract_strided_slice %convert_element_type3A_5 {offsets = [3, 0, 0], sizes = [1, 256, 64], strides = [1, 1, 1]} : vector<18x256x64xbf16> to vector<1x256x64xbf16>
    %squeeze3A_79 = vector.shape_cast %slice3A_78 : vector<1x256x64xbf16> to vector<256x64xbf16>
    %dot_general3A_80 = arith.constant dense<0.000000e+00> : vector<112x64xf32>
    %dot_general3A_81 = tpu.matmul %get3A_72, %squeeze3A_79, %dot_general3A_80 {dimension_numbers = #tpu.dot_dimension_numbers<[1], [0], [0], [1], [0, 0, 1, 1], [], []>, transpose_lhs_hint = false} : vector<112x256xbf16>, vector<256x64xbf16>, vector<112x64xf32> -> vector<112x64xf32>
    %slice3A_82 = vector.extract_strided_slice %convert_element_type3A_10 {offsets = [3, 0, 0], sizes = [1, 256, 64], strides = [1, 1, 1]} : vector<18x256x64xbf16> to vector<1x256x64xbf16>
    %squeeze3A_83 = vector.shape_cast %slice3A_82 : vector<1x256x64xbf16> to vector<256x64xbf16>
    %dot_general3A_84 = arith.constant dense<0.000000e+00> : vector<112x64xf32>
    %dot_general3A_85 = tpu.matmul %get3A_77, %squeeze3A_83, %dot_general3A_84 {dimension_numbers = #tpu.dot_dimension_numbers<[1], [0], [0], [1], [0, 0, 1, 1], [], []>, transpose_lhs_hint = false} : vector<112x256xbf16>, vector<256x64xbf16>, vector<112x64xf32> -> vector<112x64xf32>
    %add3A_86 = arith.addf %dot_general3A_81, %dot_general3A_85 : vector<112x64xf32>
    %add3A_87 = arith.addf %add3A_67, %add3A_86 : vector<112x64xf32>
    %get3A_88 = arith.constant 4 : index
    %get3A_89 = arith.constant 0 : index
    %get3A_90 = arith.constant 0 : index
    %get3A_91 = vector.load %arg1[%get3A_88, %get3A_89, %get3A_90] : memref<18x112x256xbf16, #tpu.memory_space<vmem>>, vector<1x112x256xbf16>
    %get3A_92 = vector.shape_cast %get3A_91 : vector<1x112x256xbf16> to vector<112x256xbf16>
    %get3A_93 = arith.constant 4 : index
    %get3A_94 = arith.constant 0 : index
    %get3A_95 = arith.constant 0 : index
    %get3A_96 = vector.load %arg2[%get3A_93, %get3A_94, %get3A_95] : memref<18x112x256xbf16, #tpu.memory_space<vmem>>, vector<1x112x256xbf16>
    %get3A_97 = vector.shape_cast %get3A_96 : vector<1x112x256xbf16> to vector<112x256xbf16>
    %slice3A_98 = vector.extract_strided_slice %convert_element_type3A_5 {offsets = [4, 0, 0], sizes = [1, 256, 64], strides = [1, 1, 1]} : vector<18x256x64xbf16> to vector<1x256x64xbf16>
    %squeeze3A_99 = vector.shape_cast %slice3A_98 : vector<1x256x64xbf16> to vector<256x64xbf16>
    %dot_general3A_100 = arith.constant dense<0.000000e+00> : vector<112x64xf32>
    %dot_general3A_101 = tpu.matmul %get3A_92, %squeeze3A_99, %dot_general3A_100 {dimension_numbers = #tpu.dot_dimension_numbers<[1], [0], [0], [1], [0, 0, 1, 1], [], []>, transpose_lhs_hint = false} : vector<112x256xbf16>, vector<256x64xbf16>, vector<112x64xf32> -> vector<112x64xf32>
    %slice3A_102 = vector.extract_strided_slice %convert_element_type3A_10 {offsets = [4, 0, 0], sizes = [1, 256, 64], strides = [1, 1, 1]} : vector<18x256x64xbf16> to vector<1x256x64xbf16>
    %squeeze3A_103 = vector.shape_cast %slice3A_102 : vector<1x256x64xbf16> to vector<256x64xbf16>
    %dot_general3A_104 = arith.constant dense<0.000000e+00> : vector<112x64xf32>
    %dot_general3A_105 = tpu.matmul %get3A_97, %squeeze3A_103, %dot_general3A_104 {dimension_numbers = #tpu.dot_dimension_numbers<[1], [0], [0], [1], [0, 0, 1, 1], [], []>, transpose_lhs_hint = false} : vector<112x256xbf16>, vector<256x64xbf16>, vector<112x64xf32> -> vector<112x64xf32>
    %add3A_106 = arith.addf %dot_general3A_101, %dot_general3A_105 : vector<112x64xf32>
    %add3A_107 = arith.addf %add3A_87, %add3A_106 : vector<112x64xf32>
    %get3A_108 = arith.constant 5 : index
    %get3A_109 = arith.constant 0 : index
    %get3A_110 = arith.constant 0 : index
    %get3A_111 = vector.load %arg1[%get3A_108, %get3A_109, %get3A_110] : memref<18x112x256xbf16, #tpu.memory_space<vmem>>, vector<1x112x256xbf16>
    %get3A_112 = vector.shape_cast %get3A_111 : vector<1x112x256xbf16> to vector<112x256xbf16>
    %get3A_113 = arith.constant 5 : index
    %get3A_114 = arith.constant 0 : index
    %get3A_115 = arith.constant 0 : index
    %get3A_116 = vector.load %arg2[%get3A_113, %get3A_114, %get3A_115] : memref<18x112x256xbf16, #tpu.memory_space<vmem>>, vector<1x112x256xbf16>
    %get3A_117 = vector.shape_cast %get3A_116 : vector<1x112x256xbf16> to vector<112x256xbf16>
    %slice3A_118 = vector.extract_strided_slice %convert_element_type3A_5 {offsets = [5, 0, 0], sizes = [1, 256, 64], strides = [1, 1, 1]} : vector<18x256x64xbf16> to vector<1x256x64xbf16>
    %squeeze3A_119 = vector.shape_cast %slice3A_118 : vector<1x256x64xbf16> to vector<256x64xbf16>
    %dot_general3A_120 = arith.constant dense<0.000000e+00> : vector<112x64xf32>
    %dot_general3A_121 = tpu.matmul %get3A_112, %squeeze3A_119, %dot_general3A_120 {dimension_numbers = #tpu.dot_dimension_numbers<[1], [0], [0], [1], [0, 0, 1, 1], [], []>, transpose_lhs_hint = false} : vector<112x256xbf16>, vector<256x64xbf16>, vector<112x64xf32> -> vector<112x64xf32>
    %slice3A_122 = vector.extract_strided_slice %convert_element_type3A_10 {offsets = [5, 0, 0], sizes = [1, 256, 64], strides = [1, 1, 1]} : vector<18x256x64xbf16> to vector<1x256x64xbf16>
    %squeeze3A_123 = vector.shape_cast %slice3A_122 : vector<1x256x64xbf16> to vector<256x64xbf16>
    %dot_general3A_124 = arith.constant dense<0.000000e+00> : vector<112x64xf32>
    %dot_general3A_125 = tpu.matmul %get3A_117, %squeeze3A_123, %dot_general3A_124 {dimension_numbers = #tpu.dot_dimension_numbers<[1], [0], [0], [1], [0, 0, 1, 1], [], []>, transpose_lhs_hint = false} : vector<112x256xbf16>, vector<256x64xbf16>, vector<112x64xf32> -> vector<112x64xf32>
    %add3A_126 = arith.addf %dot_general3A_121, %dot_general3A_125 : vector<112x64xf32>
    %add3A_127 = arith.addf %add3A_107, %add3A_126 : vector<112x64xf32>
    %get3A_128 = arith.constant 6 : index
    %get3A_129 = arith.constant 0 : index
    %get3A_130 = arith.constant 0 : index
    %get3A_131 = vector.load %arg1[%get3A_128, %get3A_129, %get3A_130] : memref<18x112x256xbf16, #tpu.memory_space<vmem>>, vector<1x112x256xbf16>
    %get3A_132 = vector.shape_cast %get3A_131 : vector<1x112x256xbf16> to vector<112x256xbf16>
    %get3A_133 = arith.constant 6 : index
    %get3A_134 = arith.constant 0 : index
    %get3A_135 = arith.constant 0 : index
    %get3A_136 = vector.load %arg2[%get3A_133, %get3A_134, %get3A_135] : memref<18x112x256xbf16, #tpu.memory_space<vmem>>, vector<1x112x256xbf16>
    %get3A_137 = vector.shape_cast %get3A_136 : vector<1x112x256xbf16> to vector<112x256xbf16>
    %slice3A_138 = vector.extract_strided_slice %convert_element_type3A_5 {offsets = [6, 0, 0], sizes = [1, 256, 64], strides = [1, 1, 1]} : vector<18x256x64xbf16> to vector<1x256x64xbf16>
    %squeeze3A_139 = vector.shape_cast %slice3A_138 : vector<1x256x64xbf16> to vector<256x64xbf16>
    %dot_general3A_140 = arith.constant dense<0.000000e+00> : vector<112x64xf32>
    %dot_general3A_141 = tpu.matmul %get3A_132, %squeeze3A_139, %dot_general3A_140 {dimension_numbers = #tpu.dot_dimension_numbers<[1], [0], [0], [1], [0, 0, 1, 1], [], []>, transpose_lhs_hint = false} : vector<112x256xbf16>, vector<256x64xbf16>, vector<112x64xf32> -> vector<112x64xf32>
    %slice3A_142 = vector.extract_strided_slice %convert_element_type3A_10 {offsets = [6, 0, 0], sizes = [1, 256, 64], strides = [1, 1, 1]} : vector<18x256x64xbf16> to vector<1x256x64xbf16>
    %squeeze3A_143 = vector.shape_cast %slice3A_142 : vector<1x256x64xbf16> to vector<256x64xbf16>
    %dot_general3A_144 = arith.constant dense<0.000000e+00> : vector<112x64xf32>
    %dot_general3A_145 = tpu.matmul %get3A_137, %squeeze3A_143, %dot_general3A_144 {dimension_numbers = #tpu.dot_dimension_numbers<[1], [0], [0], [1], [0, 0, 1, 1], [], []>, transpose_lhs_hint = false} : vector<112x256xbf16>, vector<256x64xbf16>, vector<112x64xf32> -> vector<112x64xf32>
    %add3A_146 = arith.addf %dot_general3A_141, %dot_general3A_145 : vector<112x64xf32>
    %add3A_147 = arith.addf %add3A_127, %add3A_146 : vector<112x64xf32>
    %get3A_148 = arith.constant 7 : index
    %get3A_149 = arith.constant 0 : index
    %get3A_150 = arith.constant 0 : index
    %get3A_151 = vector.load %arg1[%get3A_148, %get3A_149, %get3A_150] : memref<18x112x256xbf16, #tpu.memory_space<vmem>>, vector<1x112x256xbf16>
    %get3A_152 = vector.shape_cast %get3A_151 : vector<1x112x256xbf16> to vector<112x256xbf16>
    %get3A_153 = arith.constant 7 : index
    %get3A_154 = arith.constant 0 : index
    %get3A_155 = arith.constant 0 : index
    %get3A_156 = vector.load %arg2[%get3A_153, %get3A_154, %get3A_155] : memref<18x112x256xbf16, #tpu.memory_space<vmem>>, vector<1x112x256xbf16>
    %get3A_157 = vector.shape_cast %get3A_156 : vector<1x112x256xbf16> to vector<112x256xbf16>
    %slice3A_158 = vector.extract_strided_slice %convert_element_type3A_5 {offsets = [7, 0, 0], sizes = [1, 256, 64], strides = [1, 1, 1]} : vector<18x256x64xbf16> to vector<1x256x64xbf16>
    %squeeze3A_159 = vector.shape_cast %slice3A_158 : vector<1x256x64xbf16> to vector<256x64xbf16>
    %dot_general3A_160 = arith.constant dense<0.000000e+00> : vector<112x64xf32>
    %dot_general3A_161 = tpu.matmul %get3A_152, %squeeze3A_159, %dot_general3A_160 {dimension_numbers = #tpu.dot_dimension_numbers<[1], [0], [0], [1], [0, 0, 1, 1], [], []>, transpose_lhs_hint = false} : vector<112x256xbf16>, vector<256x64xbf16>, vector<112x64xf32> -> vector<112x64xf32>
    %slice3A_162 = vector.extract_strided_slice %convert_element_type3A_10 {offsets = [7, 0, 0], sizes = [1, 256, 64], strides = [1, 1, 1]} : vector<18x256x64xbf16> to vector<1x256x64xbf16>
    %squeeze3A_163 = vector.shape_cast %slice3A_162 : vector<1x256x64xbf16> to vector<256x64xbf16>
    %dot_general3A_164 = arith.constant dense<0.000000e+00> : vector<112x64xf32>
    %dot_general3A_165 = tpu.matmul %get3A_157, %squeeze3A_163, %dot_general3A_164 {dimension_numbers = #tpu.dot_dimension_numbers<[1], [0], [0], [1], [0, 0, 1, 1], [], []>, transpose_lhs_hint = false} : vector<112x256xbf16>, vector<256x64xbf16>, vector<112x64xf32> -> vector<112x64xf32>
    %add3A_166 = arith.addf %dot_general3A_161, %dot_general3A_165 : vector<112x64xf32>
    %add3A_167 = arith.addf %add3A_147, %add3A_166 : vector<112x64xf32>
    %get3A_168 = arith.constant 8 : index
    %get3A_169 = arith.constant 0 : index
    %get3A_170 = arith.constant 0 : index
    %get3A_171 = vector.load %arg1[%get3A_168, %get3A_169, %get3A_170] : memref<18x112x256xbf16, #tpu.memory_space<vmem>>, vector<1x112x256xbf16>
    %get3A_172 = vector.shape_cast %get3A_171 : vector<1x112x256xbf16> to vector<112x256xbf16>
    %get3A_173 = arith.constant 8 : index
    %get3A_174 = arith.constant 0 : index
    %get3A_175 = arith.constant 0 : index
    %get3A_176 = vector.load %arg2[%get3A_173, %get3A_174, %get3A_175] : memref<18x112x256xbf16, #tpu.memory_space<vmem>>, vector<1x112x256xbf16>
    %get3A_177 = vector.shape_cast %get3A_176 : vector<1x112x256xbf16> to vector<112x256xbf16>
    %slice3A_178 = vector.extract_strided_slice %convert_element_type3A_5 {offsets = [8, 0, 0], sizes = [1, 256, 64], strides = [1, 1, 1]} : vector<18x256x64xbf16> to vector<1x256x64xbf16>
    %squeeze3A_179 = vector.shape_cast %slice3A_178 : vector<1x256x64xbf16> to vector<256x64xbf16>
    %dot_general3A_180 = arith.constant dense<0.000000e+00> : vector<112x64xf32>
    %dot_general3A_181 = tpu.matmul %get3A_172, %squeeze3A_179, %dot_general3A_180 {dimension_numbers = #tpu.dot_dimension_numbers<[1], [0], [0], [1], [0, 0, 1, 1], [], []>, transpose_lhs_hint = false} : vector<112x256xbf16>, vector<256x64xbf16>, vector<112x64xf32> -> vector<112x64xf32>
    %slice3A_182 = vector.extract_strided_slice %convert_element_type3A_10 {offsets = [8, 0, 0], sizes = [1, 256, 64], strides = [1, 1, 1]} : vector<18x256x64xbf16> to vector<1x256x64xbf16>
    %squeeze3A_183 = vector.shape_cast %slice3A_182 : vector<1x256x64xbf16> to vector<256x64xbf16>
    %dot_general3A_184 = arith.constant dense<0.000000e+00> : vector<112x64xf32>
    %dot_general3A_185 = tpu.matmul %get3A_177, %squeeze3A_183, %dot_general3A_184 {dimension_numbers = #tpu.dot_dimension_numbers<[1], [0], [0], [1], [0, 0, 1, 1], [], []>, transpose_lhs_hint = false} : vector<112x256xbf16>, vector<256x64xbf16>, vector<112x64xf32> -> vector<112x64xf32>
    %add3A_186 = arith.addf %dot_general3A_181, %dot_general3A_185 : vector<112x64xf32>
    %add3A_187 = arith.addf %add3A_167, %add3A_186 : vector<112x64xf32>
    %get3A_188 = arith.constant 9 : index
    %get3A_189 = arith.constant 0 : index
    %get3A_190 = arith.constant 0 : index
    %get3A_191 = vector.load %arg1[%get3A_188, %get3A_189, %get3A_190] : memref<18x112x256xbf16, #tpu.memory_space<vmem>>, vector<1x112x256xbf16>
    %get3A_192 = vector.shape_cast %get3A_191 : vector<1x112x256xbf16> to vector<112x256xbf16>
    %get3A_193 = arith.constant 9 : index
    %get3A_194 = arith.constant 0 : index
    %get3A_195 = arith.constant 0 : index
    %get3A_196 = vector.load %arg2[%get3A_193, %get3A_194, %get3A_195] : memref<18x112x256xbf16, #tpu.memory_space<vmem>>, vector<1x112x256xbf16>
    %get3A_197 = vector.shape_cast %get3A_196 : vector<1x112x256xbf16> to vector<112x256xbf16>
    %slice3A_198 = vector.extract_strided_slice %convert_element_type3A_5 {offsets = [9, 0, 0], sizes = [1, 256, 64], strides = [1, 1, 1]} : vector<18x256x64xbf16> to vector<1x256x64xbf16>
    %squeeze3A_199 = vector.shape_cast %slice3A_198 : vector<1x256x64xbf16> to vector<256x64xbf16>
    %dot_general3A_200 = arith.constant dense<0.000000e+00> : vector<112x64xf32>
    %dot_general3A_201 = tpu.matmul %get3A_192, %squeeze3A_199, %dot_general3A_200 {dimension_numbers = #tpu.dot_dimension_numbers<[1], [0], [0], [1], [0, 0, 1, 1], [], []>, transpose_lhs_hint = false} : vector<112x256xbf16>, vector<256x64xbf16>, vector<112x64xf32> -> vector<112x64xf32>
    %slice3A_202 = vector.extract_strided_slice %convert_element_type3A_10 {offsets = [9, 0, 0], sizes = [1, 256, 64], strides = [1, 1, 1]} : vector<18x256x64xbf16> to vector<1x256x64xbf16>
    %squeeze3A_203 = vector.shape_cast %slice3A_202 : vector<1x256x64xbf16> to vector<256x64xbf16>
    %dot_general3A_204 = arith.constant dense<0.000000e+00> : vector<112x64xf32>
    %dot_general3A_205 = tpu.matmul %get3A_197, %squeeze3A_203, %dot_general3A_204 {dimension_numbers = #tpu.dot_dimension_numbers<[1], [0], [0], [1], [0, 0, 1, 1], [], []>, transpose_lhs_hint = false} : vector<112x256xbf16>, vector<256x64xbf16>, vector<112x64xf32> -> vector<112x64xf32>
    %add3A_206 = arith.addf %dot_general3A_201, %dot_general3A_205 : vector<112x64xf32>
    %add3A_207 = arith.addf %add3A_187, %add3A_206 : vector<112x64xf32>
    %get3A_208 = arith.constant 10 : index
    %get3A_209 = arith.constant 0 : index
    %get3A_210 = arith.constant 0 : index
    %get3A_211 = vector.load %arg1[%get3A_208, %get3A_209, %get3A_210] : memref<18x112x256xbf16, #tpu.memory_space<vmem>>, vector<1x112x256xbf16>
    %get3A_212 = vector.shape_cast %get3A_211 : vector<1x112x256xbf16> to vector<112x256xbf16>
    %get3A_213 = arith.constant 10 : index
    %get3A_214 = arith.constant 0 : index
    %get3A_215 = arith.constant 0 : index
    %get3A_216 = vector.load %arg2[%get3A_213, %get3A_214, %get3A_215] : memref<18x112x256xbf16, #tpu.memory_space<vmem>>, vector<1x112x256xbf16>
    %get3A_217 = vector.shape_cast %get3A_216 : vector<1x112x256xbf16> to vector<112x256xbf16>
    %slice3A_218 = vector.extract_strided_slice %convert_element_type3A_5 {offsets = [10, 0, 0], sizes = [1, 256, 64], strides = [1, 1, 1]} : vector<18x256x64xbf16> to vector<1x256x64xbf16>
    %squeeze3A_219 = vector.shape_cast %slice3A_218 : vector<1x256x64xbf16> to vector<256x64xbf16>
    %dot_general3A_220 = arith.constant dense<0.000000e+00> : vector<112x64xf32>
    %dot_general3A_221 = tpu.matmul %get3A_212, %squeeze3A_219, %dot_general3A_220 {dimension_numbers = #tpu.dot_dimension_numbers<[1], [0], [0], [1], [0, 0, 1, 1], [], []>, transpose_lhs_hint = false} : vector<112x256xbf16>, vector<256x64xbf16>, vector<112x64xf32> -> vector<112x64xf32>
    %slice3A_222 = vector.extract_strided_slice %convert_element_type3A_10 {offsets = [10, 0, 0], sizes = [1, 256, 64], strides = [1, 1, 1]} : vector<18x256x64xbf16> to vector<1x256x64xbf16>
    %squeeze3A_223 = vector.shape_cast %slice3A_222 : vector<1x256x64xbf16> to vector<256x64xbf16>
    %dot_general3A_224 = arith.constant dense<0.000000e+00> : vector<112x64xf32>
    %dot_general3A_225 = tpu.matmul %get3A_217, %squeeze3A_223, %dot_general3A_224 {dimension_numbers = #tpu.dot_dimension_numbers<[1], [0], [0], [1], [0, 0, 1, 1], [], []>, transpose_lhs_hint = false} : vector<112x256xbf16>, vector<256x64xbf16>, vector<112x64xf32> -> vector<112x64xf32>
    %add3A_226 = arith.addf %dot_general3A_221, %dot_general3A_225 : vector<112x64xf32>
    %add3A_227 = arith.addf %add3A_207, %add3A_226 : vector<112x64xf32>
    %get3A_228 = arith.constant 11 : index
    %get3A_229 = arith.constant 0 : index
    %get3A_230 = arith.constant 0 : index
    %get3A_231 = vector.load %arg1[%get3A_228, %get3A_229, %get3A_230] : memref<18x112x256xbf16, #tpu.memory_space<vmem>>, vector<1x112x256xbf16>
    %get3A_232 = vector.shape_cast %get3A_231 : vector<1x112x256xbf16> to vector<112x256xbf16>
    %get3A_233 = arith.constant 11 : index
    %get3A_234 = arith.constant 0 : index
    %get3A_235 = arith.constant 0 : index
    %get3A_236 = vector.load %arg2[%get3A_233, %get3A_234, %get3A_235] : memref<18x112x256xbf16, #tpu.memory_space<vmem>>, vector<1x112x256xbf16>
    %get3A_237 = vector.shape_cast %get3A_236 : vector<1x112x256xbf16> to vector<112x256xbf16>
    %slice3A_238 = vector.extract_strided_slice %convert_element_type3A_5 {offsets = [11, 0, 0], sizes = [1, 256, 64], strides = [1, 1, 1]} : vector<18x256x64xbf16> to vector<1x256x64xbf16>
    %squeeze3A_239 = vector.shape_cast %slice3A_238 : vector<1x256x64xbf16> to vector<256x64xbf16>
    %dot_general3A_240 = arith.constant dense<0.000000e+00> : vector<112x64xf32>
    %dot_general3A_241 = tpu.matmul %get3A_232, %squeeze3A_239, %dot_general3A_240 {dimension_numbers = #tpu.dot_dimension_numbers<[1], [0], [0], [1], [0, 0, 1, 1], [], []>, transpose_lhs_hint = false} : vector<112x256xbf16>, vector<256x64xbf16>, vector<112x64xf32> -> vector<112x64xf32>
    %slice3A_242 = vector.extract_strided_slice %convert_element_type3A_10 {offsets = [11, 0, 0], sizes = [1, 256, 64], strides = [1, 1, 1]} : vector<18x256x64xbf16> to vector<1x256x64xbf16>
    %squeeze3A_243 = vector.shape_cast %slice3A_242 : vector<1x256x64xbf16> to vector<256x64xbf16>
    %dot_general3A_244 = arith.constant dense<0.000000e+00> : vector<112x64xf32>
    %dot_general3A_245 = tpu.matmul %get3A_237, %squeeze3A_243, %dot_general3A_244 {dimension_numbers = #tpu.dot_dimension_numbers<[1], [0], [0], [1], [0, 0, 1, 1], [], []>, transpose_lhs_hint = false} : vector<112x256xbf16>, vector<256x64xbf16>, vector<112x64xf32> -> vector<112x64xf32>
    %add3A_246 = arith.addf %dot_general3A_241, %dot_general3A_245 : vector<112x64xf32>
    %add3A_247 = arith.addf %add3A_227, %add3A_246 : vector<112x64xf32>
    %get3A_248 = arith.constant 12 : index
    %get3A_249 = arith.constant 0 : index
    %get3A_250 = arith.constant 0 : index
    %get3A_251 = vector.load %arg1[%get3A_248, %get3A_249, %get3A_250] : memref<18x112x256xbf16, #tpu.memory_space<vmem>>, vector<1x112x256xbf16>
    %get3A_252 = vector.shape_cast %get3A_251 : vector<1x112x256xbf16> to vector<112x256xbf16>
    %get3A_253 = arith.constant 12 : index
    %get3A_254 = arith.constant 0 : index
    %get3A_255 = arith.constant 0 : index
    %get3A_256 = vector.load %arg2[%get3A_253, %get3A_254, %get3A_255] : memref<18x112x256xbf16, #tpu.memory_space<vmem>>, vector<1x112x256xbf16>
    %get3A_257 = vector.shape_cast %get3A_256 : vector<1x112x256xbf16> to vector<112x256xbf16>
    %slice3A_258 = vector.extract_strided_slice %convert_element_type3A_5 {offsets = [12, 0, 0], sizes = [1, 256, 64], strides = [1, 1, 1]} : vector<18x256x64xbf16> to vector<1x256x64xbf16>
    %squeeze3A_259 = vector.shape_cast %slice3A_258 : vector<1x256x64xbf16> to vector<256x64xbf16>
    %dot_general3A_260 = arith.constant dense<0.000000e+00> : vector<112x64xf32>
    %dot_general3A_261 = tpu.matmul %get3A_252, %squeeze3A_259, %dot_general3A_260 {dimension_numbers = #tpu.dot_dimension_numbers<[1], [0], [0], [1], [0, 0, 1, 1], [], []>, transpose_lhs_hint = false} : vector<112x256xbf16>, vector<256x64xbf16>, vector<112x64xf32> -> vector<112x64xf32>
    %slice3A_262 = vector.extract_strided_slice %convert_element_type3A_10 {offsets = [12, 0, 0], sizes = [1, 256, 64], strides = [1, 1, 1]} : vector<18x256x64xbf16> to vector<1x256x64xbf16>
    %squeeze3A_263 = vector.shape_cast %slice3A_262 : vector<1x256x64xbf16> to vector<256x64xbf16>
    %dot_general3A_264 = arith.constant dense<0.000000e+00> : vector<112x64xf32>
    %dot_general3A_265 = tpu.matmul %get3A_257, %squeeze3A_263, %dot_general3A_264 {dimension_numbers = #tpu.dot_dimension_numbers<[1], [0], [0], [1], [0, 0, 1, 1], [], []>, transpose_lhs_hint = false} : vector<112x256xbf16>, vector<256x64xbf16>, vector<112x64xf32> -> vector<112x64xf32>
    %add3A_266 = arith.addf %dot_general3A_261, %dot_general3A_265 : vector<112x64xf32>
    %add3A_267 = arith.addf %add3A_247, %add3A_266 : vector<112x64xf32>
    %get3A_268 = arith.constant 13 : index
    %get3A_269 = arith.constant 0 : index
    %get3A_270 = arith.constant 0 : index
    %get3A_271 = vector.load %arg1[%get3A_268, %get3A_269, %get3A_270] : memref<18x112x256xbf16, #tpu.memory_space<vmem>>, vector<1x112x256xbf16>
    %get3A_272 = vector.shape_cast %get3A_271 : vector<1x112x256xbf16> to vector<112x256xbf16>
    %get3A_273 = arith.constant 13 : index
    %get3A_274 = arith.constant 0 : index
    %get3A_275 = arith.constant 0 : index
    %get3A_276 = vector.load %arg2[%get3A_273, %get3A_274, %get3A_275] : memref<18x112x256xbf16, #tpu.memory_space<vmem>>, vector<1x112x256xbf16>
    %get3A_277 = vector.shape_cast %get3A_276 : vector<1x112x256xbf16> to vector<112x256xbf16>
    %slice3A_278 = vector.extract_strided_slice %convert_element_type3A_5 {offsets = [13, 0, 0], sizes = [1, 256, 64], strides = [1, 1, 1]} : vector<18x256x64xbf16> to vector<1x256x64xbf16>
    %squeeze3A_279 = vector.shape_cast %slice3A_278 : vector<1x256x64xbf16> to vector<256x64xbf16>
    %dot_general3A_280 = arith.constant dense<0.000000e+00> : vector<112x64xf32>
    %dot_general3A_281 = tpu.matmul %get3A_272, %squeeze3A_279, %dot_general3A_280 {dimension_numbers = #tpu.dot_dimension_numbers<[1], [0], [0], [1], [0, 0, 1, 1], [], []>, transpose_lhs_hint = false} : vector<112x256xbf16>, vector<256x64xbf16>, vector<112x64xf32> -> vector<112x64xf32>
    %slice3A_282 = vector.extract_strided_slice %convert_element_type3A_10 {offsets = [13, 0, 0], sizes = [1, 256, 64], strides = [1, 1, 1]} : vector<18x256x64xbf16> to vector<1x256x64xbf16>
    %squeeze3A_283 = vector.shape_cast %slice3A_282 : vector<1x256x64xbf16> to vector<256x64xbf16>
    %dot_general3A_284 = arith.constant dense<0.000000e+00> : vector<112x64xf32>
    %dot_general3A_285 = tpu.matmul %get3A_277, %squeeze3A_283, %dot_general3A_284 {dimension_numbers = #tpu.dot_dimension_numbers<[1], [0], [0], [1], [0, 0, 1, 1], [], []>, transpose_lhs_hint = false} : vector<112x256xbf16>, vector<256x64xbf16>, vector<112x64xf32> -> vector<112x64xf32>
    %add3A_286 = arith.addf %dot_general3A_281, %dot_general3A_285 : vector<112x64xf32>
    %add3A_287 = arith.addf %add3A_267, %add3A_286 : vector<112x64xf32>
    %get3A_288 = arith.constant 14 : index
    %get3A_289 = arith.constant 0 : index
    %get3A_290 = arith.constant 0 : index
    %get3A_291 = vector.load %arg1[%get3A_288, %get3A_289, %get3A_290] : memref<18x112x256xbf16, #tpu.memory_space<vmem>>, vector<1x112x256xbf16>
    %get3A_292 = vector.shape_cast %get3A_291 : vector<1x112x256xbf16> to vector<112x256xbf16>
    %get3A_293 = arith.constant 14 : index
    %get3A_294 = arith.constant 0 : index
    %get3A_295 = arith.constant 0 : index
    %get3A_296 = vector.load %arg2[%get3A_293, %get3A_294, %get3A_295] : memref<18x112x256xbf16, #tpu.memory_space<vmem>>, vector<1x112x256xbf16>
    %get3A_297 = vector.shape_cast %get3A_296 : vector<1x112x256xbf16> to vector<112x256xbf16>
    %slice3A_298 = vector.extract_strided_slice %convert_element_type3A_5 {offsets = [14, 0, 0], sizes = [1, 256, 64], strides = [1, 1, 1]} : vector<18x256x64xbf16> to vector<1x256x64xbf16>
    %squeeze3A_299 = vector.shape_cast %slice3A_298 : vector<1x256x64xbf16> to vector<256x64xbf16>
    %dot_general3A_300 = arith.constant dense<0.000000e+00> : vector<112x64xf32>
    %dot_general3A_301 = tpu.matmul %get3A_292, %squeeze3A_299, %dot_general3A_300 {dimension_numbers = #tpu.dot_dimension_numbers<[1], [0], [0], [1], [0, 0, 1, 1], [], []>, transpose_lhs_hint = false} : vector<112x256xbf16>, vector<256x64xbf16>, vector<112x64xf32> -> vector<112x64xf32>
    %slice3A_302 = vector.extract_strided_slice %convert_element_type3A_10 {offsets = [14, 0, 0], sizes = [1, 256, 64], strides = [1, 1, 1]} : vector<18x256x64xbf16> to vector<1x256x64xbf16>
    %squeeze3A_303 = vector.shape_cast %slice3A_302 : vector<1x256x64xbf16> to vector<256x64xbf16>
    %dot_general3A_304 = arith.constant dense<0.000000e+00> : vector<112x64xf32>
    %dot_general3A_305 = tpu.matmul %get3A_297, %squeeze3A_303, %dot_general3A_304 {dimension_numbers = #tpu.dot_dimension_numbers<[1], [0], [0], [1], [0, 0, 1, 1], [], []>, transpose_lhs_hint = false} : vector<112x256xbf16>, vector<256x64xbf16>, vector<112x64xf32> -> vector<112x64xf32>
    %add3A_306 = arith.addf %dot_general3A_301, %dot_general3A_305 : vector<112x64xf32>
    %add3A_307 = arith.addf %add3A_287, %add3A_306 : vector<112x64xf32>
    %get3A_308 = arith.constant 15 : index
    %get3A_309 = arith.constant 0 : index
    %get3A_310 = arith.constant 0 : index
    %get3A_311 = vector.load %arg1[%get3A_308, %get3A_309, %get3A_310] : memref<18x112x256xbf16, #tpu.memory_space<vmem>>, vector<1x112x256xbf16>
    %get3A_312 = vector.shape_cast %get3A_311 : vector<1x112x256xbf16> to vector<112x256xbf16>
    %get3A_313 = arith.constant 15 : index
    %get3A_314 = arith.constant 0 : index
    %get3A_315 = arith.constant 0 : index
    %get3A_316 = vector.load %arg2[%get3A_313, %get3A_314, %get3A_315] : memref<18x112x256xbf16, #tpu.memory_space<vmem>>, vector<1x112x256xbf16>
    %get3A_317 = vector.shape_cast %get3A_316 : vector<1x112x256xbf16> to vector<112x256xbf16>
    %slice3A_318 = vector.extract_strided_slice %convert_element_type3A_5 {offsets = [15, 0, 0], sizes = [1, 256, 64], strides = [1, 1, 1]} : vector<18x256x64xbf16> to vector<1x256x64xbf16>
    %squeeze3A_319 = vector.shape_cast %slice3A_318 : vector<1x256x64xbf16> to vector<256x64xbf16>
    %dot_general3A_320 = arith.constant dense<0.000000e+00> : vector<112x64xf32>
    %dot_general3A_321 = tpu.matmul %get3A_312, %squeeze3A_319, %dot_general3A_320 {dimension_numbers = #tpu.dot_dimension_numbers<[1], [0], [0], [1], [0, 0, 1, 1], [], []>, transpose_lhs_hint = false} : vector<112x256xbf16>, vector<256x64xbf16>, vector<112x64xf32> -> vector<112x64xf32>
    %slice3A_322 = vector.extract_strided_slice %convert_element_type3A_10 {offsets = [15, 0, 0], sizes = [1, 256, 64], strides = [1, 1, 1]} : vector<18x256x64xbf16> to vector<1x256x64xbf16>
    %squeeze3A_323 = vector.shape_cast %slice3A_322 : vector<1x256x64xbf16> to vector<256x64xbf16>
    %dot_general3A_324 = arith.constant dense<0.000000e+00> : vector<112x64xf32>
    %dot_general3A_325 = tpu.matmul %get3A_317, %squeeze3A_323, %dot_general3A_324 {dimension_numbers = #tpu.dot_dimension_numbers<[1], [0], [0], [1], [0, 0, 1, 1], [], []>, transpose_lhs_hint = false} : vector<112x256xbf16>, vector<256x64xbf16>, vector<112x64xf32> -> vector<112x64xf32>
    %add3A_326 = arith.addf %dot_general3A_321, %dot_general3A_325 : vector<112x64xf32>
    %add3A_327 = arith.addf %add3A_307, %add3A_326 : vector<112x64xf32>
    %get3A_328 = arith.constant 16 : index
    %get3A_329 = arith.constant 0 : index
    %get3A_330 = arith.constant 0 : index
    %get3A_331 = vector.load %arg1[%get3A_328, %get3A_329, %get3A_330] : memref<18x112x256xbf16, #tpu.memory_space<vmem>>, vector<1x112x256xbf16>
    %get3A_332 = vector.shape_cast %get3A_331 : vector<1x112x256xbf16> to vector<112x256xbf16>
    %get3A_333 = arith.constant 16 : index
    %get3A_334 = arith.constant 0 : index
    %get3A_335 = arith.constant 0 : index
    %get3A_336 = vector.load %arg2[%get3A_333, %get3A_334, %get3A_335] : memref<18x112x256xbf16, #tpu.memory_space<vmem>>, vector<1x112x256xbf16>
    %get3A_337 = vector.shape_cast %get3A_336 : vector<1x112x256xbf16> to vector<112x256xbf16>
    %slice3A_338 = vector.extract_strided_slice %convert_element_type3A_5 {offsets = [16, 0, 0], sizes = [1, 256, 64], strides = [1, 1, 1]} : vector<18x256x64xbf16> to vector<1x256x64xbf16>
    %squeeze3A_339 = vector.shape_cast %slice3A_338 : vector<1x256x64xbf16> to vector<256x64xbf16>
    %dot_general3A_340 = arith.constant dense<0.000000e+00> : vector<112x64xf32>
    %dot_general3A_341 = tpu.matmul %get3A_332, %squeeze3A_339, %dot_general3A_340 {dimension_numbers = #tpu.dot_dimension_numbers<[1], [0], [0], [1], [0, 0, 1, 1], [], []>, transpose_lhs_hint = false} : vector<112x256xbf16>, vector<256x64xbf16>, vector<112x64xf32> -> vector<112x64xf32>
    %slice3A_342 = vector.extract_strided_slice %convert_element_type3A_10 {offsets = [16, 0, 0], sizes = [1, 256, 64], strides = [1, 1, 1]} : vector<18x256x64xbf16> to vector<1x256x64xbf16>
    %squeeze3A_343 = vector.shape_cast %slice3A_342 : vector<1x256x64xbf16> to vector<256x64xbf16>
    %dot_general3A_344 = arith.constant dense<0.000000e+00> : vector<112x64xf32>
    %dot_general3A_345 = tpu.matmul %get3A_337, %squeeze3A_343, %dot_general3A_344 {dimension_numbers = #tpu.dot_dimension_numbers<[1], [0], [0], [1], [0, 0, 1, 1], [], []>, transpose_lhs_hint = false} : vector<112x256xbf16>, vector<256x64xbf16>, vector<112x64xf32> -> vector<112x64xf32>
    %add3A_346 = arith.addf %dot_general3A_341, %dot_general3A_345 : vector<112x64xf32>
    %add3A_347 = arith.addf %add3A_327, %add3A_346 : vector<112x64xf32>
    %get3A_348 = arith.constant 17 : index
    %get3A_349 = arith.constant 0 : index
    %get3A_350 = arith.constant 0 : index
    %get3A_351 = vector.load %arg1[%get3A_348, %get3A_349, %get3A_350] : memref<18x112x256xbf16, #tpu.memory_space<vmem>>, vector<1x112x256xbf16>
    %get3A_352 = vector.shape_cast %get3A_351 : vector<1x112x256xbf16> to vector<112x256xbf16>
    %get3A_353 = arith.constant 17 : index
    %get3A_354 = arith.constant 0 : index
    %get3A_355 = arith.constant 0 : index
    %get3A_356 = vector.load %arg2[%get3A_353, %get3A_354, %get3A_355] : memref<18x112x256xbf16, #tpu.memory_space<vmem>>, vector<1x112x256xbf16>
    %get3A_357 = vector.shape_cast %get3A_356 : vector<1x112x256xbf16> to vector<112x256xbf16>
    %slice3A_358 = vector.extract_strided_slice %convert_element_type3A_5 {offsets = [17, 0, 0], sizes = [1, 256, 64], strides = [1, 1, 1]} : vector<18x256x64xbf16> to vector<1x256x64xbf16>
    %squeeze3A_359 = vector.shape_cast %slice3A_358 : vector<1x256x64xbf16> to vector<256x64xbf16>
    %dot_general3A_360 = arith.constant dense<0.000000e+00> : vector<112x64xf32>
    %dot_general3A_361 = tpu.matmul %get3A_352, %squeeze3A_359, %dot_general3A_360 {dimension_numbers = #tpu.dot_dimension_numbers<[1], [0], [0], [1], [0, 0, 1, 1], [], []>, transpose_lhs_hint = false} : vector<112x256xbf16>, vector<256x64xbf16>, vector<112x64xf32> -> vector<112x64xf32>
    %slice3A_362 = vector.extract_strided_slice %convert_element_type3A_10 {offsets = [17, 0, 0], sizes = [1, 256, 64], strides = [1, 1, 1]} : vector<18x256x64xbf16> to vector<1x256x64xbf16>
    %squeeze3A_363 = vector.shape_cast %slice3A_362 : vector<1x256x64xbf16> to vector<256x64xbf16>
    %dot_general3A_364 = arith.constant dense<0.000000e+00> : vector<112x64xf32>
    %dot_general3A_365 = tpu.matmul %get3A_357, %squeeze3A_363, %dot_general3A_364 {dimension_numbers = #tpu.dot_dimension_numbers<[1], [0], [0], [1], [0, 0, 1, 1], [], []>, transpose_lhs_hint = false} : vector<112x256xbf16>, vector<256x64xbf16>, vector<112x64xf32> -> vector<112x64xf32>
    %add3A_366 = arith.addf %dot_general3A_361, %dot_general3A_365 : vector<112x64xf32>
    %add3A_367 = arith.addf %add3A_347, %add3A_366 : vector<112x64xf32>
    %get3A_368 = arith.constant 0 : index
    %get3A_369 = arith.constant 0 : index
    %get3A_370 = vector.load %arg15[%get3A_368, %get3A_369] : memref<112x64xf32, #tpu.memory_space<vmem>>, vector<112x64xf32>
    %add3A_371 = arith.addf %get3A_370, %add3A_367 : vector<112x64xf32>
    %swap3A = arith.constant 0 : index
    %swap3A_372 = arith.constant 0 : index
    %swap3A_373 = vector.load %arg15[%swap3A, %swap3A_372] : memref<112x64xf32, #tpu.memory_space<vmem>>, vector<112x64xf32>
    tpu.vector_store %arg15[%swap3A, %swap3A_372], %add3A_371 {strides = array<i32>} : memref<112x64xf32, #tpu.memory_space<vmem>>, vector<112x64xf32>,
    %eq3A_374 = arith.constant 4 : i32
    %eq3A_375 = arith.cmpi eq, %arg0, %eq3A_374 : i32
    %convert_element_type3A_376 = arith.extui %eq3A_375 : i1 to i32
    %cond3A_377 = arith.constant 0 : i32
    %cond3A_378 = arith.cmpi ne, %convert_element_type3A_376, %cond3A_377 : i32
    scf.if %cond3A_378 {
      %get3A_379 = arith.constant 0 : index
      %get3A_380 = arith.constant 0 : index
      %get3A_381 = vector.load %arg15[%get3A_379, %get3A_380] : memref<112x64xf32, #tpu.memory_space<vmem>>, vector<112x64xf32>
      %get3A_382 = arith.constant 0 : index
      %get3A_383 = arith.constant 0 : index
      %get3A_384 = vector.load %arg5[%get3A_382, %get3A_383] : memref<1x64xf32, #tpu.memory_space<vmem>>, vector<1x64xf32>
      %add3A_385 = vector.broadcast %get3A_384 : vector<1x64xf32> to vector<112x64xf32>
      %add3A_386 = arith.addf %get3A_381, %add3A_385 : vector<112x64xf32>
      %max3A = arith.constant 0.000000e+00 : f32
      %max3A_387 = vector.broadcast %max3A : f32 to vector<112x64xf32>
      %max3A_388 = arith.maximumf %add3A_386, %max3A_387 : vector<112x64xf32>
      %reduce_sum3A = arith.constant dense<0.000000e+00> : vector<64xf32>
      %reduce_sum3A_389 = vector.multi_reduction <add>, %max3A_388, %reduce_sum3A [0] : vector<112x64xf32> to vector<64xf32>
      %broadcast_in_dim3A_390 = vector.shape_cast %reduce_sum3A_389 : vector<64xf32> to vector<1x64xf32>
      %div3A = arith.constant 1.120000e+02 : f32
      %div3A_391 = vector.broadcast %div3A : f32 to vector<1x64xf32>
      %div3A_392 = arith.divf %broadcast_in_dim3A_390, %div3A_391 : vector<1x64xf32>
      %sub3A = vector.broadcast %div3A_392 : vector<1x64xf32> to vector<112x64xf32>
      %sub3A_393 = arith.subf %max3A_388, %sub3A : vector<112x64xf32>
      %integer_pow3A = arith.mulf %sub3A_393, %sub3A_393 : vector<112x64xf32>
      %reduce_sum3A_394 = arith.constant dense<0.000000e+00> : vector<64xf32>
      %reduce_sum3A_395 = vector.multi_reduction <add>, %integer_pow3A, %reduce_sum3A_394 [0] : vector<112x64xf32> to vector<64xf32>
      %broadcast_in_dim3A_396 = vector.shape_cast %reduce_sum3A_395 : vector<64xf32> to vector<1x64xf32>
      %div3A_397 = arith.constant 1.120000e+02 : f32
      %div3A_398 = vector.broadcast %div3A_397 : f32 to vector<1x64xf32>
      %div3A_399 = arith.divf %broadcast_in_dim3A_396, %div3A_398 : vector<1x64xf32>
      %get3A_400 = arith.constant 0 : index
      %get3A_401 = arith.constant 0 : index
      %get3A_402 = vector.load %arg10[%get3A_400, %get3A_401] : memref<1x64xf32, #tpu.memory_space<vmem>>, vector<1x64xf32>
      %sub3A_403 = vector.broadcast %div3A_392 : vector<1x64xf32> to vector<112x64xf32>
      %sub3A_404 = arith.subf %max3A_388, %sub3A_403 : vector<112x64xf32>
      %mul3A = vector.broadcast %get3A_402 : vector<1x64xf32> to vector<112x64xf32>
      %mul3A_405 = arith.mulf %mul3A, %sub3A_404 : vector<112x64xf32>
      %add3A_406 = arith.constant 9.99999974E-6 : f32
      %add3A_407 = vector.broadcast %add3A_406 : f32 to vector<1x64xf32>
      %add3A_408 = arith.addf %div3A_399, %add3A_407 : vector<1x64xf32>
      %sqrt3A = math.sqrt %add3A_408 : vector<1x64xf32>
      %div3A_409 = vector.broadcast %sqrt3A : vector<1x64xf32> to vector<112x64xf32>
      %div3A_410 = arith.divf %mul3A_405, %div3A_409 : vector<112x64xf32>
      %get3A_411 = arith.constant 0 : index
      %get3A_412 = arith.constant 0 : index
      %get3A_413 = vector.load %arg11[%get3A_411, %get3A_412] : memref<1x64xf32, #tpu.memory_space<vmem>>, vector<1x64xf32>
      %add3A_414 = vector.broadcast %get3A_413 : vector<1x64xf32> to vector<112x64xf32>
      %add3A_415 = arith.addf %div3A_410, %add3A_414 : vector<112x64xf32>
      %get3A_416 = arith.constant 0 : index
      %get3A_417 = arith.constant 0 : index
      %get3A_418 = vector.load %arg6[%get3A_416, %get3A_417] : memref<64x16xf32, #tpu.memory_space<vmem>>, vector<64x16xf32>
      %dot_general3A_419 = arith.constant dense<0.000000e+00> : vector<112x16xf32>
      %dot_general3A_420 = tpu.matmul %add3A_415, %get3A_418, %dot_general3A_419 {dimension_numbers = #tpu.dot_dimension_numbers<[1], [0], [0], [1], [0, 0, 1, 1], [], []>, transpose_lhs_hint = false} : vector<112x64xf32>, vector<64x16xf32>, vector<112x16xf32> -> vector<112x16xf32>
      %get3A_421 = arith.constant 0 : index
      %get3A_422 = arith.constant 0 : index
      %get3A_423 = vector.load %arg7[%get3A_421, %get3A_422] : memref<1x16xf32, #tpu.memory_space<vmem>>, vector<1x16xf32>
      %add3A_424 = vector.broadcast %get3A_423 : vector<1x16xf32> to vector<112x16xf32>
      %add3A_425 = arith.addf %dot_general3A_420, %add3A_424 : vector<112x16xf32>
      %max3A_426 = arith.constant 0.000000e+00 : f32
      %max3A_427 = vector.broadcast %max3A_426 : f32 to vector<112x16xf32>
      %max3A_428 = arith.maximumf %add3A_425, %max3A_427 : vector<112x16xf32>
      %reduce_sum3A_429 = arith.constant dense<0.000000e+00> : vector<16xf32>
      %reduce_sum3A_430 = vector.multi_reduction <add>, %max3A_428, %reduce_sum3A_429 [0] : vector<112x16xf32> to vector<16xf32>
      %broadcast_in_dim3A_431 = vector.shape_cast %reduce_sum3A_430 : vector<16xf32> to vector<1x16xf32>
      %div3A_432 = arith.constant 1.120000e+02 : f32
      %div3A_433 = vector.broadcast %div3A_432 : f32 to vector<1x16xf32>
      %div3A_434 = arith.divf %broadcast_in_dim3A_431, %div3A_433 : vector<1x16xf32>
      %sub3A_435 = vector.broadcast %div3A_434 : vector<1x16xf32> to vector<112x16xf32>
      %sub3A_436 = arith.subf %max3A_428, %sub3A_435 : vector<112x16xf32>
      %integer_pow3A_437 = arith.mulf %sub3A_436, %sub3A_436 : vector<112x16xf32>
      %reduce_sum3A_438 = arith.constant dense<0.000000e+00> : vector<16xf32>
      %reduce_sum3A_439 = vector.multi_reduction <add>, %integer_pow3A_437, %reduce_sum3A_438 [0] : vector<112x16xf32> to vector<16xf32>
      %broadcast_in_dim3A_440 = vector.shape_cast %reduce_sum3A_439 : vector<16xf32> to vector<1x16xf32>
      %div3A_441 = arith.constant 1.120000e+02 : f32
      %div3A_442 = vector.broadcast %div3A_441 : f32 to vector<1x16xf32>
      %div3A_443 = arith.divf %broadcast_in_dim3A_440, %div3A_442 : vector<1x16xf32>
      %get3A_444 = arith.constant 0 : index
      %get3A_445 = arith.constant 0 : index
      %get3A_446 = vector.load %arg12[%get3A_444, %get3A_445] : memref<1x16xf32, #tpu.memory_space<vmem>>, vector<1x16xf32>
      %sub3A_447 = vector.broadcast %div3A_434 : vector<1x16xf32> to vector<112x16xf32>
      %sub3A_448 = arith.subf %max3A_428, %sub3A_447 : vector<112x16xf32>
      %mul3A_449 = vector.broadcast %get3A_446 : vector<1x16xf32> to vector<112x16xf32>
      %mul3A_450 = arith.mulf %mul3A_449, %sub3A_448 : vector<112x16xf32>
      %add3A_451 = arith.constant 9.99999974E-6 : f32
      %add3A_452 = vector.broadcast %add3A_451 : f32 to vector<1x16xf32>
      %add3A_453 = arith.addf %div3A_443, %add3A_452 : vector<1x16xf32>
      %sqrt3A_454 = math.sqrt %add3A_453 : vector<1x16xf32>
      %div3A_455 = vector.broadcast %sqrt3A_454 : vector<1x16xf32> to vector<112x16xf32>
      %div3A_456 = arith.divf %mul3A_450, %div3A_455 : vector<112x16xf32>
      %get3A_457 = arith.constant 0 : index
      %get3A_458 = arith.constant 0 : index
      %get3A_459 = vector.load %arg13[%get3A_457, %get3A_458] : memref<1x16xf32, #tpu.memory_space<vmem>>, vector<1x16xf32>
      %add3A_460 = vector.broadcast %get3A_459 : vector<1x16xf32> to vector<112x16xf32>
      %add3A_461 = arith.addf %div3A_456, %add3A_460 : vector<112x16xf32>
      %get3A_462 = arith.constant 0 : index
      %get3A_463 = arith.constant 0 : index
      %get3A_464 = vector.load %arg8[%get3A_462, %get3A_463] : memref<16x2xf32, #tpu.memory_space<vmem>>, vector<16x2xf32>
      %dot_general3A_465 = arith.constant dense<0.000000e+00> : vector<112x2xf32>
      %dot_general3A_466 = tpu.matmul %add3A_461, %get3A_464, %dot_general3A_465 {dimension_numbers = #tpu.dot_dimension_numbers<[1], [0], [0], [1], [0, 0, 1, 1], [], []>, transpose_lhs_hint = false} : vector<112x16xf32>, vector<16x2xf32>, vector<112x2xf32> -> vector<112x2xf32>
      %get3A_467 = arith.constant 0 : index
      %get3A_468 = arith.constant 0 : index
      %get3A_469 = vector.load %arg9[%get3A_467, %get3A_468] : memref<1x2xf32, #tpu.memory_space<vmem>>, vector<1x2xf32>
      %add3A_470 = vector.broadcast %get3A_469 : vector<1x2xf32> to vector<112x2xf32>
      %add3A_471 = arith.addf %dot_general3A_466, %add3A_470 : vector<112x2xf32>
      %reduce_max3A = arith.constant dense<0xFF800000> : vector<112xf32>
      %reduce_max3A_472 = vector.multi_reduction <maximumf>, %add3A_471, %reduce_max3A [1] : vector<112x2xf32> to vector<112xf32>
      %broadcast_in_dim3A_473 = vector.shape_cast %reduce_max3A_472 : vector<112xf32> to vector<112x1xf32>
      %sub3A_474 = vector.broadcast %broadcast_in_dim3A_473 : vector<112x1xf32> to vector<112x2xf32>
      %sub3A_475 = arith.subf %add3A_471, %sub3A_474 : vector<112x2xf32>
      %exp3A = math.exp %sub3A_475 : vector<112x2xf32>
      %reduce_sum3A_476 = arith.constant dense<0.000000e+00> : vector<112xf32>
      %reduce_sum3A_477 = vector.multi_reduction <add>, %exp3A, %reduce_sum3A_476 [1] : vector<112x2xf32> to vector<112xf32>
      %broadcast_in_dim3A_478 = vector.shape_cast %reduce_sum3A_477 : vector<112xf32> to vector<112x1xf32>
      %log3A = math.log %broadcast_in_dim3A_478 : vector<112x1xf32>
      %add3A_479 = arith.addf %broadcast_in_dim3A_473, %log3A : vector<112x1xf32>
      %sub3A_480 = vector.broadcast %add3A_479 : vector<112x1xf32> to vector<112x2xf32>
      %sub3A_481 = arith.subf %add3A_471, %sub3A_480 : vector<112x2xf32>
      %swap3A_482 = arith.constant 0 : index
      %swap3A_483 = arith.constant 0 : index
      %swap3A_484 = vector.load %arg14[%swap3A_482, %swap3A_483] : memref<112x2xf32, #tpu.memory_space<vmem>>, vector<112x2xf32>
      tpu.vector_store %arg14[%swap3A_482, %swap3A_483], %sub3A_481 {strides = array<i32>} : memref<112x2xf32, #tpu.memory_space<vmem>>, vector<112x2xf32>,
    } else {
    }
    return
  }
  func.func @transform_0(%arg0: i32) -> (i32, i32, i32) {
    %c0_i32 = arith.constant 0 : i32
    %c0_i32_0 = arith.constant 0 : i32
    %c0_i32_1 = arith.constant 0 : i32
    return %arg0, %c0_i32, %c0_i32_0 : i32, i32, i32
  }
  func.func @transform_1(%arg0: i32) -> (i32, i32, i32) {
    %c0_i32 = arith.constant 0 : i32
    %c0_i32_0 = arith.constant 0 : i32
    %c0_i32_1 = arith.constant 0 : i32
    return %arg0, %c0_i32, %c0_i32_0 : i32, i32, i32
  }
  func.func @transform_2(%arg0: i32) -> (i32, i32, i32) {
    %c0_i32 = arith.constant 0 : i32
    %c0_i32_0 = arith.constant 0 : i32
    %c0_i32_1 = arith.constant 0 : i32
    return %arg0, %c0_i32, %c0_i32_0 : i32, i32, i32
  }
  func.func @transform_3(%arg0: i32) -> (i32, i32, i32) {
    %add3A = arith.constant 5 : i32
    %add3A_0 = arith.addi %arg0, %add3A : i32
    %c0_i32 = arith.constant 0 : i32
    %c0_i32_1 = arith.constant 0 : i32
    %c0_i32_2 = arith.constant 0 : i32
    return %add3A_0, %c0_i32, %c0_i32_1 : i32, i32, i32
  }
  func.func @transform_4(%arg0: i32) -> (i32, i32) {
    %c0_i32 = arith.constant 0 : i32
    %c0_i32_0 = arith.constant 0 : i32
    %c0_i32_1 = arith.constant 0 : i32
    return %c0_i32, %c0_i32_0 : i32, i32
  }
  func.func @transform_5(%arg0: i32) -> (i32, i32) {
    %c0_i32 = arith.constant 0 : i32
    %c0_i32_0 = arith.constant 0 : i32
    %c0_i32_1 = arith.constant 0 : i32
    return %c0_i32, %c0_i32_0 : i32, i32
  }
  func.func @transform_6(%arg0: i32) -> (i32, i32) {
    %c0_i32 = arith.constant 0 : i32
    %c0_i32_0 = arith.constant 0 : i32
    %c0_i32_1 = arith.constant 0 : i32
    return %c0_i32, %c0_i32_0 : i32, i32
  }
  func.func @transform_7(%arg0: i32) -> (i32, i32) {
    %c0_i32 = arith.constant 0 : i32
    %c0_i32_0 = arith.constant 0 : i32
    %c0_i32_1 = arith.constant 0 : i32
    return %c0_i32, %c0_i32_0 : i32, i32
  }
  func.func @transform_8(%arg0: i32) -> (i32, i32) {
    %c0_i32 = arith.constant 0 : i32
    %c0_i32_0 = arith.constant 0 : i32
    %c0_i32_1 = arith.constant 0 : i32
    return %c0_i32, %c0_i32_0 : i32, i32
  }
  func.func @transform_9(%arg0: i32) -> (i32, i32) {
    %c0_i32 = arith.constant 0 : i32
    %c0_i32_0 = arith.constant 0 : i32
    %c0_i32_1 = arith.constant 0 : i32
    return %c0_i32, %c0_i32_0 : i32, i32
  }
  func.func @transform_10(%arg0: i32) -> (i32, i32) {
    %c0_i32 = arith.constant 0 : i32
    %c0_i32_0 = arith.constant 0 : i32
    %c0_i32_1 = arith.constant 0 : i32
    return %c0_i32, %c0_i32_0 : i32, i32
  }
  func.func @transform_11(%arg0: i32) -> (i32, i32) {
    %c0_i32 = arith.constant 0 : i32
    %c0_i32_0 = arith.constant 0 : i32
    %c0_i32_1 = arith.constant 0 : i32
    return %c0_i32, %c0_i32_0 : i32, i32
  }
  func.func @transform_12(%arg0: i32) -> (i32, i32) {
    %c0_i32 = arith.constant 0 : i32
    %c0_i32_0 = arith.constant 0 : i32
    %c0_i32_1 = arith.constant 0 : i32
    return %c0_i32, %c0_i32_0 : i32, i32
  }
  func.func @transform_13(%arg0: i32) -> (i32, i32) {
    %c0_i32 = arith.constant 0 : i32
    %c0_i32_0 = arith.constant 0 : i32
    %c0_i32_1 = arith.constant 0 : i32
    return %c0_i32, %c0_i32_0 : i32, i32
  }
}

</mosaic_0001>

<sc_bundles>
// kernel: kernel.6.cloned.1.call-start
scs
__scs_entry_jumppad:
0x0: {  	(pc) =	sbr.rel $0x88, $3  }
0x1: {  	(tag) =	ssettag $0x0;
	lr =	simm.s32 $0x1  }
0x2: {  	[smem:$0x3F90] =	sst lr;
	_ =	strace $0xD0000000  }
0x3: {  	_ = 	snop  }
0x4: {  	_ = 	snop  }
0x5: {  	_ = 	snop  }
0x6: {  	_ = 	snop  }
0x7: {  	_ = 	snop  }
__scs_overlays_trampoline_lowered:
0x8: {  	[smem:$0x3F9F] =	sst s0  }
0x9: {  	[smem:$0x3FA0] =	sst s1  }
0xa: {  	[smem:$0x3FA1] =	sst s2  }
0xb: {  	[smem:$0x3FA2] =	sst s3  }
0xc: {  	[smem:$0x3FA3] =	sst s4  }
0xd: {  	[smem:$0x3FA4] =	sst s5  }
0xe: {  	[smem:$0x3FA5] =	sst s6  }
0xf: {  	[smem:$0x3FA6] =	sst s7  }
0x10: {  	[smem:$0x3FA7] =	sst s8  }
0x11: {  	[smem:$0x3FA8] =	sst s9;
	s0 =	simm.s32 @!p0 $0x0  }
0x12: {  	s1 =	sld [smem:$0x3F8E];
	s0 =	simm.s32 @p0 $0x1  }
0x13: {  	[smem:$0x3FA9] =	sst s0;
	s0 =	simm.s32 @!p1 $0x0  }
0x14: {  	s2 =	sld [smem:$0x3F8D];
	s0 =	simm.s32 @p1 $0x1  }
0x15: {  	[smem:$0x3FAA] =	sst s0;
	s0 =	simm.s32 @!p2 $0x0  }
0x16: {  	s3 =	sld [smem:$0x3FDB];
	s0 =	simm.s32 @p2 $0x1  }
0x17: {  	s4 =	simm.s32 $0x1BF5;
	[smem:$0x3FAC] =	sst s0  }
0x18: {  	s0 =	sld [smem:$0x3F8F];
	_ =	swait.ge [sflag:s4], $0x0  }
0x19: {  	s7 =	sld [smem:$0x3F90]  }
0x1a: {  	s8 =	sadd.s32 $0xFFFFE003, lr  }
0x1b: {  	s9 =	sadd.s32 $0xFFFFFEF7, lr;
	s5 =	simm.s32 $0xFFFFFFFF;
	p2 =	slt.u32 s8, $0xFFFFF086  }
0x1c: {  	p1 =	slt.u32 s9, $0xF7A;
	s5 =	simm.s32 @!p2 $0x0  }
0x1d: {  	s5 =	simm.s32 @p1 $0x1;
	p0 =	seq.s32 s7, s2  }
0x1e: {  	s7 =	smul.u32 @!p0 $0xF7A, s2;
	p2 =	seq.s32 @!p0 s5, $0x0  }
0x1f: {  	s9 =	smul.u32 $0xF7A, s1;
	s8 =	simm.s32 @!p0 $0x1BF5;
	p2 =	por !p2, p0  }
0x20: {  	[sflag:s8] =	ssyncset.s32 @!p0 $0xFFFFF086;
	s6 =	sadd.s32 @!p0 s3, s7;
	s7 =	simm.s32 @!p0 $0x108  }
0x21: {  	s3 =	sadd.s32 s3, s9;
	s6 =	sadd.s32 @!p0 $0x88, s6;
	s7 =	simm.s32 @p2 $0x1082  }
0x22: {  	[simem:s7], [sflag:s8] =	dma.local @!p0 [hbm:s6], $0xF7A  }
0x23: {  	s9 =	sor.u32 $0xD0000000, s2;
	s6 =	simm.s32 $0x108;
	_ =	swait.ge @!p0 [sflag:s8], $0x0  }
0x24: {  	s3 =	sadd.s32 $0x88, s3;
	s6 =	simm.s32 @!p1 $0x1082;
	[sflag:s4] =	ssyncset.s32 $0xFFFFF086  }
0x25: {  	[simem:s6], [sflag:s4] =	dma.local [hbm:s3], $0xF7A  }
0x26: {  	[smem:$0x3F90] =	sst s1;
	(tag) =	ssettag s2;
	_ =	strace s9  }
0x27: {  	s1 =	sld [smem:$0x3FA0]  }
0x28: {  	s2 =	sld [smem:$0x3FA1]  }
0x29: {  	s4 =	sld [smem:$0x3FA3]  }
0x2a: {  	p0 =	seq.s32 s5, $0x0;
	s5 =	sld [smem:$0x3FA4]  }
0x2b: {  	s6 =	sld [smem:$0x3FA5]  }
0x2c: {  	s7 =	sld [smem:$0x3FA6]  }
0x2d: {  	s3 =	simm.s32 $0x108;
	s8 =	sld [smem:$0x3FA7]  }
0x2e: {  	s3 =	simm.s32 @!p0 $0x1082;
	s9 =	sld [smem:$0x3FA8]  }
0x2f: {  	lr =	sadd.s32 s0, s3;
	s0 =	sld [smem:$0x3F9F]  }
0x30: {  	s3 =	sld [smem:$0x3FA2]  }
0x31: {  	[smem:$0x3FAB] =	sst s10  }
0x32: {  	s10 =	sld [smem:$0x3FA9];
	_ =	sdelay $0x3  }
0x33: {  	p0 =	seq.s32 s10, $0x1;
	s10 =	sld [smem:$0x3FAB];
	_ =	sdelay $0x3  }
0x34: {  	[smem:$0x3FAB] =	sst s10  }
0x35: {  	s10 =	sld [smem:$0x3FAA];
	_ =	sdelay $0x3  }
0x36: {  	p1 =	seq.s32 s10, $0x1;
	s10 =	sld [smem:$0x3FAB];
	_ =	sdelay $0x3  }
0x37: {  	[smem:$0x3FAB] =	sst s10  }
0x38: {  	s10 =	sld [smem:$0x3FAC]  }
0x39: {  	_ = 	snop;
	(pc) =	sbr.ind lr, $3  }
0x3a: {  	_ = 	snop  }
0x3b: {  	_ = 	snop  }
0x3c: {  	p2 =	seq.s32 s10, $0x1;
	s10 =	sld [smem:$0x3FAB]  }
0x3d: {  	_ =	shalt  }
0x3e: {  	_ =	shalt  }
0x3f: {  	_ =	shalt  }
0x40: {  	_ =	shalt  }
0x41: {  	_ =	shalt  }
0x42: {  	_ =	shalt  }
0x43: {  	_ =	shalt  }
0x44: {  	_ =	shalt  }
0x45: {  	_ =	shalt  }
0x46: {  	_ =	shalt  }
0x47: {  	_ =	shalt  }
0x48: {  	_ =	shalt  }
0x49: {  	_ =	shalt  }
0x4a: {  	_ =	shalt  }
0x4b: {  	_ =	shalt  }
0x4c: {  	_ =	shalt  }
0x4d: {  	_ =	shalt  }
0x4e: {  	_ =	shalt  }
0x4f: {  	_ =	shalt  }
0x50: {  	_ =	shalt  }
0x51: {  	_ =	shalt  }
0x52: {  	_ =	shalt  }
0x53: {  	_ =	shalt  }
0x54: {  	_ =	shalt  }
0x55: {  	_ =	shalt  }
0x56: {  	_ =	shalt  }
0x57: {  	_ =	shalt  }
0x58: {  	_ =	shalt  }
0x59: {  	_ =	shalt  }
0x5a: {  	_ =	shalt  }
0x5b: {  	_ =	shalt  }
0x5c: {  	_ =	shalt  }
0x5d: {  	_ =	shalt  }
0x5e: {  	_ =	shalt  }
0x5f: {  	_ =	shalt  }
0x60: {  	_ =	shalt  }
0x61: {  	_ =	shalt  }
0x62: {  	_ =	shalt  }
0x63: {  	_ =	shalt  }
0x64: {  	_ =	shalt  }
0x65: {  	_ =	shalt  }
0x66: {  	_ =	shalt  }
0x67: {  	_ =	shalt  }
0x68: {  	_ =	shalt  }
0x69: {  	_ =	shalt  }
0x6a: {  	_ =	shalt  }
0x6b: {  	_ =	shalt  }
0x6c: {  	_ =	shalt  }
0x6d: {  	_ =	shalt  }
0x6e: {  	_ =	shalt  }
0x6f: {  	_ =	shalt  }
0x70: {  	_ =	shalt  }
0x71: {  	_ =	shalt  }
0x72: {  	_ =	shalt  }
0x73: {  	_ =	shalt  }
0x74: {  	_ =	shalt  }
0x75: {  	_ =	shalt  }
0x76: {  	_ =	shalt  }
0x77: {  	_ =	shalt  }
0x78: {  	_ =	shalt  }
0x79: {  	_ =	shalt  }
0x7a: {  	_ =	shalt  }
0x7b: {  	_ =	shalt  }
0x7c: {  	_ =	shalt  }
0x7d: {  	_ =	shalt  }
0x7e: {  	_ =	shalt  }
0x7f: {  	_ =	shalt  }
0x80: {  	_ =	shalt  }
0x81: {  	_ =	shalt  }
0x82: {  	_ =	shalt  }
0x83: {  	_ =	shalt  }
0x84: {  	_ =	shalt  }
0x85: {  	_ =	shalt  }
0x86: {  	_ =	shalt  }
0x87: {  	_ =	shalt  }
.Lfunc_end0:
.L_simem_size_0:
called_computation_lowered:
.L_overlay_start_0:
0x88: {  	s2 =	sld [smem:$0x3FD9]  }
0x89: {  	s3 =	sld [smem:$0x3FFE];
	_ =	sdelay $0x1  }
0x8a: {  	s1 =	srdreg.scid  }
0x8b: {  	s0 =	sand.u32 $0x1, s1  }
0x8c: {  	s17 =	sshll.u32 s0, $0xA;
	s2 =	sadd.s32 s3, s2  }
0x8d: {  	s2 =	sadd.s32 s2, s17  }
0x8e: {  	[smem:$0x3FB7] =	sst s2  }
0x8f: {  	_ = 	snop  }
0x90: {  	s2 =	sld [smem:$0x3FC7];
	(tm) =	ssettm $0x1  }
0x91: {  	s18 =	sld [smem:$0x3FFB];
	_ =	sdelay $0x3  }
0x92: {  	_ =	strace s18  }
0x93: {  	s3 =	sld [smem:$0x3FFC];
	_ =	sdelay $0x3  }
0x94: {  	_ =	strace s3  }
0x95: {  	s3 =	sld [smem:$0x3FFD];
	_ =	sdelay $0x3  }
0x96: {  	_ =	strace s3  }
0x97: {  	_ =	strace $0x8FFFFFFF  }
0x98: {  	s19 =	sld [smem:$0x3FDB];
	_ =	sdelay $0x1  }
0x99: {  	s4 =	simm.s32 $_scs_section_size  }
0x9a: {  	s5 =	simm.s32 $_size__tile_overlayer_lowered;
	s6 =	simm.s32 $_tile_overlayer_lowered  }
0x9b: {  	s22 =	simm.s32 $0x1BFF;
	s21 =	sshll.u32 s6, $0x1;
	s3 =	sadd.s32 s4, s19  }
0x9c: {  	s7 =	simm.s32 $0x0;
	s20 =	sshll.u32 s5, $0x1;
	s5 =	sadd.s32 s21, s3  }
0x9d: {  	[timem:s7], [sflag:s22] =	dma.local [hbm:s5], s20  }
0x9e: {  	_ =	swait.ge [sflag:s22], s20  }
0x9f: {  	s4 =	ssub.s32 $0x0, s20;
	[sflag:s22] =	ssyncset.done $0x0  }
0xa0: {  	[sflag:s22] =	ssyncadd.s32 s4;
	_ =	sdelay $0x1  }
0xa1: {  	s23 =	simm.s32 $0x1B8B  }
0xa2: {  	_ =	swait.ge [sflag:s23], $0x1  }
0xa3: {  	[sflag:s23] =	ssyncset.done $0x0  }
0xa4: {  	s25 =	simm.s32 $0x1B8E;
	s24 =	sld [smem:$0x3FFE];
	[sflag:s23] =	ssyncadd.s32 $0xFFFFFFFF  }
0xa5: {  	s26 =	simm.s32 $execute0_lowered;
	[smem:$0x3FD2] =	sst s25  }
0xa6: {  	s5 =	sshll.u32 s26, $0x1;
	_ =	strace $0x80000046;
	[dreg:$0x1] =	wrdreg $0xFFFFFFFF  }
0xa7: {  	s28 =	simm.s32 $_size_execute0_lowered;
	s3 =	sadd.s32 s3, s5;
	[dreg:$0x0] =	wrdreg $0x0  }
0xa8: {  	s5 =	sshll.u32 s28, $0x1;
	[dreg:$0x2] =	wrdreg s3  }
0xa9: {  	[dreg:$0x3] =	wrdreg s5  }
0xaa: {  	[dreg:$0x4] =	wrdreg $0xC0  }
0xab: {  	_ =	task [dreg:s7], $0x5FFFF  }
0xac: {  	[dreg:$0x1] =	wrdreg $0xFFFFFFFF  }
0xad: {  	[dreg:$0x0] =	wrdreg $0x60  }
0xae: {  	[dreg:$0x2] =	wrdreg s24  }
0xaf: {  	[dreg:$0x3] =	wrdreg s2  }
0xb0: {  	[dreg:$0x4] =	wrdreg $0x9  }
0xb1: {  	_ =	task.clear_ibuf [dreg:s7], $0x5FFFF;
	_ =	strace $0x90000046  }
0xb2: {  	s29 =	simm.s32 $0x9;
	_ =	strace $0x80000048  }
0xb3: {  	_ =	swait.ge [sflag:s29], $0x1  }
0xb4: {  	[sflag:s29] =	ssyncadd.s32 $0xFFFFFFFF  }
0xb5: {  	_ =	strace $0x90000048  }
0xb6: {  	_ =	sfence  }
0xb7: {  	s30 =	sld [smem:$0x0];
	_ =	sdelay $0x2  }
0xb8: {  	s31 =	sshll.u32 s1, $0xD;
	s1 =	sshrl.u32 s1, $0x2  }
0xb9: {  	s3 =	sand.u32 $0x4000, s31;
	s1 =	sadd.s32 s1, s30  }
0xba: {  	s0 =	sor.u32 s3, s0;
	s1 =	sshll.u32 s1, $0x11  }
0xbb: {  	s0 =	sor.u32 s1, s0  }
0xbc: {  	s0 =	sadd.s32 $0x8F2B, s0  }
0xbd: {  	[sflag:s0] =	ssyncadd.remote.s32 $0x1  }
0xbe: {  	_ =	sfence.sel $0xFFFF  }
0xbf: {  	[dreg:$0x0] =	wrdreg $0xFFFFFFFF;
	(pc) =	sbr.abs _section_cstart, $3  }
0xc0: {  	[dreg:$0x1] =	wrdreg $0xFFFFFFFF  }
0xc1: {  	_ =	task.clear_ibuf [dreg:s7], $0x2FFFF;
	_ =	strace $0x9FFFFFFF  }
0xc2: {  	(tm) =	ssettm $0x7FFFFFFF  }
0xc3: {  	_ =	shalt  }
tec
execute0_lowered:
.L_overlay_start_1:
0x0: {  	(tag) =	ssettag $0x1  }
0x1: {  	s0 =	rddreg [dreg:$0x0]  }
0x2: {  	s17 =	rddreg [dreg:$0x1]  }
0x3: {  	s2 =	simm.s32 $0x0;
	s3 =	srdreg.scid;
	s1 =	stileid.u32  }
0x4: {  	s30 =	simm.s32 $0x0;
	[smem:$0x7FF] =	sst s2;
	s3 =	sand.u32 $0x1, s3  }
0x5: {  	s4 =	sshll.u32 s1, $0x1;
	s15 =	sadd.s32 $0xD400, s0;
	s6 =	sshrl.u32 s1, $0x2  }
0x6: {  	s16 =	sadd.s32 $0x3600, s0;
	s9 =	sor.u32 s3, s4;
	s6 =	smul.u32 $0x12000, s6  }
0x7: {  	s0 =	sadd.s32 $0x17200, s0;
	p0 =	sgt.u32 s1, $0x7;
	s5 =	smul.u32 $0x168, s9  }
0x8: {  	s3 =	ssub.s32 $0x2, s3;
	s24 =	smul.u32 $0xFFFFDDE6, s9;
	s10 =	sor.u32 $0x20, s9  }
0x9: {  	_ =	strace $0x80000047;
	s20 =	sshrl.u32 s3, $0x1;
	s11 =	smul.u32 $0x168, s10  }
0xa: {  	s7 =	sshll.u32 s9, $0x7;
	s14 =	sor.u32 $0x40, s9;
	s25 =	smul.u32 $0xFFFFDDE6, s10  }
0xb: {  	s19 =	ssub.s32 s3, s20;
	s13 =	sand.u32 $0x380, s7;
	s18 =	smul.u32 $0x168, s14  }
0xc: {  	s21 =	sshrl.u32 s10, $0x3;
	s23 =	sshrl.u32 s14, $0x3;
	s28 =	smul.u32 $0xFFFFDDE6, s14  }
0xd: {  	s20 =	sor.u32 $0x60, s9;
	s3 =	sadd.s32 s15, s5;
	s12 =	smul.u32 $0x12000, s21  }
0xe: {  	s4 =	sadd.s32 s16, s5;
	s6 =	sor.u32 s6, s13;
	s21 =	smul.u32 $0x12000, s23  }
0xf: {  	s5 =	sadd.s32 s17, s5;
	s26 =	sshrl.u32 s20, $0x3;
	s23 =	smul.u32 $0x168, s20  }
0x10: {  	s29 =	smul.u32 $0xFFFFDDE6, s20;
	s19 =	smax.u32 s19, $0x1;
	s20 =	simm.s32 $0x2400  }
0x11: {  	v0 =	vmov s24;
	s24 =	simm.s32 $0x2;
	s6 =	sshrl.u32 s6, $0x3;
	s7 =	sadd.s32 s15, s11  }
0x12: {  	s8 =	sadd.s32 s16, s11;
	s9 =	sadd.s32 s17, s11;
	s11 =	sadd.s32 s15, s18  }
0x13: {  	v1 =	vmov s25;
	s25 =	simm.s32 $0x3;
	v2 =	vmov s28;
	s28 =	simm.s32 $0x400;
	s6 =	sadd.s32 s0, s6  }
0x14: {  	s22 =	sor.u32 s13, s12;
	s12 =	sadd.s32 s16, s18;
	s21 =	sor.u32 s13, s21  }
0x15: {  	s15 =	sadd.s32 s15, s23;
	s10 =	sshrl.u32 s22, $0x3;
	s22 =	smul.u32 $0x12000, s26  }
.Ltmp0:
0x16: {  	s16 =	sadd.s32 s16, s23;
	v3 =	vmov s29;
	s29 =	simm.s32 $0x4;
	(pc) =	sbr.rel .LBB2_1-.Ltmp0, $4  }
0x17: {  	s21 =	sshrl.u32 s21, $0x3;
	s26 =	simm.s32 $0x80;
	s10 =	sadd.s32 s0, s10  }
0x18: {  	s14 =	sadd.s32 s0, s21;
	s21 =	simm.s32 $0x2F80;
	s22 =	sor.u32 s13, s22  }
0x19: {  	s13 =	sadd.s32 s17, s18;
	s17 =	sadd.s32 s17, s23;
	s31 =	sshrl.u32 s22, $0x3  }
0x1a: {  	v4 =	vimm.f32 $0.0e+00;
	s23 =	simm.s32 $0x1;
	s22 =	simm.s32 $0x3B00;
	s18 =	sadd.s32 s0, s31  }
.LBB2_19:
0x1b: {  	s30 =	sadd.s32 $0x1, s30  }
0x1c: {  	p1 =	sne.s32 s30, s19  }
.Ltmp1:
0x1d: {  	_ = 	snop;
	(pc) =	sbr.rel @!p1 .LBB2_20-.Ltmp1, $1  }
0x1e: {  	_ =	sdelay $0x3  }
.LBB2_1:
0x1f: {  	[tilespmem:s20], [sflag:$0x1] =	stream.linear.gather [hbm4b:s3+s2], $0xB40, $0x38;
	[tilespmem:$0x4680] =	vst v63  }
0x20: {  	_ = 	snop  }
0x21: {  	[tilespmem:s21], [sflag:$0x2] =	stream.linear.gather [hbm4b:s4+s2], $0xB40, $0x38;
	[tilespmem:$0x4680] =	vst v63  }
0x22: {  	s31 =	simm.s32 $0x0;
	s0 =	simm.s32 $0x400  }
0x23: {  	[tilespmem:s22], [sflag:$0x3] =	stream.linear.gather [hbm4b:s5+s2], $0xB40, $0x38;
	[tilespmem:$0x4680] =	vst v63  }
.LBB2_2:
0x24: {  	p1 =	sne.s32 s0, $0x8C00;
	[tilespmem:s31+$0xF0] =	vst v4  }
0x25: {  	[tilespmem:s31+$0x0] =	vst v4  }
0x26: {  	[tilespmem:s31+$0x10] =	vst v4  }
0x27: {  	[tilespmem:s31+$0x20] =	vst v4  }
0x28: {  	[tilespmem:s31+$0x30] =	vst v4  }
0x29: {  	[tilespmem:s31+$0x40] =	vst v4  }
0x2a: {  	[tilespmem:s31+$0x50] =	vst v4  }
0x2b: {  	[tilespmem:s31+$0x60] =	vst v4  }
0x2c: {  	[tilespmem:s31+$0x70] =	vst v4  }
0x2d: {  	[tilespmem:s31+$0x80] =	vst v4  }
0x2e: {  	[tilespmem:s31+$0x90] =	vst v4  }
.Ltmp2:
0x2f: {  	[tilespmem:s31+$0xA0] =	vst v4;
	(pc) =	sbr.rel @p1 .LBB2_2-.Ltmp2, $4  }
0x30: {  	[tilespmem:s31+$0xB0] =	vst v4  }
0x31: {  	[tilespmem:s31+$0xC0] =	vst v4  }
0x32: {  	[tilespmem:s31+$0xD0] =	vst v4  }
0x33: {  	[tilespmem:s31+$0xE0] =	vst v4;
	s31 =	sshra.s32 s0, $0x2;
	s0 =	sadd.s32 $0x400, s0  }
0x34: {  	[tilespmem:s31+$0xF0] =	vst v4  }
0x35: {  	[tilespmem:s31+$0x0] =	vst v4  }
0x36: {  	[tilespmem:s31+$0x10] =	vst v4  }
0x37: {  	[tilespmem:s31+$0x20] =	vst v4  }
0x38: {  	[tilespmem:s31+$0x30] =	vst v4  }
0x39: {  	[tilespmem:s31+$0x40] =	vst v4  }
0x3a: {  	[tilespmem:s31+$0x50] =	vst v4  }
0x3b: {  	[tilespmem:s31+$0x60] =	vst v4  }
0x3c: {  	[tilespmem:s31+$0x70] =	vst v4  }
0x3d: {  	[tilespmem:s31+$0x80] =	vst v4  }
0x3e: {  	[tilespmem:s31+$0x90] =	vst v4  }
0x3f: {  	[tilespmem:s31+$0xA0] =	vst v4  }
0x40: {  	[tilespmem:s31+$0xB0] =	vst v4  }
0x41: {  	[tilespmem:s31+$0xC0] =	vst v4  }
0x42: {  	[tilespmem:s31+$0xD0] =	vst v4  }
0x43: {  	[tilespmem:s31+$0xE0] =	vst v4  }
0x44: {  	_ =	swait.ge [sflag:s23], $0xB40  }
0x45: {  	[sflag:s23] =	ssyncset.done $0x0  }
0x46: {  	[sflag:s23] =	ssyncadd.s32 $0xFFFFF4C0  }
0x47: {  	_ =	swait.ge [sflag:s24], $0xB40  }
0x48: {  	[sflag:s24] =	ssyncset.done $0x0  }
0x49: {  	[sflag:s24] =	ssyncadd.s32 $0xFFFFF4C0  }
0x4a: {  	_ =	swait.ge [sflag:s25], $0xB40  }
0x4b: {  	[sflag:s25] =	ssyncset.done $0x0  }
0x4c: {  	s0 =	simm.s32 $0x0;
	[sflag:s25] =	ssyncadd.s32 $0xFFFFF4C0  }
.LBB2_4:
0x4d: {  	s31 =	sshra.s32 s0, $0x2  }
0x4e: {  	v5 =	vld [tilespmem:s31+$0x2F80]  }
0x4f: {  	v6 =	vld [tilespmem:s31+$0x2400];
	_ =	sdelay $0x3  }
0x50: {  	v5 =	vmul.u32 $0x60, v5  }
0x51: {  	v6 =	vadd.s32 v0, v6  }
0x52: {  	v7 =	vld [tilespmem:s31+$0x3B00];
	v5 =	vadd.s32 v5, v6;
	_ =	sdelay $0x4  }
0x53: {  	[tilespmem:v5+s2+$0x0] =	vst.idx.add.f32.msk $0xffff, v7  }
0x54: {  	v5 =	vld [tilespmem:s31+$0x2F90]  }
0x55: {  	v6 =	vld [tilespmem:s31+$0x2410];
	_ =	sdelay $0x3  }
0x56: {  	v5 =	vmul.u32 $0x60, v5  }
0x57: {  	v6 =	vadd.s32 v0, v6  }
0x58: {  	v7 =	vld [tilespmem:s31+$0x3B10];
	v5 =	vadd.s32 v5, v6;
	_ =	sdelay $0x4  }
0x59: {  	[tilespmem:v5+s2+$0x0] =	vst.idx.add.f32.msk $0xffff, v7  }
0x5a: {  	v5 =	vld [tilespmem:s31+$0x2FA0]  }
0x5b: {  	v6 =	vld [tilespmem:s31+$0x2420];
	_ =	sdelay $0x3  }
0x5c: {  	v5 =	vmul.u32 $0x60, v5  }
0x5d: {  	v6 =	vadd.s32 v0, v6  }
0x5e: {  	v7 =	vld [tilespmem:s31+$0x3B20];
	v5 =	vadd.s32 v5, v6;
	_ =	sdelay $0x4  }
0x5f: {  	[tilespmem:v5+s2+$0x0] =	vst.idx.add.f32.msk $0xffff, v7  }
0x60: {  	v5 =	vld [tilespmem:s31+$0x2FB0]  }
0x61: {  	v6 =	vld [tilespmem:s31+$0x2430];
	_ =	sdelay $0x3  }
0x62: {  	v5 =	vmul.u32 $0x60, v5  }
0x63: {  	v6 =	vadd.s32 v0, v6  }
0x64: {  	p1 =	sne.s32 s0, $0x2C00;
	v7 =	vld [tilespmem:s31+$0x3B30];
	v5 =	vadd.s32 v5, v6  }
.Ltmp3:
0x65: {  	_ = 	snop;
	(pc) =	sbr.rel @p1 .LBB2_4-.Ltmp3, $2  }
0x66: {  	_ =	sdelay $0x2  }
0x67: {  	s0 =	sadd.s32 $0x100, s0;
	[tilespmem:v5+s2+$0x0] =	vst.idx.add.f32.msk $0xffff, v7  }
0x68: {  	s0 =	simm.s32 $0x0  }
0x69: {  	[hbm4b:s6+s26] =	stream.strided.scatter [tilespmem:s0], [sflag:$0x4], $0x2400, s28, s26, $0x38;
	[tilespmem:$0x4680] =	vst v63  }
0x6a: {  	_ =	swait.ge [sflag:s29], $0x2400  }
0x6b: {  	[sflag:s29] =	ssyncset.done $0x0  }
0x6c: {  	[sflag:s29] =	ssyncadd.s32 $0xFFFFDC00  }
0x6d: {  	[tilespmem:s20], [sflag:$0x1] =	stream.linear.gather [hbm4b:s7+s0], $0xB40, $0x38;
	[tilespmem:$0x4680] =	vst v63  }
0x6e: {  	_ = 	snop  }
0x6f: {  	[tilespmem:s21], [sflag:$0x2] =	stream.linear.gather [hbm4b:s8+s0], $0xB40, $0x38;
	[tilespmem:$0x4680] =	vst v63  }
0x70: {  	_ = 	snop  }
0x71: {  	[tilespmem:s22], [sflag:$0x3] =	stream.linear.gather [hbm4b:s9+s0], $0xB40, $0x38;
	[tilespmem:$0x4680] =	vst v63  }
0x72: {  	s31 =	simm.s32 $0x0;
	s0 =	simm.s32 $0x400  }
.LBB2_6:
0x73: {  	p1 =	sne.s32 s0, $0x8C00;
	[tilespmem:s31+$0xF0] =	vst v4  }
0x74: {  	[tilespmem:s31+$0x0] =	vst v4  }
0x75: {  	[tilespmem:s31+$0x10] =	vst v4  }
0x76: {  	[tilespmem:s31+$0x20] =	vst v4  }
0x77: {  	[tilespmem:s31+$0x30] =	vst v4  }
0x78: {  	[tilespmem:s31+$0x40] =	vst v4  }
0x79: {  	[tilespmem:s31+$0x50] =	vst v4  }
0x7a: {  	[tilespmem:s31+$0x60] =	vst v4  }
0x7b: {  	[tilespmem:s31+$0x70] =	vst v4  }
0x7c: {  	[tilespmem:s31+$0x80] =	vst v4  }
0x7d: {  	[tilespmem:s31+$0x90] =	vst v4  }
.Ltmp4:
0x7e: {  	[tilespmem:s31+$0xA0] =	vst v4;
	(pc) =	sbr.rel @p1 .LBB2_6-.Ltmp4, $4  }
0x7f: {  	[tilespmem:s31+$0xB0] =	vst v4  }
0x80: {  	[tilespmem:s31+$0xC0] =	vst v4  }
0x81: {  	[tilespmem:s31+$0xD0] =	vst v4  }
0x82: {  	[tilespmem:s31+$0xE0] =	vst v4;
	s31 =	sshra.s32 s0, $0x2;
	s0 =	sadd.s32 $0x400, s0  }
0x83: {  	[tilespmem:s31+$0xF0] =	vst v4  }
0x84: {  	[tilespmem:s31+$0x0] =	vst v4  }
0x85: {  	[tilespmem:s31+$0x10] =	vst v4  }
0x86: {  	[tilespmem:s31+$0x20] =	vst v4  }
0x87: {  	[tilespmem:s31+$0x30] =	vst v4  }
0x88: {  	[tilespmem:s31+$0x40] =	vst v4  }
0x89: {  	[tilespmem:s31+$0x50] =	vst v4  }
0x8a: {  	[tilespmem:s31+$0x60] =	vst v4  }
0x8b: {  	[tilespmem:s31+$0x70] =	vst v4  }
0x8c: {  	[tilespmem:s31+$0x80] =	vst v4  }
0x8d: {  	[tilespmem:s31+$0x90] =	vst v4  }
0x8e: {  	[tilespmem:s31+$0xA0] =	vst v4  }
0x8f: {  	[tilespmem:s31+$0xB0] =	vst v4  }
0x90: {  	[tilespmem:s31+$0xC0] =	vst v4  }
0x91: {  	[tilespmem:s31+$0xD0] =	vst v4  }
0x92: {  	[tilespmem:s31+$0xE0] =	vst v4  }
0x93: {  	_ =	swait.ge [sflag:s23], $0xB40  }
0x94: {  	[sflag:s23] =	ssyncset.done $0x0  }
0x95: {  	[sflag:s23] =	ssyncadd.s32 $0xFFFFF4C0  }
0x96: {  	_ =	swait.ge [sflag:s24], $0xB40  }
0x97: {  	[sflag:s24] =	ssyncset.done $0x0  }
0x98: {  	[sflag:s24] =	ssyncadd.s32 $0xFFFFF4C0  }
0x99: {  	_ =	swait.ge [sflag:s25], $0xB40  }
0x9a: {  	[sflag:s25] =	ssyncset.done $0x0  }
0x9b: {  	s0 =	simm.s32 $0x0;
	[sflag:s25] =	ssyncadd.s32 $0xFFFFF4C0  }
.LBB2_8:
0x9c: {  	s31 =	sshra.s32 s0, $0x2  }
0x9d: {  	v5 =	vld [tilespmem:s31+$0x2F80]  }
0x9e: {  	v6 =	vld [tilespmem:s31+$0x2400];
	_ =	sdelay $0x3  }
0x9f: {  	v5 =	vmul.u32 $0x60, v5  }
0xa0: {  	v6 =	vadd.s32 v1, v6  }
0xa1: {  	v7 =	vld [tilespmem:s31+$0x3B00];
	v5 =	vadd.s32 v5, v6;
	_ =	sdelay $0x4  }
0xa2: {  	[tilespmem:v5+s2+$0x0] =	vst.idx.add.f32.msk $0xffff, v7  }
0xa3: {  	v5 =	vld [tilespmem:s31+$0x2F90]  }
0xa4: {  	v6 =	vld [tilespmem:s31+$0x2410];
	_ =	sdelay $0x3  }
0xa5: {  	v5 =	vmul.u32 $0x60, v5  }
0xa6: {  	v6 =	vadd.s32 v1, v6  }
0xa7: {  	v7 =	vld [tilespmem:s31+$0x3B10];
	v5 =	vadd.s32 v5, v6;
	_ =	sdelay $0x4  }
0xa8: {  	[tilespmem:v5+s2+$0x0] =	vst.idx.add.f32.msk $0xffff, v7  }
0xa9: {  	v5 =	vld [tilespmem:s31+$0x2FA0]  }
0xaa: {  	v6 =	vld [tilespmem:s31+$0x2420];
	_ =	sdelay $0x3  }
0xab: {  	v5 =	vmul.u32 $0x60, v5  }
0xac: {  	v6 =	vadd.s32 v1, v6  }
0xad: {  	v7 =	vld [tilespmem:s31+$0x3B20];
	v5 =	vadd.s32 v5, v6;
	_ =	sdelay $0x4  }
0xae: {  	[tilespmem:v5+s2+$0x0] =	vst.idx.add.f32.msk $0xffff, v7  }
0xaf: {  	v5 =	vld [tilespmem:s31+$0x2FB0]  }
0xb0: {  	v6 =	vld [tilespmem:s31+$0x2430];
	_ =	sdelay $0x3  }
0xb1: {  	v5 =	vmul.u32 $0x60, v5  }
0xb2: {  	v6 =	vadd.s32 v1, v6  }
0xb3: {  	p1 =	sne.s32 s0, $0x2C00;
	v7 =	vld [tilespmem:s31+$0x3B30];
	v5 =	vadd.s32 v5, v6  }
.Ltmp5:
0xb4: {  	_ = 	snop;
	(pc) =	sbr.rel @p1 .LBB2_8-.Ltmp5, $2  }
0xb5: {  	_ =	sdelay $0x2  }
0xb6: {  	s0 =	sadd.s32 $0x100, s0;
	[tilespmem:v5+s2+$0x0] =	vst.idx.add.f32.msk $0xffff, v7  }
0xb7: {  	s0 =	simm.s32 $0x0  }
0xb8: {  	[hbm4b:s10+s26] =	stream.strided.scatter [tilespmem:s0], [sflag:$0x4], $0x2400, s28, s26, $0x38;
	[tilespmem:$0x4680] =	vst v63  }
0xb9: {  	_ =	swait.ge [sflag:s29], $0x2400  }
0xba: {  	[sflag:s29] =	ssyncset.done $0x0  }
0xbb: {  	[sflag:s29] =	ssyncadd.s32 $0xFFFFDC00  }
0xbc: {  	[tilespmem:s20], [sflag:$0x1] =	stream.linear.gather [hbm4b:s11+s0], $0xB40, $0x38;
	[tilespmem:$0x4680] =	vst v63  }
0xbd: {  	_ = 	snop  }
0xbe: {  	[tilespmem:s21], [sflag:$0x2] =	stream.linear.gather [hbm4b:s12+s0], $0xB40, $0x38;
	[tilespmem:$0x4680] =	vst v63  }
0xbf: {  	_ = 	snop  }
0xc0: {  	[tilespmem:s22], [sflag:$0x3] =	stream.linear.gather [hbm4b:s13+s0], $0xB40, $0x38;
	[tilespmem:$0x4680] =	vst v63  }
0xc1: {  	s31 =	simm.s32 $0x0;
	s0 =	simm.s32 $0x400  }
.LBB2_10:
0xc2: {  	p1 =	sne.s32 s0, $0x8C00;
	[tilespmem:s31+$0xF0] =	vst v4  }
0xc3: {  	[tilespmem:s31+$0x0] =	vst v4  }
0xc4: {  	[tilespmem:s31+$0x10] =	vst v4  }
0xc5: {  	[tilespmem:s31+$0x20] =	vst v4  }
0xc6: {  	[tilespmem:s31+$0x30] =	vst v4  }
0xc7: {  	[tilespmem:s31+$0x40] =	vst v4  }
0xc8: {  	[tilespmem:s31+$0x50] =	vst v4  }
0xc9: {  	[tilespmem:s31+$0x60] =	vst v4  }
0xca: {  	[tilespmem:s31+$0x70] =	vst v4  }
0xcb: {  	[tilespmem:s31+$0x80] =	vst v4  }
0xcc: {  	[tilespmem:s31+$0x90] =	vst v4  }
.Ltmp6:
0xcd: {  	[tilespmem:s31+$0xA0] =	vst v4;
	(pc) =	sbr.rel @p1 .LBB2_10-.Ltmp6, $4  }
0xce: {  	[tilespmem:s31+$0xB0] =	vst v4  }
0xcf: {  	[tilespmem:s31+$0xC0] =	vst v4  }
0xd0: {  	[tilespmem:s31+$0xD0] =	vst v4  }
0xd1: {  	[tilespmem:s31+$0xE0] =	vst v4;
	s31 =	sshra.s32 s0, $0x2;
	s0 =	sadd.s32 $0x400, s0  }
0xd2: {  	[tilespmem:s31+$0xF0] =	vst v4  }
0xd3: {  	[tilespmem:s31+$0x0] =	vst v4  }
0xd4: {  	[tilespmem:s31+$0x10] =	vst v4  }
0xd5: {  	[tilespmem:s31+$0x20] =	vst v4  }
0xd6: {  	[tilespmem:s31+$0x30] =	vst v4  }
0xd7: {  	[tilespmem:s31+$0x40] =	vst v4  }
0xd8: {  	[tilespmem:s31+$0x50] =	vst v4  }
0xd9: {  	[tilespmem:s31+$0x60] =	vst v4  }
0xda: {  	[tilespmem:s31+$0x70] =	vst v4  }
0xdb: {  	[tilespmem:s31+$0x80] =	vst v4  }
0xdc: {  	[tilespmem:s31+$0x90] =	vst v4  }
0xdd: {  	[tilespmem:s31+$0xA0] =	vst v4  }
0xde: {  	[tilespmem:s31+$0xB0] =	vst v4  }
0xdf: {  	[tilespmem:s31+$0xC0] =	vst v4  }
0xe0: {  	[tilespmem:s31+$0xD0] =	vst v4  }
0xe1: {  	[tilespmem:s31+$0xE0] =	vst v4  }
0xe2: {  	_ =	swait.ge [sflag:s23], $0xB40  }
0xe3: {  	[sflag:s23] =	ssyncset.done $0x0  }
0xe4: {  	[sflag:s23] =	ssyncadd.s32 $0xFFFFF4C0  }
0xe5: {  	_ =	swait.ge [sflag:s24], $0xB40  }
0xe6: {  	[sflag:s24] =	ssyncset.done $0x0  }
0xe7: {  	[sflag:s24] =	ssyncadd.s32 $0xFFFFF4C0  }
0xe8: {  	_ =	swait.ge [sflag:s25], $0xB40  }
0xe9: {  	[sflag:s25] =	ssyncset.done $0x0  }
0xea: {  	s0 =	simm.s32 $0x0;
	[sflag:s25] =	ssyncadd.s32 $0xFFFFF4C0  }
.LBB2_12:
0xeb: {  	s31 =	sshra.s32 s0, $0x2  }
0xec: {  	v5 =	vld [tilespmem:s31+$0x2F80]  }
0xed: {  	v6 =	vld [tilespmem:s31+$0x2400];
	_ =	sdelay $0x3  }
0xee: {  	v5 =	vmul.u32 $0x60, v5  }
0xef: {  	v6 =	vadd.s32 v2, v6  }
0xf0: {  	v7 =	vld [tilespmem:s31+$0x3B00];
	v5 =	vadd.s32 v5, v6;
	_ =	sdelay $0x4  }
0xf1: {  	[tilespmem:v5+s2+$0x0] =	vst.idx.add.f32.msk $0xffff, v7  }
0xf2: {  	v5 =	vld [tilespmem:s31+$0x2F90]  }
0xf3: {  	v6 =	vld [tilespmem:s31+$0x2410];
	_ =	sdelay $0x3  }
0xf4: {  	v5 =	vmul.u32 $0x60, v5  }
0xf5: {  	v6 =	vadd.s32 v2, v6  }
0xf6: {  	v7 =	vld [tilespmem:s31+$0x3B10];
	v5 =	vadd.s32 v5, v6;
	_ =	sdelay $0x4  }
0xf7: {  	[tilespmem:v5+s2+$0x0] =	vst.idx.add.f32.msk $0xffff, v7  }
0xf8: {  	v5 =	vld [tilespmem:s31+$0x2FA0]  }
0xf9: {  	v6 =	vld [tilespmem:s31+$0x2420];
	_ =	sdelay $0x3  }
0xfa: {  	v5 =	vmul.u32 $0x60, v5  }
0xfb: {  	v6 =	vadd.s32 v2, v6  }
0xfc: {  	v7 =	vld [tilespmem:s31+$0x3B20];
	v5 =	vadd.s32 v5, v6;
	_ =	sdelay $0x4  }
0xfd: {  	[tilespmem:v5+s2+$0x0] =	vst.idx.add.f32.msk $0xffff, v7  }
0xfe: {  	v5 =	vld [tilespmem:s31+$0x2FB0]  }
0xff: {  	v6 =	vld [tilespmem:s31+$0x2430];
	_ =	sdelay $0x3  }
0x100: {  	v5 =	vmul.u32 $0x60, v5  }
0x101: {  	v6 =	vadd.s32 v2, v6  }
0x102: {  	p1 =	sne.s32 s0, $0x2C00;
	v7 =	vld [tilespmem:s31+$0x3B30];
	v5 =	vadd.s32 v5, v6  }
.Ltmp7:
0x103: {  	_ = 	snop;
	(pc) =	sbr.rel @p1 .LBB2_12-.Ltmp7, $2  }
0x104: {  	_ =	sdelay $0x2  }
0x105: {  	s0 =	sadd.s32 $0x100, s0;
	[tilespmem:v5+s2+$0x0] =	vst.idx.add.f32.msk $0xffff, v7  }
.Ltmp8:
0x106: {  	(pc) =	sbr.rel @p0 .LBB2_19-.Ltmp8, $4  }
0x107: {  	[hbm4b:s14+s26] =	stream.strided.scatter [tilespmem:s2], [sflag:$0x4], $0x2400, s28, s26, $0x38;
	[tilespmem:$0x4680] =	vst v63  }
0x108: {  	_ =	swait.ge [sflag:s29], $0x2400  }
0x109: {  	[sflag:s29] =	ssyncset.done $0x0  }
0x10a: {  	[sflag:s29] =	ssyncadd.s32 $0xFFFFDC00  }
0x10b: {  	s0 =	simm.s32 $0x0  }
0x10c: {  	[tilespmem:s20], [sflag:$0x1] =	stream.linear.gather [hbm4b:s15+s0], $0xB40, $0x38;
	[tilespmem:$0x4680] =	vst v63  }
0x10d: {  	_ = 	snop  }
0x10e: {  	[tilespmem:s21], [sflag:$0x2] =	stream.linear.gather [hbm4b:s16+s0], $0xB40, $0x38;
	[tilespmem:$0x4680] =	vst v63  }
0x10f: {  	_ = 	snop  }
0x110: {  	[tilespmem:s22], [sflag:$0x3] =	stream.linear.gather [hbm4b:s17+s0], $0xB40, $0x38;
	[tilespmem:$0x4680] =	vst v63  }
0x111: {  	s31 =	simm.s32 $0x0;
	s0 =	simm.s32 $0x400  }
.LBB2_15:
0x112: {  	p1 =	sne.s32 s0, $0x8C00;
	[tilespmem:s31+$0xF0] =	vst v4  }
0x113: {  	[tilespmem:s31+$0x0] =	vst v4  }
0x114: {  	[tilespmem:s31+$0x10] =	vst v4  }
0x115: {  	[tilespmem:s31+$0x20] =	vst v4  }
0x116: {  	[tilespmem:s31+$0x30] =	vst v4  }
0x117: {  	[tilespmem:s31+$0x40] =	vst v4  }
0x118: {  	[tilespmem:s31+$0x50] =	vst v4  }
0x119: {  	[tilespmem:s31+$0x60] =	vst v4  }
0x11a: {  	[tilespmem:s31+$0x70] =	vst v4  }
0x11b: {  	[tilespmem:s31+$0x80] =	vst v4  }
0x11c: {  	[tilespmem:s31+$0x90] =	vst v4  }
.Ltmp9:
0x11d: {  	[tilespmem:s31+$0xA0] =	vst v4;
	(pc) =	sbr.rel @p1 .LBB2_15-.Ltmp9, $4  }
0x11e: {  	[tilespmem:s31+$0xB0] =	vst v4  }
0x11f: {  	[tilespmem:s31+$0xC0] =	vst v4  }
0x120: {  	[tilespmem:s31+$0xD0] =	vst v4  }
0x121: {  	[tilespmem:s31+$0xE0] =	vst v4;
	s31 =	sshra.s32 s0, $0x2;
	s0 =	sadd.s32 $0x400, s0  }
0x122: {  	[tilespmem:s31+$0xF0] =	vst v4  }
0x123: {  	[tilespmem:s31+$0x0] =	vst v4  }
0x124: {  	[tilespmem:s31+$0x10] =	vst v4  }
0x125: {  	[tilespmem:s31+$0x20] =	vst v4  }
0x126: {  	[tilespmem:s31+$0x30] =	vst v4  }
0x127: {  	[tilespmem:s31+$0x40] =	vst v4  }
0x128: {  	[tilespmem:s31+$0x50] =	vst v4  }
0x129: {  	[tilespmem:s31+$0x60] =	vst v4  }
0x12a: {  	[tilespmem:s31+$0x70] =	vst v4  }
0x12b: {  	[tilespmem:s31+$0x80] =	vst v4  }
0x12c: {  	[tilespmem:s31+$0x90] =	vst v4  }
0x12d: {  	[tilespmem:s31+$0xA0] =	vst v4  }
0x12e: {  	[tilespmem:s31+$0xB0] =	vst v4  }
0x12f: {  	[tilespmem:s31+$0xC0] =	vst v4  }
0x130: {  	[tilespmem:s31+$0xD0] =	vst v4  }
0x131: {  	[tilespmem:s31+$0xE0] =	vst v4  }
0x132: {  	_ =	swait.ge [sflag:s23], $0xB40  }
0x133: {  	[sflag:s23] =	ssyncset.done $0x0  }
0x134: {  	[sflag:s23] =	ssyncadd.s32 $0xFFFFF4C0  }
0x135: {  	_ =	swait.ge [sflag:s24], $0xB40  }
0x136: {  	[sflag:s24] =	ssyncset.done $0x0  }
0x137: {  	[sflag:s24] =	ssyncadd.s32 $0xFFFFF4C0  }
0x138: {  	_ =	swait.ge [sflag:s25], $0xB40  }
0x139: {  	[sflag:s25] =	ssyncset.done $0x0  }
0x13a: {  	s0 =	simm.s32 $0x0;
	[sflag:s25] =	ssyncadd.s32 $0xFFFFF4C0  }
.LBB2_17:
0x13b: {  	s31 =	sshra.s32 s0, $0x2  }
0x13c: {  	v5 =	vld [tilespmem:s31+$0x2F80]  }
0x13d: {  	v6 =	vld [tilespmem:s31+$0x2400];
	_ =	sdelay $0x3  }
0x13e: {  	v5 =	vmul.u32 $0x60, v5  }
0x13f: {  	v6 =	vadd.s32 v3, v6  }
0x140: {  	v7 =	vld [tilespmem:s31+$0x3B00];
	v5 =	vadd.s32 v5, v6;
	_ =	sdelay $0x4  }
0x141: {  	[tilespmem:v5+s2+$0x0] =	vst.idx.add.f32.msk $0xffff, v7  }
0x142: {  	v5 =	vld [tilespmem:s31+$0x2F90]  }
0x143: {  	v6 =	vld [tilespmem:s31+$0x2410];
	_ =	sdelay $0x3  }
0x144: {  	v5 =	vmul.u32 $0x60, v5  }
0x145: {  	v6 =	vadd.s32 v3, v6  }
0x146: {  	v7 =	vld [tilespmem:s31+$0x3B10];
	v5 =	vadd.s32 v5, v6;
	_ =	sdelay $0x4  }
0x147: {  	[tilespmem:v5+s2+$0x0] =	vst.idx.add.f32.msk $0xffff, v7  }
0x148: {  	v5 =	vld [tilespmem:s31+$0x2FA0]  }
0x149: {  	v6 =	vld [tilespmem:s31+$0x2420];
	_ =	sdelay $0x3  }
0x14a: {  	v5 =	vmul.u32 $0x60, v5  }
0x14b: {  	v6 =	vadd.s32 v3, v6  }
0x14c: {  	v7 =	vld [tilespmem:s31+$0x3B20];
	v5 =	vadd.s32 v5, v6;
	_ =	sdelay $0x4  }
0x14d: {  	[tilespmem:v5+s2+$0x0] =	vst.idx.add.f32.msk $0xffff, v7  }
0x14e: {  	v5 =	vld [tilespmem:s31+$0x2FB0]  }
0x14f: {  	v6 =	vld [tilespmem:s31+$0x2430];
	_ =	sdelay $0x3  }
0x150: {  	v5 =	vmul.u32 $0x60, v5  }
0x151: {  	v6 =	vadd.s32 v3, v6  }
0x152: {  	p1 =	sne.s32 s0, $0x2C00;
	v7 =	vld [tilespmem:s31+$0x3B30];
	v5 =	vadd.s32 v5, v6  }
.Ltmp10:
0x153: {  	_ = 	snop;
	(pc) =	sbr.rel @p1 .LBB2_17-.Ltmp10, $2  }
0x154: {  	_ =	sdelay $0x2  }
0x155: {  	s0 =	sadd.s32 $0x100, s0;
	[tilespmem:v5+s2+$0x0] =	vst.idx.add.f32.msk $0xffff, v7  }
.Ltmp11:
0x156: {  	(pc) =	sbr.rel .LBB2_19-.Ltmp11, $4  }
0x157: {  	[hbm4b:s18+s26] =	stream.strided.scatter [tilespmem:s2], [sflag:$0x4], $0x2400, s28, s26, $0x38;
	[tilespmem:$0x4680] =	vst v63  }
0x158: {  	_ =	swait.ge [sflag:s29], $0x2400  }
0x159: {  	[sflag:s29] =	ssyncset.done $0x0  }
0x15a: {  	[sflag:s29] =	ssyncadd.s32 $0xFFFFDC00  }
.LBB2_20:
0x15b: {  	_ =	sfence.sel $0x180000  }
0x15c: {  	[bflag:$0x0] =	sbarrier.arrive $0xFFFF  }
0x15d: {  	_ =	strace $0x90000047  }
0x15e: {  	[bflag:$0x2] =	sbarrier.arrive $0xFFFF  }
0x15f: {  	p0 =	sne.s32 s1, $0x0;
	s0 =	rddreg [dreg:$0x2]  }
0x160: {  	s0 =	sadd.s32 @!p0 $0x100000, s0  }
0x161: {  	[sflag:s0] =	ssyncadd.tile.s32 @!p0 $0x1;
	_ =	shalt  }
.Lfunc_end2:
_tile_overlayer_lowered:
.L_overlay_start_2:
0x162: {  	(tag) =	ssettag $0x2  }
0x163: {  	s0 =	rddreg [dreg:$0x0];
	s2 =	stileid.u32  }
0x164: {  	s1 =	rddreg [dreg:$0x1];
	p0 =	sne.s32 s2, $0x0  }
0x165: {  	s3 =	rddreg [dreg:$0x2];
	[bflag:$0x3] =	sbarrier.arrive $0xFFFF;
	s2 =	simm.s32 @!p0 $0x1C04  }
0x166: {  	[timem:s3], [sflag:s2] =	dma.local @!p0 [hbm:s0], s1  }
0x167: {  	s0 =	simm.s32 @!p0 $0x4  }
0x168: {  	_ =	swait.ge @!p0 [sflag:s0], s1  }
0x169: {  	s1 =	ssub.s32 @!p0 $0x0, s1;
	[sflag:s0] =	ssyncset.done @!p0 $0x0  }
0x16a: {  	[sflag:s0] =	ssyncadd.s32 @!p0 s1  }
0x16b: {  	[bflag:$0x3] =	sbarrier.arrive $0xFFFF  }
0x16c: {  	_ =	shalt  }

</sc_bundles>
